<compile_context>
chip_gen: v7x
topology: tpu7x:2x2x1
jax: 0.10.2.dev20260603
libtpu: 0.0.44.dev20260713+nightly
codegen_flags: <defaults>
</compile_context>

<pallas_src>
import jax
import jax.numpy as jnp
from jax import lax
from jax.experimental import pallas as pl
from jax.experimental.pallas import tpu as pltpu
from jax.experimental.pallas import tpu_sc as plsc

SCORE_THR = 0.2
IOU_THR = 0.7
TOPK = 10
N_BOXES = 5000
LANES = 16
NBLK = 20
ROWS = NBLK * LANES
PAD = ROWS * LANES
NROUND = 20
NVISIT = 256
NEG = -jnp.inf
BIG = 2**30


def _nms_body(scores_h, box_h, out_h, s_v, tmp_v, bm_v, out_v, kept_v,
              st):
    cid = lax.axis_index("c")
    sid = lax.axis_index("s")

    lanes = lax.iota(jnp.int32, LANES)

    def _shuf(v, d):
        return v.at[lanes ^ d].get(mode="promise_in_bounds")

    def _allmax(v):
        for d in (1, 2, 4, 8):
            v = jnp.maximum(v, _shuf(v, d))
        return v

    def _allmin(v):
        for d in (1, 2, 4, 8):
            v = jnp.minimum(v, _shuf(v, d))
        return v

    def _splat_lane(v, lm):
        return _allmax(jnp.where(lm, v, NEG))

    def _blockmax(b):
        m = s_v[b * LANES, :]
        for j in range(1, LANES):
            m = jnp.maximum(m, s_v[b * LANES + j, :])
        return m

    @pl.when((cid == 0) & (sid == 0))
    def _():
        pltpu.sync_copy(scores_h, s_v)
        z16 = jnp.zeros((LANES,), jnp.float32)
        for r in range(16):
            out_v[r, :] = z16
        for r in range(6):
            kept_v[r, :] = z16
        zi16 = jnp.zeros((LANES,), jnp.int32)
        st[0, :] = zi16
        st[1, :] = zi16

        def build(b, carry):
            bm_v[b, :] = _blockmax(b)
            return carry

        lax.fori_loop(0, NBLK, build, jnp.int32(0))

        zero = jnp.float32(0.0)

        def visit(_, carry):
            @pl.when(st[0, :][0] == 0)
            def _():
                def scan_blk(b, mc):
                    cmv, cbv = mc
                    v = bm_v[b, :]
                    upd = v > cmv
                    return (jnp.where(upd, v, cmv),
                            jnp.where(upd, b, cbv))

                cmv, cbv = lax.fori_loop(
                    0, NBLK, scan_blk,
                    (jnp.full((LANES,), NEG, jnp.float32),
                     jnp.zeros((LANES,), jnp.int32)), unroll=5)
                mxv = _allmax(cmv)
                b0 = _allmin(jnp.where(cmv == mxv, cbv, jnp.int32(BIG)))[0]

                m16 = jnp.full((LANES,), NEG, jnp.float32)
                i16 = jnp.zeros((LANES,), jnp.int32)
                for j in range(LANES):
                    rj = b0 * LANES + j
                    v = s_v[rj, :]
                    upd = v > m16
                    m16 = jnp.where(upd, v, m16)
                    i16 = jnp.where(upd, rj * LANES + lanes, i16)
                idx = _allmin(jnp.where(m16 == mxv, i16, jnp.int32(BIG)))[0]

                r = lax.shift_right_logical(idx, 4)
                lm = lanes == (idx & (LANES - 1))

                s_v[r, :] = jnp.where(lm, NEG, s_v[r, :])
                pltpu.sync_copy(box_h.at[r], tmp_v)
                bm_v[b0, :] = _blockmax(b0)
                bx1 = _splat_lane(tmp_v[0, :], lm)
                by1 = _splat_lane(tmp_v[1, :], lm)
                bx2 = _splat_lane(tmp_v[2, :], lm)
                by2 = _splat_lane(tmp_v[3, :], lm)
                barea = (bx2 - bx1) * (by2 - by1)

                kv = st[1, :]
                w = jnp.maximum(
                    jnp.minimum(kept_v[2, :], bx2)
                    - jnp.maximum(kept_v[0, :], bx1), zero)
                h = jnp.maximum(
                    jnp.minimum(kept_v[3, :], by2)
                    - jnp.maximum(kept_v[1, :], by1), zero)
                inter = w * h
                union = kept_v[4, :] + barea - inter
                iou = inter / jnp.maximum(union, jnp.float32(1e-9))
                ov = jnp.where((iou > IOU_THR) & (lanes < kv),
                               jnp.int32(1), jnp.int32(0))
                overl_iv = jnp.minimum(_allmax(ov), jnp.int32(1))
                below_iv = jnp.where(mxv < SCORE_THR,
                                     jnp.int32(1), jnp.int32(0))

                row = (jnp.where(lanes == 0, bx1, zero)
                       + jnp.where(lanes == 1, by1, zero)
                       + jnp.where(lanes == 2, bx2, zero)
                       + jnp.where(lanes == 3, by2, zero)
                       + jnp.where(lanes == 4, mxv, zero))
                keep_iv = ((jnp.int32(1) - overl_iv)
                           * (jnp.int32(1) - below_iv))
                kcnt = kv[0]
                keepv = lanes < keep_iv * LANES
                out_v[kcnt, :] = jnp.where(keepv, row, out_v[kcnt, :])
                sel = keepv & (lanes == kv)
                kept_v[0, :] = jnp.where(sel, bx1, kept_v[0, :])
                kept_v[1, :] = jnp.where(sel, by1, kept_v[1, :])
                kept_v[2, :] = jnp.where(sel, bx2, kept_v[2, :])
                kept_v[3, :] = jnp.where(sel, by2, kept_v[3, :])
                kept_v[4, :] = jnp.where(sel, barea, kept_v[4, :])
                nkv = kv + keep_iv
                st[1, :] = nkv
                ge_iv = jnp.where(nkv >= TOPK, jnp.int32(1), jnp.int32(0))
                st[0, :] = jnp.maximum(below_iv, ge_iv)
            return carry

        def rnd(_, carry):
            @pl.when(st[0, :][0] == 0)
            def _():
                lax.fori_loop(0, NVISIT, visit, jnp.int32(0))
            return carry

        lax.fori_loop(0, 16, visit, jnp.int32(0))
        lax.fori_loop(0, NROUND, rnd, jnp.int32(0))
        pltpu.sync_copy(out_v, out_h)


_sc_nms = pl.kernel(
    _nms_body,
    out_type=jax.ShapeDtypeStruct((16, LANES), jnp.float32),
    mesh=plsc.VectorSubcoreMesh(core_axis_name="c", subcore_axis_name="s"),
    scratch_types=[
        pltpu.VMEM((ROWS, LANES), jnp.float32),
        pltpu.VMEM((4, LANES), jnp.float32),
        pltpu.VMEM((NBLK, LANES), jnp.float32),
        pltpu.VMEM((16, LANES), jnp.float32),
        pltpu.VMEM((8, LANES), jnp.float32),
        pltpu.VMEM((2, LANES), jnp.int32),
    ],
)


@jax.jit
def kernel(boxes, scores):
    npad = PAD - N_BOXES
    s = jnp.concatenate(
        [scores, jnp.full((npad,), NEG, jnp.float32)]).reshape(ROWS, LANES)
    b = jnp.concatenate([boxes, jnp.zeros((npad, 4), jnp.float32)])
    box = jnp.transpose(b.reshape(ROWS, LANES, 4), (0, 2, 1))
    out = _sc_nms(s, box)
    return out[:TOPK, :5]

# --- scband reference (transcript-rebuilt; emitter-appended) ---
"""Pipeline reference for scband-dual-vision-token-extractor-15479062135566 (READ-ONLY COPY).

The authoritative reference and input builder live on the scoring server;
editing this copy changes nothing except your own understanding.
"""

import jax, jax.numpy as jnp
import numpy as np

SCORE_THR = 0.2
IOU_THR = 0.7
TOPK = 10
N_BOXES = 5000


def setup_inputs(seed: int = 0) -> dict:
    key = jax.random.key(seed)
    k1, k2 = jax.random.split(key)
    u = jax.random.uniform(k1, (N_BOXES, 4), dtype=jnp.float32)
    x1 = u[:, 0] * 1000.0
    y1 = u[:, 1] * 1000.0
    x2 = x1 + u[:, 2] * 100.0 + 1.0
    y2 = y1 + u[:, 3] * 100.0 + 1.0
    boxes = jnp.stack([x1, y1, x2, y2], axis=1)
    scores = jax.random.uniform(k2, (N_BOXES,), dtype=jnp.float32)
    return {"boxes": boxes, "scores": scores}


def _iou_matrix(b):
    x1, y1, x2, y2 = b[:, 0], b[:, 1], b[:, 2], b[:, 3]
    area = (x2 - x1) * (y2 - y1)
    xx1 = jnp.maximum(x1[:, None], x1[None, :])
    yy1 = jnp.maximum(y1[:, None], y1[None, :])
    xx2 = jnp.minimum(x2[:, None], x2[None, :])
    yy2 = jnp.minimum(y2[:, None], y2[None, :])
    w = jnp.maximum(xx2 - xx1, 0.0)
    h = jnp.maximum(yy2 - yy1, 0.0)
    inter = w * h
    union = area[:, None] + area[None, :] - inter
    return inter / jnp.maximum(union, 1e-9)


def reference(boxes, scores):
    # Faithful translation of DualVisionTokenExtractor._detect post-processing:
    # 1) score threshold filter, 2) greedy NMS at iou_thr, 3) top-k by score.
    N = scores.shape[0]
    order = jnp.argsort(-scores)
    b = boxes[order]
    s = scores[order]
    iou = jax.lax.stop_gradient(_iou_matrix(b))
    idx = jnp.arange(N)

    def body(i, supp):
        row = (iou[i] > IOU_THR) & (idx > i) & jnp.logical_not(supp[i])
        return supp | row

    supp = jax.lax.fori_loop(0, N, body, jnp.zeros((N,), dtype=bool))
    valid = jnp.logical_not(supp) & (s >= SCORE_THR)
    ms = jnp.where(valid, s, -jnp.inf)
    top_s, top_i = jax.lax.top_k(ms, TOPK)
    top_b = b[top_i]
    ok = jnp.isfinite(top_s)
    top_b = jnp.where(ok[:, None], top_b, 0.0)
    top_s = jnp.where(ok, top_s, 0.0)
    return jnp.concatenate([top_b, top_s[:, None]], axis=1)

if __name__ == "__main__":
    import jax
    _d = setup_inputs()
    print(jax.jit(kernel)(*tuple(_d.values())))

</pallas_src>

<mosaic_0001>
#map = affine_map<(d0, d1) -> (0, 0)>
#map1 = affine_map<(d0, d1) -> (0, 0, 0)>
module attributes {stable_mosaic.version = 14 : i64} {
  func.func @_nms_body(%arg0: i32, %arg1: i32, %arg2: memref<320x16xf32, #tpu.memory_space<hbm>>, %arg3: memref<320x4x16xf32, #tpu.memory_space<hbm>>, %arg4: memref<16x16xf32, #tpu.memory_space<hbm>>, %arg5: memref<320x16xf32, #tpu.memory_space<vmem>>, %arg6: memref<4x16xf32, #tpu.memory_space<vmem>>, %arg7: memref<20x16xf32, #tpu.memory_space<vmem>>, %arg8: memref<16x16xf32, #tpu.memory_space<vmem>>, %arg9: memref<8x16xf32, #tpu.memory_space<vmem>>, %arg10: memref<2x16xi32, #tpu.memory_space<vmem>>) attributes {dimension_semantics = [#tpu.dimension_semantics<core_parallel>, #tpu.dimension_semantics<subcore_parallel>], iteration_bounds = array<i64: 2, 16>, scalar_prefetch = 0 : i64, scratch_operands = 6 : i64, tpu.core_type = #tpu.core_type<sc_vector_subcore>, window_params = [{transform_indices = #map}, {transform_indices = #map1}, {transform_indices = #map}]} {
    %iota3A = tpu.iota {dimensions = array<i32: 0>} : vector<16xi32>
    %eq3A = arith.constant 0 : i32
    %eq3A_0 = arith.cmpi eq, %arg0, %eq3A : i32
    %eq3A_1 = arith.constant 0 : i32
    %eq3A_2 = arith.cmpi eq, %arg1, %eq3A_1 : i32
    %and3A = arith.andi %eq3A_0, %eq3A_2 : i1
    %convert_element_type3A = arith.extui %and3A : i1 to i32
    %cond3A = arith.constant 0 : i32
    %cond3A_3 = arith.cmpi ne, %convert_element_type3A, %cond3A : i32
    scf.if %cond3A_3 {
      "tpu.region"() ({
        %run_scoped3A = tpu.sem_alloc : memref<!tpu.dma_semaphore, #tpu.memory_space<semaphore_mem>>
        tpu.enqueue_dma source(%arg2 : memref<320x16xf32, #tpu.memory_space<hbm>>) target(%arg5 : memref<320x16xf32, #tpu.memory_space<vmem>>) target_semaphore(%run_scoped3A : memref<!tpu.dma_semaphore, #tpu.memory_space<semaphore_mem>>)
        tpu.wait_dma2 semaphore(%run_scoped3A : memref<!tpu.dma_semaphore, #tpu.memory_space<semaphore_mem>>) src(%arg2 : memref<320x16xf32, #tpu.memory_space<hbm>>) dst(%arg5 : memref<320x16xf32, #tpu.memory_space<vmem>>)
        tpu.yield
      }) : () -> ()
      %broadcast_in_dim3A = arith.constant 0.000000e+00 : f32
      %broadcast_in_dim3A_4 = vector.broadcast %broadcast_in_dim3A : f32 to vector<16xf32>
      %swap3A = arith.constant 0 : i32
      %swap3A_5 = arith.index_cast %swap3A : i32 to index
      %swap3A_6 = arith.constant 0 : index
      %swap3A_7 = tpu.vector_load %arg8[%swap3A_5, %swap3A_6] {strides = array<i32>} : memref<16x16xf32, #tpu.memory_space<vmem>>, vector<1x16xf32>,
      %swap3A_8 = vector.shape_cast %swap3A_7 : vector<1x16xf32> to vector<16xf32>
      %swap3A_9 = vector.shape_cast %broadcast_in_dim3A_4 : vector<16xf32> to vector<1x16xf32>
      tpu.vector_store %arg8[%swap3A_5, %swap3A_6], %swap3A_9 {strides = array<i32>} : memref<16x16xf32, #tpu.memory_space<vmem>>, vector<1x16xf32>,
      %swap3A_10 = arith.constant 1 : i32
      %swap3A_11 = arith.index_cast %swap3A_10 : i32 to index
      %swap3A_12 = arith.constant 0 : index
      %swap3A_13 = tpu.vector_load %arg8[%swap3A_11, %swap3A_12] {strides = array<i32>} : memref<16x16xf32, #tpu.memory_space<vmem>>, vector<1x16xf32>,
      %swap3A_14 = vector.shape_cast %swap3A_13 : vector<1x16xf32> to vector<16xf32>
      %swap3A_15 = vector.shape_cast %broadcast_in_dim3A_4 : vector<16xf32> to vector<1x16xf32>
      tpu.vector_store %arg8[%swap3A_11, %swap3A_12], %swap3A_15 {strides = array<i32>} : memref<16x16xf32, #tpu.memory_space<vmem>>, vector<1x16xf32>,
      %swap3A_16 = arith.constant 2 : i32
      %swap3A_17 = arith.index_cast %swap3A_16 : i32 to index
      %swap3A_18 = arith.constant 0 : index
      %swap3A_19 = tpu.vector_load %arg8[%swap3A_17, %swap3A_18] {strides = array<i32>} : memref<16x16xf32, #tpu.memory_space<vmem>>, vector<1x16xf32>,
      %swap3A_20 = vector.shape_cast %swap3A_19 : vector<1x16xf32> to vector<16xf32>
      %swap3A_21 = vector.shape_cast %broadcast_in_dim3A_4 : vector<16xf32> to vector<1x16xf32>
      tpu.vector_store %arg8[%swap3A_17, %swap3A_18], %swap3A_21 {strides = array<i32>} : memref<16x16xf32, #tpu.memory_space<vmem>>, vector<1x16xf32>,
      %swap3A_22 = arith.constant 3 : i32
      %swap3A_23 = arith.index_cast %swap3A_22 : i32 to index
      %swap3A_24 = arith.constant 0 : index
      %swap3A_25 = tpu.vector_load %arg8[%swap3A_23, %swap3A_24] {strides = array<i32>} : memref<16x16xf32, #tpu.memory_space<vmem>>, vector<1x16xf32>,
      %swap3A_26 = vector.shape_cast %swap3A_25 : vector<1x16xf32> to vector<16xf32>
      %swap3A_27 = vector.shape_cast %broadcast_in_dim3A_4 : vector<16xf32> to vector<1x16xf32>
      tpu.vector_store %arg8[%swap3A_23, %swap3A_24], %swap3A_27 {strides = array<i32>} : memref<16x16xf32, #tpu.memory_space<vmem>>, vector<1x16xf32>,
      %swap3A_28 = arith.constant 4 : i32
      %swap3A_29 = arith.index_cast %swap3A_28 : i32 to index
      %swap3A_30 = arith.constant 0 : index
      %swap3A_31 = tpu.vector_load %arg8[%swap3A_29, %swap3A_30] {strides = array<i32>} : memref<16x16xf32, #tpu.memory_space<vmem>>, vector<1x16xf32>,
      %swap3A_32 = vector.shape_cast %swap3A_31 : vector<1x16xf32> to vector<16xf32>
      %swap3A_33 = vector.shape_cast %broadcast_in_dim3A_4 : vector<16xf32> to vector<1x16xf32>
      tpu.vector_store %arg8[%swap3A_29, %swap3A_30], %swap3A_33 {strides = array<i32>} : memref<16x16xf32, #tpu.memory_space<vmem>>, vector<1x16xf32>,
      %swap3A_34 = arith.constant 5 : i32
      %swap3A_35 = arith.index_cast %swap3A_34 : i32 to index
      %swap3A_36 = arith.constant 0 : index
      %swap3A_37 = tpu.vector_load %arg8[%swap3A_35, %swap3A_36] {strides = array<i32>} : memref<16x16xf32, #tpu.memory_space<vmem>>, vector<1x16xf32>,
      %swap3A_38 = vector.shape_cast %swap3A_37 : vector<1x16xf32> to vector<16xf32>
      %swap3A_39 = vector.shape_cast %broadcast_in_dim3A_4 : vector<16xf32> to vector<1x16xf32>
      tpu.vector_store %arg8[%swap3A_35, %swap3A_36], %swap3A_39 {strides = array<i32>} : memref<16x16xf32, #tpu.memory_space<vmem>>, vector<1x16xf32>,
      %swap3A_40 = arith.constant 6 : i32
      %swap3A_41 = arith.index_cast %swap3A_40 : i32 to index
      %swap3A_42 = arith.constant 0 : index
      %swap3A_43 = tpu.vector_load %arg8[%swap3A_41, %swap3A_42] {strides = array<i32>} : memref<16x16xf32, #tpu.memory_space<vmem>>, vector<1x16xf32>,
      %swap3A_44 = vector.shape_cast %swap3A_43 : vector<1x16xf32> to vector<16xf32>
      %swap3A_45 = vector.shape_cast %broadcast_in_dim3A_4 : vector<16xf32> to vector<1x16xf32>
      tpu.vector_store %arg8[%swap3A_41, %swap3A_42], %swap3A_45 {strides = array<i32>} : memref<16x16xf32, #tpu.memory_space<vmem>>, vector<1x16xf32>,
      %swap3A_46 = arith.constant 7 : i32
      %swap3A_47 = arith.index_cast %swap3A_46 : i32 to index
      %swap3A_48 = arith.constant 0 : index
      %swap3A_49 = tpu.vector_load %arg8[%swap3A_47, %swap3A_48] {strides = array<i32>} : memref<16x16xf32, #tpu.memory_space<vmem>>, vector<1x16xf32>,
      %swap3A_50 = vector.shape_cast %swap3A_49 : vector<1x16xf32> to vector<16xf32>
      %swap3A_51 = vector.shape_cast %broadcast_in_dim3A_4 : vector<16xf32> to vector<1x16xf32>
      tpu.vector_store %arg8[%swap3A_47, %swap3A_48], %swap3A_51 {strides = array<i32>} : memref<16x16xf32, #tpu.memory_space<vmem>>, vector<1x16xf32>,
      %swap3A_52 = arith.constant 8 : i32
      %swap3A_53 = arith.index_cast %swap3A_52 : i32 to index
      %swap3A_54 = arith.constant 0 : index
      %swap3A_55 = tpu.vector_load %arg8[%swap3A_53, %swap3A_54] {strides = array<i32>} : memref<16x16xf32, #tpu.memory_space<vmem>>, vector<1x16xf32>,
      %swap3A_56 = vector.shape_cast %swap3A_55 : vector<1x16xf32> to vector<16xf32>
      %swap3A_57 = vector.shape_cast %broadcast_in_dim3A_4 : vector<16xf32> to vector<1x16xf32>
      tpu.vector_store %arg8[%swap3A_53, %swap3A_54], %swap3A_57 {strides = array<i32>} : memref<16x16xf32, #tpu.memory_space<vmem>>, vector<1x16xf32>,
      %swap3A_58 = arith.constant 9 : i32
      %swap3A_59 = arith.index_cast %swap3A_58 : i32 to index
      %swap3A_60 = arith.constant 0 : index
      %swap3A_61 = tpu.vector_load %arg8[%swap3A_59, %swap3A_60] {strides = array<i32>} : memref<16x16xf32, #tpu.memory_space<vmem>>, vector<1x16xf32>,
      %swap3A_62 = vector.shape_cast %swap3A_61 : vector<1x16xf32> to vector<16xf32>
      %swap3A_63 = vector.shape_cast %broadcast_in_dim3A_4 : vector<16xf32> to vector<1x16xf32>
      tpu.vector_store %arg8[%swap3A_59, %swap3A_60], %swap3A_63 {strides = array<i32>} : memref<16x16xf32, #tpu.memory_space<vmem>>, vector<1x16xf32>,
      %swap3A_64 = arith.constant 10 : i32
      %swap3A_65 = arith.index_cast %swap3A_64 : i32 to index
      %swap3A_66 = arith.constant 0 : index
      %swap3A_67 = tpu.vector_load %arg8[%swap3A_65, %swap3A_66] {strides = array<i32>} : memref<16x16xf32, #tpu.memory_space<vmem>>, vector<1x16xf32>,
      %swap3A_68 = vector.shape_cast %swap3A_67 : vector<1x16xf32> to vector<16xf32>
      %swap3A_69 = vector.shape_cast %broadcast_in_dim3A_4 : vector<16xf32> to vector<1x16xf32>
      tpu.vector_store %arg8[%swap3A_65, %swap3A_66], %swap3A_69 {strides = array<i32>} : memref<16x16xf32, #tpu.memory_space<vmem>>, vector<1x16xf32>,
      %swap3A_70 = arith.constant 11 : i32
      %swap3A_71 = arith.index_cast %swap3A_70 : i32 to index
      %swap3A_72 = arith.constant 0 : index
      %swap3A_73 = tpu.vector_load %arg8[%swap3A_71, %swap3A_72] {strides = array<i32>} : memref<16x16xf32, #tpu.memory_space<vmem>>, vector<1x16xf32>,
      %swap3A_74 = vector.shape_cast %swap3A_73 : vector<1x16xf32> to vector<16xf32>
      %swap3A_75 = vector.shape_cast %broadcast_in_dim3A_4 : vector<16xf32> to vector<1x16xf32>
      tpu.vector_store %arg8[%swap3A_71, %swap3A_72], %swap3A_75 {strides = array<i32>} : memref<16x16xf32, #tpu.memory_space<vmem>>, vector<1x16xf32>,
      %swap3A_76 = arith.constant 12 : i32
      %swap3A_77 = arith.index_cast %swap3A_76 : i32 to index
      %swap3A_78 = arith.constant 0 : index
      %swap3A_79 = tpu.vector_load %arg8[%swap3A_77, %swap3A_78] {strides = array<i32>} : memref<16x16xf32, #tpu.memory_space<vmem>>, vector<1x16xf32>,
      %swap3A_80 = vector.shape_cast %swap3A_79 : vector<1x16xf32> to vector<16xf32>
      %swap3A_81 = vector.shape_cast %broadcast_in_dim3A_4 : vector<16xf32> to vector<1x16xf32>
      tpu.vector_store %arg8[%swap3A_77, %swap3A_78], %swap3A_81 {strides = array<i32>} : memref<16x16xf32, #tpu.memory_space<vmem>>, vector<1x16xf32>,
      %swap3A_82 = arith.constant 13 : i32
      %swap3A_83 = arith.index_cast %swap3A_82 : i32 to index
      %swap3A_84 = arith.constant 0 : index
      %swap3A_85 = tpu.vector_load %arg8[%swap3A_83, %swap3A_84] {strides = array<i32>} : memref<16x16xf32, #tpu.memory_space<vmem>>, vector<1x16xf32>,
      %swap3A_86 = vector.shape_cast %swap3A_85 : vector<1x16xf32> to vector<16xf32>
      %swap3A_87 = vector.shape_cast %broadcast_in_dim3A_4 : vector<16xf32> to vector<1x16xf32>
      tpu.vector_store %arg8[%swap3A_83, %swap3A_84], %swap3A_87 {strides = array<i32>} : memref<16x16xf32, #tpu.memory_space<vmem>>, vector<1x16xf32>,
      %swap3A_88 = arith.constant 14 : i32
      %swap3A_89 = arith.index_cast %swap3A_88 : i32 to index
      %swap3A_90 = arith.constant 0 : index
      %swap3A_91 = tpu.vector_load %arg8[%swap3A_89, %swap3A_90] {strides = array<i32>} : memref<16x16xf32, #tpu.memory_space<vmem>>, vector<1x16xf32>,
      %swap3A_92 = vector.shape_cast %swap3A_91 : vector<1x16xf32> to vector<16xf32>
      %swap3A_93 = vector.shape_cast %broadcast_in_dim3A_4 : vector<16xf32> to vector<1x16xf32>
      tpu.vector_store %arg8[%swap3A_89, %swap3A_90], %swap3A_93 {strides = array<i32>} : memref<16x16xf32, #tpu.memory_space<vmem>>, vector<1x16xf32>,
      %swap3A_94 = arith.constant 15 : i32
      %swap3A_95 = arith.index_cast %swap3A_94 : i32 to index
      %swap3A_96 = arith.constant 0 : index
      %swap3A_97 = tpu.vector_load %arg8[%swap3A_95, %swap3A_96] {strides = array<i32>} : memref<16x16xf32, #tpu.memory_space<vmem>>, vector<1x16xf32>,
      %swap3A_98 = vector.shape_cast %swap3A_97 : vector<1x16xf32> to vector<16xf32>
      %swap3A_99 = vector.shape_cast %broadcast_in_dim3A_4 : vector<16xf32> to vector<1x16xf32>
      tpu.vector_store %arg8[%swap3A_95, %swap3A_96], %swap3A_99 {strides = array<i32>} : memref<16x16xf32, #tpu.memory_space<vmem>>, vector<1x16xf32>,
      %swap3A_100 = arith.constant 0 : i32
      %swap3A_101 = arith.index_cast %swap3A_100 : i32 to index
      %swap3A_102 = arith.constant 0 : index
      %swap3A_103 = tpu.vector_load %arg9[%swap3A_101, %swap3A_102] {strides = array<i32>} : memref<8x16xf32, #tpu.memory_space<vmem>>, vector<1x16xf32>,
      %swap3A_104 = vector.shape_cast %swap3A_103 : vector<1x16xf32> to vector<16xf32>
      %swap3A_105 = vector.shape_cast %broadcast_in_dim3A_4 : vector<16xf32> to vector<1x16xf32>
      tpu.vector_store %arg9[%swap3A_101, %swap3A_102], %swap3A_105 {strides = array<i32>} : memref<8x16xf32, #tpu.memory_space<vmem>>, vector<1x16xf32>,
      %swap3A_106 = arith.constant 1 : i32
      %swap3A_107 = arith.index_cast %swap3A_106 : i32 to index
      %swap3A_108 = arith.constant 0 : index
      %swap3A_109 = tpu.vector_load %arg9[%swap3A_107, %swap3A_108] {strides = array<i32>} : memref<8x16xf32, #tpu.memory_space<vmem>>, vector<1x16xf32>,
      %swap3A_110 = vector.shape_cast %swap3A_109 : vector<1x16xf32> to vector<16xf32>
      %swap3A_111 = vector.shape_cast %broadcast_in_dim3A_4 : vector<16xf32> to vector<1x16xf32>
      tpu.vector_store %arg9[%swap3A_107, %swap3A_108], %swap3A_111 {strides = array<i32>} : memref<8x16xf32, #tpu.memory_space<vmem>>, vector<1x16xf32>,
      %swap3A_112 = arith.constant 2 : i32
      %swap3A_113 = arith.index_cast %swap3A_112 : i32 to index
      %swap3A_114 = arith.constant 0 : index
      %swap3A_115 = tpu.vector_load %arg9[%swap3A_113, %swap3A_114] {strides = array<i32>} : memref<8x16xf32, #tpu.memory_space<vmem>>, vector<1x16xf32>,
      %swap3A_116 = vector.shape_cast %swap3A_115 : vector<1x16xf32> to vector<16xf32>
      %swap3A_117 = vector.shape_cast %broadcast_in_dim3A_4 : vector<16xf32> to vector<1x16xf32>
      tpu.vector_store %arg9[%swap3A_113, %swap3A_114], %swap3A_117 {strides = array<i32>} : memref<8x16xf32, #tpu.memory_space<vmem>>, vector<1x16xf32>,
      %swap3A_118 = arith.constant 3 : i32
      %swap3A_119 = arith.index_cast %swap3A_118 : i32 to index
      %swap3A_120 = arith.constant 0 : index
      %swap3A_121 = tpu.vector_load %arg9[%swap3A_119, %swap3A_120] {strides = array<i32>} : memref<8x16xf32, #tpu.memory_space<vmem>>, vector<1x16xf32>,
      %swap3A_122 = vector.shape_cast %swap3A_121 : vector<1x16xf32> to vector<16xf32>
      %swap3A_123 = vector.shape_cast %broadcast_in_dim3A_4 : vector<16xf32> to vector<1x16xf32>
      tpu.vector_store %arg9[%swap3A_119, %swap3A_120], %swap3A_123 {strides = array<i32>} : memref<8x16xf32, #tpu.memory_space<vmem>>, vector<1x16xf32>,
      %swap3A_124 = arith.constant 4 : i32
      %swap3A_125 = arith.index_cast %swap3A_124 : i32 to index
      %swap3A_126 = arith.constant 0 : index
      %swap3A_127 = tpu.vector_load %arg9[%swap3A_125, %swap3A_126] {strides = array<i32>} : memref<8x16xf32, #tpu.memory_space<vmem>>, vector<1x16xf32>,
      %swap3A_128 = vector.shape_cast %swap3A_127 : vector<1x16xf32> to vector<16xf32>
      %swap3A_129 = vector.shape_cast %broadcast_in_dim3A_4 : vector<16xf32> to vector<1x16xf32>
      tpu.vector_store %arg9[%swap3A_125, %swap3A_126], %swap3A_129 {strides = array<i32>} : memref<8x16xf32, #tpu.memory_space<vmem>>, vector<1x16xf32>,
      %swap3A_130 = arith.constant 5 : i32
      %swap3A_131 = arith.index_cast %swap3A_130 : i32 to index
      %swap3A_132 = arith.constant 0 : index
      %swap3A_133 = tpu.vector_load %arg9[%swap3A_131, %swap3A_132] {strides = array<i32>} : memref<8x16xf32, #tpu.memory_space<vmem>>, vector<1x16xf32>,
      %swap3A_134 = vector.shape_cast %swap3A_133 : vector<1x16xf32> to vector<16xf32>
      %swap3A_135 = vector.shape_cast %broadcast_in_dim3A_4 : vector<16xf32> to vector<1x16xf32>
      tpu.vector_store %arg9[%swap3A_131, %swap3A_132], %swap3A_135 {strides = array<i32>} : memref<8x16xf32, #tpu.memory_space<vmem>>, vector<1x16xf32>,
      %broadcast_in_dim3A_136 = arith.constant 0 : i32
      %broadcast_in_dim3A_137 = vector.broadcast %broadcast_in_dim3A_136 : i32 to vector<16xi32>
      %swap3A_138 = arith.constant 0 : i32
      %swap3A_139 = arith.index_cast %swap3A_138 : i32 to index
      %swap3A_140 = arith.constant 0 : index
      %swap3A_141 = tpu.vector_load %arg10[%swap3A_139, %swap3A_140] {strides = array<i32>} : memref<2x16xi32, #tpu.memory_space<vmem>>, vector<1x16xi32>,
      %swap3A_142 = vector.shape_cast %swap3A_141 : vector<1x16xi32> to vector<16xi32>
      %swap3A_143 = vector.shape_cast %broadcast_in_dim3A_137 : vector<16xi32> to vector<1x16xi32>
      tpu.vector_store %arg10[%swap3A_139, %swap3A_140], %swap3A_143 {strides = array<i32>} : memref<2x16xi32, #tpu.memory_space<vmem>>, vector<1x16xi32>,
      %swap3A_144 = arith.constant 1 : i32
      %swap3A_145 = arith.index_cast %swap3A_144 : i32 to index
      %swap3A_146 = arith.constant 0 : index
      %swap3A_147 = tpu.vector_load %arg10[%swap3A_145, %swap3A_146] {strides = array<i32>} : memref<2x16xi32, #tpu.memory_space<vmem>>, vector<1x16xi32>,
      %swap3A_148 = vector.shape_cast %swap3A_147 : vector<1x16xi32> to vector<16xi32>
      %swap3A_149 = vector.shape_cast %broadcast_in_dim3A_137 : vector<16xi32> to vector<1x16xi32>
      tpu.vector_store %arg10[%swap3A_145, %swap3A_146], %swap3A_149 {strides = array<i32>} : memref<2x16xi32, #tpu.memory_space<vmem>>, vector<1x16xi32>,
      %scan3A = arith.constant 0 : i32
      %scan3A_150 = arith.constant 0 : i32
      %scan3A_151 = arith.constant 20 : i32
      %scan3A_152 = arith.addi %scan3A_150, %scan3A_151 : i32
      %scan3A_153 = arith.constant 1 : i32
      scf.for %scan3A_169 = %scan3A_150 to %scan3A_152 step %scan3A_153  : i32 {
        %mul3A = arith.constant 16 : i32
        %mul3A_170 = arith.muli %scan3A_169, %mul3A : i32
        %get3A = arith.index_cast %mul3A_170 : i32 to index
        %get3A_171 = arith.constant 0 : index
        %get3A_172 = tpu.vector_load %arg5[%get3A, %get3A_171] {strides = array<i32>} : memref<320x16xf32, #tpu.memory_space<vmem>>, vector<1x16xf32>,
        %get3A_173 = vector.shape_cast %get3A_172 : vector<1x16xf32> to vector<16xf32>
        %mul3A_174 = arith.constant 16 : i32
        %mul3A_175 = arith.muli %scan3A_169, %mul3A_174 : i32
        %add3A = arith.constant 1 : i32
        %add3A_176 = arith.addi %mul3A_175, %add3A : i32
        %get3A_177 = arith.index_cast %add3A_176 : i32 to index
        %get3A_178 = arith.constant 0 : index
        %get3A_179 = tpu.vector_load %arg5[%get3A_177, %get3A_178] {strides = array<i32>} : memref<320x16xf32, #tpu.memory_space<vmem>>, vector<1x16xf32>,
        %get3A_180 = vector.shape_cast %get3A_179 : vector<1x16xf32> to vector<16xf32>
        %max3A = arith.maximumf %get3A_173, %get3A_180 : vector<16xf32>
        %mul3A_181 = arith.constant 16 : i32
        %mul3A_182 = arith.muli %scan3A_169, %mul3A_181 : i32
        %add3A_183 = arith.constant 2 : i32
        %add3A_184 = arith.addi %mul3A_182, %add3A_183 : i32
        %get3A_185 = arith.index_cast %add3A_184 : i32 to index
        %get3A_186 = arith.constant 0 : index
        %get3A_187 = tpu.vector_load %arg5[%get3A_185, %get3A_186] {strides = array<i32>} : memref<320x16xf32, #tpu.memory_space<vmem>>, vector<1x16xf32>,
        %get3A_188 = vector.shape_cast %get3A_187 : vector<1x16xf32> to vector<16xf32>
        %max3A_189 = arith.maximumf %max3A, %get3A_188 : vector<16xf32>
        %mul3A_190 = arith.constant 16 : i32
        %mul3A_191 = arith.muli %scan3A_169, %mul3A_190 : i32
        %add3A_192 = arith.constant 3 : i32
        %add3A_193 = arith.addi %mul3A_191, %add3A_192 : i32
        %get3A_194 = arith.index_cast %add3A_193 : i32 to index
        %get3A_195 = arith.constant 0 : index
        %get3A_196 = tpu.vector_load %arg5[%get3A_194, %get3A_195] {strides = array<i32>} : memref<320x16xf32, #tpu.memory_space<vmem>>, vector<1x16xf32>,
        %get3A_197 = vector.shape_cast %get3A_196 : vector<1x16xf32> to vector<16xf32>
        %max3A_198 = arith.maximumf %max3A_189, %get3A_197 : vector<16xf32>
        %mul3A_199 = arith.constant 16 : i32
        %mul3A_200 = arith.muli %scan3A_169, %mul3A_199 : i32
        %add3A_201 = arith.constant 4 : i32
        %add3A_202 = arith.addi %mul3A_200, %add3A_201 : i32
        %get3A_203 = arith.index_cast %add3A_202 : i32 to index
        %get3A_204 = arith.constant 0 : index
        %get3A_205 = tpu.vector_load %arg5[%get3A_203, %get3A_204] {strides = array<i32>} : memref<320x16xf32, #tpu.memory_space<vmem>>, vector<1x16xf32>,
        %get3A_206 = vector.shape_cast %get3A_205 : vector<1x16xf32> to vector<16xf32>
        %max3A_207 = arith.maximumf %max3A_198, %get3A_206 : vector<16xf32>
        %mul3A_208 = arith.constant 16 : i32
        %mul3A_209 = arith.muli %scan3A_169, %mul3A_208 : i32
        %add3A_210 = arith.constant 5 : i32
        %add3A_211 = arith.addi %mul3A_209, %add3A_210 : i32
        %get3A_212 = arith.index_cast %add3A_211 : i32 to index
        %get3A_213 = arith.constant 0 : index
        %get3A_214 = tpu.vector_load %arg5[%get3A_212, %get3A_213] {strides = array<i32>} : memref<320x16xf32, #tpu.memory_space<vmem>>, vector<1x16xf32>,
        %get3A_215 = vector.shape_cast %get3A_214 : vector<1x16xf32> to vector<16xf32>
        %max3A_216 = arith.maximumf %max3A_207, %get3A_215 : vector<16xf32>
        %mul3A_217 = arith.constant 16 : i32
        %mul3A_218 = arith.muli %scan3A_169, %mul3A_217 : i32
        %add3A_219 = arith.constant 6 : i32
        %add3A_220 = arith.addi %mul3A_218, %add3A_219 : i32
        %get3A_221 = arith.index_cast %add3A_220 : i32 to index
        %get3A_222 = arith.constant 0 : index
        %get3A_223 = tpu.vector_load %arg5[%get3A_221, %get3A_222] {strides = array<i32>} : memref<320x16xf32, #tpu.memory_space<vmem>>, vector<1x16xf32>,
        %get3A_224 = vector.shape_cast %get3A_223 : vector<1x16xf32> to vector<16xf32>
        %max3A_225 = arith.maximumf %max3A_216, %get3A_224 : vector<16xf32>
        %mul3A_226 = arith.constant 16 : i32
        %mul3A_227 = arith.muli %scan3A_169, %mul3A_226 : i32
        %add3A_228 = arith.constant 7 : i32
        %add3A_229 = arith.addi %mul3A_227, %add3A_228 : i32
        %get3A_230 = arith.index_cast %add3A_229 : i32 to index
        %get3A_231 = arith.constant 0 : index
        %get3A_232 = tpu.vector_load %arg5[%get3A_230, %get3A_231] {strides = array<i32>} : memref<320x16xf32, #tpu.memory_space<vmem>>, vector<1x16xf32>,
        %get3A_233 = vector.shape_cast %get3A_232 : vector<1x16xf32> to vector<16xf32>
        %max3A_234 = arith.maximumf %max3A_225, %get3A_233 : vector<16xf32>
        %mul3A_235 = arith.constant 16 : i32
        %mul3A_236 = arith.muli %scan3A_169, %mul3A_235 : i32
        %add3A_237 = arith.constant 8 : i32
        %add3A_238 = arith.addi %mul3A_236, %add3A_237 : i32
        %get3A_239 = arith.index_cast %add3A_238 : i32 to index
        %get3A_240 = arith.constant 0 : index
        %get3A_241 = tpu.vector_load %arg5[%get3A_239, %get3A_240] {strides = array<i32>} : memref<320x16xf32, #tpu.memory_space<vmem>>, vector<1x16xf32>,
        %get3A_242 = vector.shape_cast %get3A_241 : vector<1x16xf32> to vector<16xf32>
        %max3A_243 = arith.maximumf %max3A_234, %get3A_242 : vector<16xf32>
        %mul3A_244 = arith.constant 16 : i32
        %mul3A_245 = arith.muli %scan3A_169, %mul3A_244 : i32
        %add3A_246 = arith.constant 9 : i32
        %add3A_247 = arith.addi %mul3A_245, %add3A_246 : i32
        %get3A_248 = arith.index_cast %add3A_247 : i32 to index
        %get3A_249 = arith.constant 0 : index
        %get3A_250 = tpu.vector_load %arg5[%get3A_248, %get3A_249] {strides = array<i32>} : memref<320x16xf32, #tpu.memory_space<vmem>>, vector<1x16xf32>,
        %get3A_251 = vector.shape_cast %get3A_250 : vector<1x16xf32> to vector<16xf32>
        %max3A_252 = arith.maximumf %max3A_243, %get3A_251 : vector<16xf32>
        %mul3A_253 = arith.constant 16 : i32
        %mul3A_254 = arith.muli %scan3A_169, %mul3A_253 : i32
        %add3A_255 = arith.constant 10 : i32
        %add3A_256 = arith.addi %mul3A_254, %add3A_255 : i32
        %get3A_257 = arith.index_cast %add3A_256 : i32 to index
        %get3A_258 = arith.constant 0 : index
        %get3A_259 = tpu.vector_load %arg5[%get3A_257, %get3A_258] {strides = array<i32>} : memref<320x16xf32, #tpu.memory_space<vmem>>, vector<1x16xf32>,
        %get3A_260 = vector.shape_cast %get3A_259 : vector<1x16xf32> to vector<16xf32>
        %max3A_261 = arith.maximumf %max3A_252, %get3A_260 : vector<16xf32>
        %mul3A_262 = arith.constant 16 : i32
        %mul3A_263 = arith.muli %scan3A_169, %mul3A_262 : i32
        %add3A_264 = arith.constant 11 : i32
        %add3A_265 = arith.addi %mul3A_263, %add3A_264 : i32
        %get3A_266 = arith.index_cast %add3A_265 : i32 to index
        %get3A_267 = arith.constant 0 : index
        %get3A_268 = tpu.vector_load %arg5[%get3A_266, %get3A_267] {strides = array<i32>} : memref<320x16xf32, #tpu.memory_space<vmem>>, vector<1x16xf32>,
        %get3A_269 = vector.shape_cast %get3A_268 : vector<1x16xf32> to vector<16xf32>
        %max3A_270 = arith.maximumf %max3A_261, %get3A_269 : vector<16xf32>
        %mul3A_271 = arith.constant 16 : i32
        %mul3A_272 = arith.muli %scan3A_169, %mul3A_271 : i32
        %add3A_273 = arith.constant 12 : i32
        %add3A_274 = arith.addi %mul3A_272, %add3A_273 : i32
        %get3A_275 = arith.index_cast %add3A_274 : i32 to index
        %get3A_276 = arith.constant 0 : index
        %get3A_277 = tpu.vector_load %arg5[%get3A_275, %get3A_276] {strides = array<i32>} : memref<320x16xf32, #tpu.memory_space<vmem>>, vector<1x16xf32>,
        %get3A_278 = vector.shape_cast %get3A_277 : vector<1x16xf32> to vector<16xf32>
        %max3A_279 = arith.maximumf %max3A_270, %get3A_278 : vector<16xf32>
        %mul3A_280 = arith.constant 16 : i32
        %mul3A_281 = arith.muli %scan3A_169, %mul3A_280 : i32
        %add3A_282 = arith.constant 13 : i32
        %add3A_283 = arith.addi %mul3A_281, %add3A_282 : i32
        %get3A_284 = arith.index_cast %add3A_283 : i32 to index
        %get3A_285 = arith.constant 0 : index
        %get3A_286 = tpu.vector_load %arg5[%get3A_284, %get3A_285] {strides = array<i32>} : memref<320x16xf32, #tpu.memory_space<vmem>>, vector<1x16xf32>,
        %get3A_287 = vector.shape_cast %get3A_286 : vector<1x16xf32> to vector<16xf32>
        %max3A_288 = arith.maximumf %max3A_279, %get3A_287 : vector<16xf32>
        %mul3A_289 = arith.constant 16 : i32
        %mul3A_290 = arith.muli %scan3A_169, %mul3A_289 : i32
        %add3A_291 = arith.constant 14 : i32
        %add3A_292 = arith.addi %mul3A_290, %add3A_291 : i32
        %get3A_293 = arith.index_cast %add3A_292 : i32 to index
        %get3A_294 = arith.constant 0 : index
        %get3A_295 = tpu.vector_load %arg5[%get3A_293, %get3A_294] {strides = array<i32>} : memref<320x16xf32, #tpu.memory_space<vmem>>, vector<1x16xf32>,
        %get3A_296 = vector.shape_cast %get3A_295 : vector<1x16xf32> to vector<16xf32>
        %max3A_297 = arith.maximumf %max3A_288, %get3A_296 : vector<16xf32>
        %mul3A_298 = arith.constant 16 : i32
        %mul3A_299 = arith.muli %scan3A_169, %mul3A_298 : i32
        %add3A_300 = arith.constant 15 : i32
        %add3A_301 = arith.addi %mul3A_299, %add3A_300 : i32
        %get3A_302 = arith.index_cast %add3A_301 : i32 to index
        %get3A_303 = arith.constant 0 : index
        %get3A_304 = tpu.vector_load %arg5[%get3A_302, %get3A_303] {strides = array<i32>} : memref<320x16xf32, #tpu.memory_space<vmem>>, vector<1x16xf32>,
        %get3A_305 = vector.shape_cast %get3A_304 : vector<1x16xf32> to vector<16xf32>
        %max3A_306 = arith.maximumf %max3A_297, %get3A_305 : vector<16xf32>
        %swap3A_307 = arith.index_cast %scan3A_169 : i32 to index
        %swap3A_308 = arith.constant 0 : index
        %swap3A_309 = tpu.vector_load %arg7[%swap3A_307, %swap3A_308] {strides = array<i32>} : memref<20x16xf32, #tpu.memory_space<vmem>>, vector<1x16xf32>,
        %swap3A_310 = vector.shape_cast %swap3A_309 : vector<1x16xf32> to vector<16xf32>
        %swap3A_311 = vector.shape_cast %max3A_306 : vector<16xf32> to vector<1x16xf32>
        tpu.vector_store %arg7[%swap3A_307, %swap3A_308], %swap3A_311 {strides = array<i32>} : memref<20x16xf32, #tpu.memory_space<vmem>>, vector<1x16xf32>,
      }
      %scan3A_154 = arith.constant 20 : i32
      %scan3A_155 = arith.constant 0 : i32
      %scan3A_156 = arith.constant 0.000000e+00 : f32
      %scan3A_157 = arith.constant 0 : i32
      %scan3A_158 = arith.constant 16 : i32
      %scan3A_159 = arith.addi %scan3A_157, %scan3A_158 : i32
      %scan3A_160 = arith.constant 1 : i32
      scf.for %scan3A_169 = %scan3A_157 to %scan3A_159 step %scan3A_160  : i32 {
        %get3A = arith.constant 0 : i32
        %get3A_170 = arith.index_cast %get3A : i32 to index
        %get3A_171 = arith.constant 0 : index
        %get3A_172 = tpu.vector_load %arg10[%get3A_170, %get3A_171] {strides = array<i32>} : memref<2x16xi32, #tpu.memory_space<vmem>>, vector<1x16xi32>,
        %get3A_173 = vector.shape_cast %get3A_172 : vector<1x16xi32> to vector<16xi32>
        %slice3A = vector.extract_strided_slice %get3A_173 {offsets = [0], sizes = [1], strides = [1]} : vector<16xi32> to vector<1xi32>
        %squeeze3A = vector.extract %slice3A[0] : i32 from vector<1xi32>
        %eq3A_174 = arith.constant 0 : i32
        %eq3A_175 = arith.cmpi eq, %squeeze3A, %eq3A_174 : i32
        %convert_element_type3A_176 = arith.extui %eq3A_175 : i1 to i32
        %cond3A_177 = arith.constant 0 : i32
        %cond3A_178 = arith.cmpi ne, %convert_element_type3A_176, %cond3A_177 : i32
        scf.if %cond3A_178 {
          %broadcast_in_dim3A_179 = arith.constant 0xFF800000 : f32
          %broadcast_in_dim3A_180 = vector.broadcast %broadcast_in_dim3A_179 : f32 to vector<16xf32>
          %broadcast_in_dim3A_181 = arith.constant 0 : i32
          %broadcast_in_dim3A_182 = vector.broadcast %broadcast_in_dim3A_181 : i32 to vector<16xi32>
          %scan3A_183 = arith.constant 0 : i32
          %scan3A_184 = arith.constant 20 : i32
          %scan3A_185 = arith.addi %scan3A_183, %scan3A_184 : i32
          %scan3A_186 = arith.constant 5 : i32
          %scan3A_187:2 = scf.for %scan3A_1282 = %scan3A_183 to %scan3A_185 step %scan3A_186 iter_args(%scan3A_1283 = %broadcast_in_dim3A_180, %scan3A_1284 = %broadcast_in_dim3A_182) -> (vector<16xf32>, vector<16xi32>)  : i32 {
            %get3A_1285 = arith.index_cast %scan3A_1282 : i32 to index
            %get3A_1286 = arith.constant 0 : index
            %get3A_1287 = tpu.vector_load %arg7[%get3A_1285, %get3A_1286] {strides = array<i32>} : memref<20x16xf32, #tpu.memory_space<vmem>>, vector<1x16xf32>,
            %get3A_1288 = vector.shape_cast %get3A_1287 : vector<1x16xf32> to vector<16xf32>
            %gt3A_1289 = arith.cmpf ogt, %get3A_1288, %scan3A_1283 : vector<16xf32>
            %select_n3A_1290 = arith.select %gt3A_1289, %get3A_1288, %scan3A_1283 : vector<16xi1>, vector<16xf32>
            %broadcast_in_dim3A_1291 = vector.broadcast %scan3A_1282 : i32 to vector<16xi32>
            %select_n3A_1292 = arith.select %gt3A_1289, %broadcast_in_dim3A_1291, %scan3A_1284 : vector<16xi1>, vector<16xi32>
            %scan3A_1293 = arith.constant 1 : i32
            %scan3A_1294 = arith.addi %scan3A_1282, %scan3A_1293 : i32
            %get3A_1295 = arith.index_cast %scan3A_1294 : i32 to index
            %get3A_1296 = arith.constant 0 : index
            %get3A_1297 = tpu.vector_load %arg7[%get3A_1295, %get3A_1296] {strides = array<i32>} : memref<20x16xf32, #tpu.memory_space<vmem>>, vector<1x16xf32>,
            %get3A_1298 = vector.shape_cast %get3A_1297 : vector<1x16xf32> to vector<16xf32>
            %gt3A_1299 = arith.cmpf ogt, %get3A_1298, %select_n3A_1290 : vector<16xf32>
            %select_n3A_1300 = arith.select %gt3A_1299, %get3A_1298, %select_n3A_1290 : vector<16xi1>, vector<16xf32>
            %broadcast_in_dim3A_1301 = vector.broadcast %scan3A_1294 : i32 to vector<16xi32>
            %select_n3A_1302 = arith.select %gt3A_1299, %broadcast_in_dim3A_1301, %select_n3A_1292 : vector<16xi1>, vector<16xi32>
            %scan3A_1303 = arith.constant 2 : i32
            %scan3A_1304 = arith.addi %scan3A_1282, %scan3A_1303 : i32
            %get3A_1305 = arith.index_cast %scan3A_1304 : i32 to index
            %get3A_1306 = arith.constant 0 : index
            %get3A_1307 = tpu.vector_load %arg7[%get3A_1305, %get3A_1306] {strides = array<i32>} : memref<20x16xf32, #tpu.memory_space<vmem>>, vector<1x16xf32>,
            %get3A_1308 = vector.shape_cast %get3A_1307 : vector<1x16xf32> to vector<16xf32>
            %gt3A_1309 = arith.cmpf ogt, %get3A_1308, %select_n3A_1300 : vector<16xf32>
            %select_n3A_1310 = arith.select %gt3A_1309, %get3A_1308, %select_n3A_1300 : vector<16xi1>, vector<16xf32>
            %broadcast_in_dim3A_1311 = vector.broadcast %scan3A_1304 : i32 to vector<16xi32>
            %select_n3A_1312 = arith.select %gt3A_1309, %broadcast_in_dim3A_1311, %select_n3A_1302 : vector<16xi1>, vector<16xi32>
            %scan3A_1313 = arith.constant 3 : i32
            %scan3A_1314 = arith.addi %scan3A_1282, %scan3A_1313 : i32
            %get3A_1315 = arith.index_cast %scan3A_1314 : i32 to index
            %get3A_1316 = arith.constant 0 : index
            %get3A_1317 = tpu.vector_load %arg7[%get3A_1315, %get3A_1316] {strides = array<i32>} : memref<20x16xf32, #tpu.memory_space<vmem>>, vector<1x16xf32>,
            %get3A_1318 = vector.shape_cast %get3A_1317 : vector<1x16xf32> to vector<16xf32>
            %gt3A_1319 = arith.cmpf ogt, %get3A_1318, %select_n3A_1310 : vector<16xf32>
            %select_n3A_1320 = arith.select %gt3A_1319, %get3A_1318, %select_n3A_1310 : vector<16xi1>, vector<16xf32>
            %broadcast_in_dim3A_1321 = vector.broadcast %scan3A_1314 : i32 to vector<16xi32>
            %select_n3A_1322 = arith.select %gt3A_1319, %broadcast_in_dim3A_1321, %select_n3A_1312 : vector<16xi1>, vector<16xi32>
            %scan3A_1323 = arith.constant 4 : i32
            %scan3A_1324 = arith.addi %scan3A_1282, %scan3A_1323 : i32
            %get3A_1325 = arith.index_cast %scan3A_1324 : i32 to index
            %get3A_1326 = arith.constant 0 : index
            %get3A_1327 = tpu.vector_load %arg7[%get3A_1325, %get3A_1326] {strides = array<i32>} : memref<20x16xf32, #tpu.memory_space<vmem>>, vector<1x16xf32>,
            %get3A_1328 = vector.shape_cast %get3A_1327 : vector<1x16xf32> to vector<16xf32>
            %gt3A_1329 = arith.cmpf ogt, %get3A_1328, %select_n3A_1320 : vector<16xf32>
            %select_n3A_1330 = arith.select %gt3A_1329, %get3A_1328, %select_n3A_1320 : vector<16xi1>, vector<16xf32>
            %broadcast_in_dim3A_1331 = vector.broadcast %scan3A_1324 : i32 to vector<16xi32>
            %select_n3A_1332 = arith.select %gt3A_1329, %broadcast_in_dim3A_1331, %select_n3A_1322 : vector<16xi1>, vector<16xi32>
            scf.yield %select_n3A_1330, %select_n3A_1332 : vector<16xf32>, vector<16xi32>
          }
          %scan3A_188 = arith.constant 20 : i32
          %xor3A = arith.constant 1 : i32
          %xor3A_189 = vector.broadcast %xor3A : i32 to vector<16xi32>
          %xor3A_190 = arith.xori %iota3A, %xor3A_189 : vector<16xi32>
          %lt3A = arith.constant 0 : i32
          %lt3A_191 = vector.broadcast %lt3A : i32 to vector<16xi32>
          %lt3A_192 = arith.cmpi slt, %xor3A_190, %lt3A_191 : vector<16xi32>
          %add3A = arith.constant 16 : i32
          %add3A_193 = vector.broadcast %add3A : i32 to vector<16xi32>
          %add3A_194 = arith.addi %xor3A_190, %add3A_193 : vector<16xi32>
          %select_n3A = arith.select %lt3A_192, %add3A_194, %xor3A_190 : vector<16xi1>, vector<16xi32>
          %broadcast_in_dim3A_195 = vector.shape_cast %select_n3A : vector<16xi32> to vector<16x1xi32>
          %gather3A = vector.shape_cast %broadcast_in_dim3A_195 : vector<16x1xi32> to vector<16xi32>
          %gather3A_196 = tpu.dynamic_gather %scan3A_187#0[%gather3A] in [0] : vector<16xf32>, vector<16xi32> -> vector<16xf32>
          %max3A = arith.maximumf %scan3A_187#0, %gather3A_196 : vector<16xf32>
          %xor3A_197 = arith.constant 2 : i32
          %xor3A_198 = vector.broadcast %xor3A_197 : i32 to vector<16xi32>
          %xor3A_199 = arith.xori %iota3A, %xor3A_198 : vector<16xi32>
          %lt3A_200 = arith.constant 0 : i32
          %lt3A_201 = vector.broadcast %lt3A_200 : i32 to vector<16xi32>
          %lt3A_202 = arith.cmpi slt, %xor3A_199, %lt3A_201 : vector<16xi32>
          %add3A_203 = arith.constant 16 : i32
          %add3A_204 = vector.broadcast %add3A_203 : i32 to vector<16xi32>
          %add3A_205 = arith.addi %xor3A_199, %add3A_204 : vector<16xi32>
          %select_n3A_206 = arith.select %lt3A_202, %add3A_205, %xor3A_199 : vector<16xi1>, vector<16xi32>
          %broadcast_in_dim3A_207 = vector.shape_cast %select_n3A_206 : vector<16xi32> to vector<16x1xi32>
          %gather3A_208 = vector.shape_cast %broadcast_in_dim3A_207 : vector<16x1xi32> to vector<16xi32>
          %gather3A_209 = tpu.dynamic_gather %max3A[%gather3A_208] in [0] : vector<16xf32>, vector<16xi32> -> vector<16xf32>
          %max3A_210 = arith.maximumf %max3A, %gather3A_209 : vector<16xf32>
          %xor3A_211 = arith.constant 4 : i32
          %xor3A_212 = vector.broadcast %xor3A_211 : i32 to vector<16xi32>
          %xor3A_213 = arith.xori %iota3A, %xor3A_212 : vector<16xi32>
          %lt3A_214 = arith.constant 0 : i32
          %lt3A_215 = vector.broadcast %lt3A_214 : i32 to vector<16xi32>
          %lt3A_216 = arith.cmpi slt, %xor3A_213, %lt3A_215 : vector<16xi32>
          %add3A_217 = arith.constant 16 : i32
          %add3A_218 = vector.broadcast %add3A_217 : i32 to vector<16xi32>
          %add3A_219 = arith.addi %xor3A_213, %add3A_218 : vector<16xi32>
          %select_n3A_220 = arith.select %lt3A_216, %add3A_219, %xor3A_213 : vector<16xi1>, vector<16xi32>
          %broadcast_in_dim3A_221 = vector.shape_cast %select_n3A_220 : vector<16xi32> to vector<16x1xi32>
          %gather3A_222 = vector.shape_cast %broadcast_in_dim3A_221 : vector<16x1xi32> to vector<16xi32>
          %gather3A_223 = tpu.dynamic_gather %max3A_210[%gather3A_222] in [0] : vector<16xf32>, vector<16xi32> -> vector<16xf32>
          %max3A_224 = arith.maximumf %max3A_210, %gather3A_223 : vector<16xf32>
          %xor3A_225 = arith.constant 8 : i32
          %xor3A_226 = vector.broadcast %xor3A_225 : i32 to vector<16xi32>
          %xor3A_227 = arith.xori %iota3A, %xor3A_226 : vector<16xi32>
          %lt3A_228 = arith.constant 0 : i32
          %lt3A_229 = vector.broadcast %lt3A_228 : i32 to vector<16xi32>
          %lt3A_230 = arith.cmpi slt, %xor3A_227, %lt3A_229 : vector<16xi32>
          %add3A_231 = arith.constant 16 : i32
          %add3A_232 = vector.broadcast %add3A_231 : i32 to vector<16xi32>
          %add3A_233 = arith.addi %xor3A_227, %add3A_232 : vector<16xi32>
          %select_n3A_234 = arith.select %lt3A_230, %add3A_233, %xor3A_227 : vector<16xi1>, vector<16xi32>
          %broadcast_in_dim3A_235 = vector.shape_cast %select_n3A_234 : vector<16xi32> to vector<16x1xi32>
          %gather3A_236 = vector.shape_cast %broadcast_in_dim3A_235 : vector<16x1xi32> to vector<16xi32>
          %gather3A_237 = tpu.dynamic_gather %max3A_224[%gather3A_236] in [0] : vector<16xf32>, vector<16xi32> -> vector<16xf32>
          %max3A_238 = arith.maximumf %max3A_224, %gather3A_237 : vector<16xf32>
          %eq3A_239 = arith.cmpf oeq, %scan3A_187#0, %max3A_238 : vector<16xf32>
          %jit3A = arith.constant 1073741824 : i32
          %broadcast_in_dim3A_240 = vector.broadcast %jit3A : i32 to vector<16xi32>
          %select_n3A_241 = arith.select %eq3A_239, %scan3A_187#1, %broadcast_in_dim3A_240 : vector<16xi1>, vector<16xi32>
          %xor3A_242 = arith.constant 1 : i32
          %xor3A_243 = vector.broadcast %xor3A_242 : i32 to vector<16xi32>
          %xor3A_244 = arith.xori %iota3A, %xor3A_243 : vector<16xi32>
          %lt3A_245 = arith.constant 0 : i32
          %lt3A_246 = vector.broadcast %lt3A_245 : i32 to vector<16xi32>
          %lt3A_247 = arith.cmpi slt, %xor3A_244, %lt3A_246 : vector<16xi32>
          %add3A_248 = arith.constant 16 : i32
          %add3A_249 = vector.broadcast %add3A_248 : i32 to vector<16xi32>
          %add3A_250 = arith.addi %xor3A_244, %add3A_249 : vector<16xi32>
          %select_n3A_251 = arith.select %lt3A_247, %add3A_250, %xor3A_244 : vector<16xi1>, vector<16xi32>
          %broadcast_in_dim3A_252 = vector.shape_cast %select_n3A_251 : vector<16xi32> to vector<16x1xi32>
          %gather3A_253 = vector.shape_cast %broadcast_in_dim3A_252 : vector<16x1xi32> to vector<16xi32>
          %gather3A_254 = tpu.dynamic_gather %select_n3A_241[%gather3A_253] in [0] : vector<16xi32>, vector<16xi32> -> vector<16xi32>
          %min3A = arith.minsi %select_n3A_241, %gather3A_254 : vector<16xi32>
          %xor3A_255 = arith.constant 2 : i32
          %xor3A_256 = vector.broadcast %xor3A_255 : i32 to vector<16xi32>
          %xor3A_257 = arith.xori %iota3A, %xor3A_256 : vector<16xi32>
          %lt3A_258 = arith.constant 0 : i32
          %lt3A_259 = vector.broadcast %lt3A_258 : i32 to vector<16xi32>
          %lt3A_260 = arith.cmpi slt, %xor3A_257, %lt3A_259 : vector<16xi32>
          %add3A_261 = arith.constant 16 : i32
          %add3A_262 = vector.broadcast %add3A_261 : i32 to vector<16xi32>
          %add3A_263 = arith.addi %xor3A_257, %add3A_262 : vector<16xi32>
          %select_n3A_264 = arith.select %lt3A_260, %add3A_263, %xor3A_257 : vector<16xi1>, vector<16xi32>
          %broadcast_in_dim3A_265 = vector.shape_cast %select_n3A_264 : vector<16xi32> to vector<16x1xi32>
          %gather3A_266 = vector.shape_cast %broadcast_in_dim3A_265 : vector<16x1xi32> to vector<16xi32>
          %gather3A_267 = tpu.dynamic_gather %min3A[%gather3A_266] in [0] : vector<16xi32>, vector<16xi32> -> vector<16xi32>
          %min3A_268 = arith.minsi %min3A, %gather3A_267 : vector<16xi32>
          %xor3A_269 = arith.constant 4 : i32
          %xor3A_270 = vector.broadcast %xor3A_269 : i32 to vector<16xi32>
          %xor3A_271 = arith.xori %iota3A, %xor3A_270 : vector<16xi32>
          %lt3A_272 = arith.constant 0 : i32
          %lt3A_273 = vector.broadcast %lt3A_272 : i32 to vector<16xi32>
          %lt3A_274 = arith.cmpi slt, %xor3A_271, %lt3A_273 : vector<16xi32>
          %add3A_275 = arith.constant 16 : i32
          %add3A_276 = vector.broadcast %add3A_275 : i32 to vector<16xi32>
          %add3A_277 = arith.addi %xor3A_271, %add3A_276 : vector<16xi32>
          %select_n3A_278 = arith.select %lt3A_274, %add3A_277, %xor3A_271 : vector<16xi1>, vector<16xi32>
          %broadcast_in_dim3A_279 = vector.shape_cast %select_n3A_278 : vector<16xi32> to vector<16x1xi32>
          %gather3A_280 = vector.shape_cast %broadcast_in_dim3A_279 : vector<16x1xi32> to vector<16xi32>
          %gather3A_281 = tpu.dynamic_gather %min3A_268[%gather3A_280] in [0] : vector<16xi32>, vector<16xi32> -> vector<16xi32>
          %min3A_282 = arith.minsi %min3A_268, %gather3A_281 : vector<16xi32>
          %xor3A_283 = arith.constant 8 : i32
          %xor3A_284 = vector.broadcast %xor3A_283 : i32 to vector<16xi32>
          %xor3A_285 = arith.xori %iota3A, %xor3A_284 : vector<16xi32>
          %lt3A_286 = arith.constant 0 : i32
          %lt3A_287 = vector.broadcast %lt3A_286 : i32 to vector<16xi32>
          %lt3A_288 = arith.cmpi slt, %xor3A_285, %lt3A_287 : vector<16xi32>
          %add3A_289 = arith.constant 16 : i32
          %add3A_290 = vector.broadcast %add3A_289 : i32 to vector<16xi32>
          %add3A_291 = arith.addi %xor3A_285, %add3A_290 : vector<16xi32>
          %select_n3A_292 = arith.select %lt3A_288, %add3A_291, %xor3A_285 : vector<16xi1>, vector<16xi32>
          %broadcast_in_dim3A_293 = vector.shape_cast %select_n3A_292 : vector<16xi32> to vector<16x1xi32>
          %gather3A_294 = vector.shape_cast %broadcast_in_dim3A_293 : vector<16x1xi32> to vector<16xi32>
          %gather3A_295 = tpu.dynamic_gather %min3A_282[%gather3A_294] in [0] : vector<16xi32>, vector<16xi32> -> vector<16xi32>
          %min3A_296 = arith.minsi %min3A_282, %gather3A_295 : vector<16xi32>
          %slice3A_297 = vector.extract_strided_slice %min3A_296 {offsets = [0], sizes = [1], strides = [1]} : vector<16xi32> to vector<1xi32>
          %squeeze3A_298 = vector.extract %slice3A_297[0] : i32 from vector<1xi32>
          %broadcast_in_dim3A_299 = arith.constant 0xFF800000 : f32
          %broadcast_in_dim3A_300 = vector.broadcast %broadcast_in_dim3A_299 : f32 to vector<16xf32>
          %broadcast_in_dim3A_301 = arith.constant 0 : i32
          %broadcast_in_dim3A_302 = vector.broadcast %broadcast_in_dim3A_301 : i32 to vector<16xi32>
          %mul3A = arith.constant 16 : i32
          %mul3A_303 = arith.muli %squeeze3A_298, %mul3A : i32
          %add3A_304 = arith.constant 0 : i32
          %add3A_305 = arith.addi %mul3A_303, %add3A_304 : i32
          %get3A_306 = arith.index_cast %add3A_305 : i32 to index
          %get3A_307 = arith.constant 0 : index
          %get3A_308 = tpu.vector_load %arg5[%get3A_306, %get3A_307] {strides = array<i32>} : memref<320x16xf32, #tpu.memory_space<vmem>>, vector<1x16xf32>,
          %get3A_309 = vector.shape_cast %get3A_308 : vector<1x16xf32> to vector<16xf32>
          %gt3A = arith.cmpf ogt, %get3A_309, %broadcast_in_dim3A_300 : vector<16xf32>
          %select_n3A_310 = arith.select %gt3A, %get3A_309, %broadcast_in_dim3A_300 : vector<16xi1>, vector<16xf32>
          %mul3A_311 = arith.constant 16 : i32
          %mul3A_312 = arith.muli %add3A_305, %mul3A_311 : i32
          %add3A_313 = vector.broadcast %mul3A_312 : i32 to vector<16xi32>
          %add3A_314 = arith.addi %add3A_313, %iota3A : vector<16xi32>
          %select_n3A_315 = arith.select %gt3A, %add3A_314, %broadcast_in_dim3A_302 : vector<16xi1>, vector<16xi32>
          %mul3A_316 = arith.constant 16 : i32
          %mul3A_317 = arith.muli %squeeze3A_298, %mul3A_316 : i32
          %add3A_318 = arith.constant 1 : i32
          %add3A_319 = arith.addi %mul3A_317, %add3A_318 : i32
          %get3A_320 = arith.index_cast %add3A_319 : i32 to index
          %get3A_321 = arith.constant 0 : index
          %get3A_322 = tpu.vector_load %arg5[%get3A_320, %get3A_321] {strides = array<i32>} : memref<320x16xf32, #tpu.memory_space<vmem>>, vector<1x16xf32>,
          %get3A_323 = vector.shape_cast %get3A_322 : vector<1x16xf32> to vector<16xf32>
          %gt3A_324 = arith.cmpf ogt, %get3A_323, %select_n3A_310 : vector<16xf32>
          %select_n3A_325 = arith.select %gt3A_324, %get3A_323, %select_n3A_310 : vector<16xi1>, vector<16xf32>
          %mul3A_326 = arith.constant 16 : i32
          %mul3A_327 = arith.muli %add3A_319, %mul3A_326 : i32
          %add3A_328 = vector.broadcast %mul3A_327 : i32 to vector<16xi32>
          %add3A_329 = arith.addi %add3A_328, %iota3A : vector<16xi32>
          %select_n3A_330 = arith.select %gt3A_324, %add3A_329, %select_n3A_315 : vector<16xi1>, vector<16xi32>
          %mul3A_331 = arith.constant 16 : i32
          %mul3A_332 = arith.muli %squeeze3A_298, %mul3A_331 : i32
          %add3A_333 = arith.constant 2 : i32
          %add3A_334 = arith.addi %mul3A_332, %add3A_333 : i32
          %get3A_335 = arith.index_cast %add3A_334 : i32 to index
          %get3A_336 = arith.constant 0 : index
          %get3A_337 = tpu.vector_load %arg5[%get3A_335, %get3A_336] {strides = array<i32>} : memref<320x16xf32, #tpu.memory_space<vmem>>, vector<1x16xf32>,
          %get3A_338 = vector.shape_cast %get3A_337 : vector<1x16xf32> to vector<16xf32>
          %gt3A_339 = arith.cmpf ogt, %get3A_338, %select_n3A_325 : vector<16xf32>
          %select_n3A_340 = arith.select %gt3A_339, %get3A_338, %select_n3A_325 : vector<16xi1>, vector<16xf32>
          %mul3A_341 = arith.constant 16 : i32
          %mul3A_342 = arith.muli %add3A_334, %mul3A_341 : i32
          %add3A_343 = vector.broadcast %mul3A_342 : i32 to vector<16xi32>
          %add3A_344 = arith.addi %add3A_343, %iota3A : vector<16xi32>
          %select_n3A_345 = arith.select %gt3A_339, %add3A_344, %select_n3A_330 : vector<16xi1>, vector<16xi32>
          %mul3A_346 = arith.constant 16 : i32
          %mul3A_347 = arith.muli %squeeze3A_298, %mul3A_346 : i32
          %add3A_348 = arith.constant 3 : i32
          %add3A_349 = arith.addi %mul3A_347, %add3A_348 : i32
          %get3A_350 = arith.index_cast %add3A_349 : i32 to index
          %get3A_351 = arith.constant 0 : index
          %get3A_352 = tpu.vector_load %arg5[%get3A_350, %get3A_351] {strides = array<i32>} : memref<320x16xf32, #tpu.memory_space<vmem>>, vector<1x16xf32>,
          %get3A_353 = vector.shape_cast %get3A_352 : vector<1x16xf32> to vector<16xf32>
          %gt3A_354 = arith.cmpf ogt, %get3A_353, %select_n3A_340 : vector<16xf32>
          %select_n3A_355 = arith.select %gt3A_354, %get3A_353, %select_n3A_340 : vector<16xi1>, vector<16xf32>
          %mul3A_356 = arith.constant 16 : i32
          %mul3A_357 = arith.muli %add3A_349, %mul3A_356 : i32
          %add3A_358 = vector.broadcast %mul3A_357 : i32 to vector<16xi32>
          %add3A_359 = arith.addi %add3A_358, %iota3A : vector<16xi32>
          %select_n3A_360 = arith.select %gt3A_354, %add3A_359, %select_n3A_345 : vector<16xi1>, vector<16xi32>
          %mul3A_361 = arith.constant 16 : i32
          %mul3A_362 = arith.muli %squeeze3A_298, %mul3A_361 : i32
          %add3A_363 = arith.constant 4 : i32
          %add3A_364 = arith.addi %mul3A_362, %add3A_363 : i32
          %get3A_365 = arith.index_cast %add3A_364 : i32 to index
          %get3A_366 = arith.constant 0 : index
          %get3A_367 = tpu.vector_load %arg5[%get3A_365, %get3A_366] {strides = array<i32>} : memref<320x16xf32, #tpu.memory_space<vmem>>, vector<1x16xf32>,
          %get3A_368 = vector.shape_cast %get3A_367 : vector<1x16xf32> to vector<16xf32>
          %gt3A_369 = arith.cmpf ogt, %get3A_368, %select_n3A_355 : vector<16xf32>
          %select_n3A_370 = arith.select %gt3A_369, %get3A_368, %select_n3A_355 : vector<16xi1>, vector<16xf32>
          %mul3A_371 = arith.constant 16 : i32
          %mul3A_372 = arith.muli %add3A_364, %mul3A_371 : i32
          %add3A_373 = vector.broadcast %mul3A_372 : i32 to vector<16xi32>
          %add3A_374 = arith.addi %add3A_373, %iota3A : vector<16xi32>
          %select_n3A_375 = arith.select %gt3A_369, %add3A_374, %select_n3A_360 : vector<16xi1>, vector<16xi32>
          %mul3A_376 = arith.constant 16 : i32
          %mul3A_377 = arith.muli %squeeze3A_298, %mul3A_376 : i32
          %add3A_378 = arith.constant 5 : i32
          %add3A_379 = arith.addi %mul3A_377, %add3A_378 : i32
          %get3A_380 = arith.index_cast %add3A_379 : i32 to index
          %get3A_381 = arith.constant 0 : index
          %get3A_382 = tpu.vector_load %arg5[%get3A_380, %get3A_381] {strides = array<i32>} : memref<320x16xf32, #tpu.memory_space<vmem>>, vector<1x16xf32>,
          %get3A_383 = vector.shape_cast %get3A_382 : vector<1x16xf32> to vector<16xf32>
          %gt3A_384 = arith.cmpf ogt, %get3A_383, %select_n3A_370 : vector<16xf32>
          %select_n3A_385 = arith.select %gt3A_384, %get3A_383, %select_n3A_370 : vector<16xi1>, vector<16xf32>
          %mul3A_386 = arith.constant 16 : i32
          %mul3A_387 = arith.muli %add3A_379, %mul3A_386 : i32
          %add3A_388 = vector.broadcast %mul3A_387 : i32 to vector<16xi32>
          %add3A_389 = arith.addi %add3A_388, %iota3A : vector<16xi32>
          %select_n3A_390 = arith.select %gt3A_384, %add3A_389, %select_n3A_375 : vector<16xi1>, vector<16xi32>
          %mul3A_391 = arith.constant 16 : i32
          %mul3A_392 = arith.muli %squeeze3A_298, %mul3A_391 : i32
          %add3A_393 = arith.constant 6 : i32
          %add3A_394 = arith.addi %mul3A_392, %add3A_393 : i32
          %get3A_395 = arith.index_cast %add3A_394 : i32 to index
          %get3A_396 = arith.constant 0 : index
          %get3A_397 = tpu.vector_load %arg5[%get3A_395, %get3A_396] {strides = array<i32>} : memref<320x16xf32, #tpu.memory_space<vmem>>, vector<1x16xf32>,
          %get3A_398 = vector.shape_cast %get3A_397 : vector<1x16xf32> to vector<16xf32>
          %gt3A_399 = arith.cmpf ogt, %get3A_398, %select_n3A_385 : vector<16xf32>
          %select_n3A_400 = arith.select %gt3A_399, %get3A_398, %select_n3A_385 : vector<16xi1>, vector<16xf32>
          %mul3A_401 = arith.constant 16 : i32
          %mul3A_402 = arith.muli %add3A_394, %mul3A_401 : i32
          %add3A_403 = vector.broadcast %mul3A_402 : i32 to vector<16xi32>
          %add3A_404 = arith.addi %add3A_403, %iota3A : vector<16xi32>
          %select_n3A_405 = arith.select %gt3A_399, %add3A_404, %select_n3A_390 : vector<16xi1>, vector<16xi32>
          %mul3A_406 = arith.constant 16 : i32
          %mul3A_407 = arith.muli %squeeze3A_298, %mul3A_406 : i32
          %add3A_408 = arith.constant 7 : i32
          %add3A_409 = arith.addi %mul3A_407, %add3A_408 : i32
          %get3A_410 = arith.index_cast %add3A_409 : i32 to index
          %get3A_411 = arith.constant 0 : index
          %get3A_412 = tpu.vector_load %arg5[%get3A_410, %get3A_411] {strides = array<i32>} : memref<320x16xf32, #tpu.memory_space<vmem>>, vector<1x16xf32>,
          %get3A_413 = vector.shape_cast %get3A_412 : vector<1x16xf32> to vector<16xf32>
          %gt3A_414 = arith.cmpf ogt, %get3A_413, %select_n3A_400 : vector<16xf32>
          %select_n3A_415 = arith.select %gt3A_414, %get3A_413, %select_n3A_400 : vector<16xi1>, vector<16xf32>
          %mul3A_416 = arith.constant 16 : i32
          %mul3A_417 = arith.muli %add3A_409, %mul3A_416 : i32
          %add3A_418 = vector.broadcast %mul3A_417 : i32 to vector<16xi32>
          %add3A_419 = arith.addi %add3A_418, %iota3A : vector<16xi32>
          %select_n3A_420 = arith.select %gt3A_414, %add3A_419, %select_n3A_405 : vector<16xi1>, vector<16xi32>
          %mul3A_421 = arith.constant 16 : i32
          %mul3A_422 = arith.muli %squeeze3A_298, %mul3A_421 : i32
          %add3A_423 = arith.constant 8 : i32
          %add3A_424 = arith.addi %mul3A_422, %add3A_423 : i32
          %get3A_425 = arith.index_cast %add3A_424 : i32 to index
          %get3A_426 = arith.constant 0 : index
          %get3A_427 = tpu.vector_load %arg5[%get3A_425, %get3A_426] {strides = array<i32>} : memref<320x16xf32, #tpu.memory_space<vmem>>, vector<1x16xf32>,
          %get3A_428 = vector.shape_cast %get3A_427 : vector<1x16xf32> to vector<16xf32>
          %gt3A_429 = arith.cmpf ogt, %get3A_428, %select_n3A_415 : vector<16xf32>
          %select_n3A_430 = arith.select %gt3A_429, %get3A_428, %select_n3A_415 : vector<16xi1>, vector<16xf32>
          %mul3A_431 = arith.constant 16 : i32
          %mul3A_432 = arith.muli %add3A_424, %mul3A_431 : i32
          %add3A_433 = vector.broadcast %mul3A_432 : i32 to vector<16xi32>
          %add3A_434 = arith.addi %add3A_433, %iota3A : vector<16xi32>
          %select_n3A_435 = arith.select %gt3A_429, %add3A_434, %select_n3A_420 : vector<16xi1>, vector<16xi32>
          %mul3A_436 = arith.constant 16 : i32
          %mul3A_437 = arith.muli %squeeze3A_298, %mul3A_436 : i32
          %add3A_438 = arith.constant 9 : i32
          %add3A_439 = arith.addi %mul3A_437, %add3A_438 : i32
          %get3A_440 = arith.index_cast %add3A_439 : i32 to index
          %get3A_441 = arith.constant 0 : index
          %get3A_442 = tpu.vector_load %arg5[%get3A_440, %get3A_441] {strides = array<i32>} : memref<320x16xf32, #tpu.memory_space<vmem>>, vector<1x16xf32>,
          %get3A_443 = vector.shape_cast %get3A_442 : vector<1x16xf32> to vector<16xf32>
          %gt3A_444 = arith.cmpf ogt, %get3A_443, %select_n3A_430 : vector<16xf32>
          %select_n3A_445 = arith.select %gt3A_444, %get3A_443, %select_n3A_430 : vector<16xi1>, vector<16xf32>
          %mul3A_446 = arith.constant 16 : i32
          %mul3A_447 = arith.muli %add3A_439, %mul3A_446 : i32
          %add3A_448 = vector.broadcast %mul3A_447 : i32 to vector<16xi32>
          %add3A_449 = arith.addi %add3A_448, %iota3A : vector<16xi32>
          %select_n3A_450 = arith.select %gt3A_444, %add3A_449, %select_n3A_435 : vector<16xi1>, vector<16xi32>
          %mul3A_451 = arith.constant 16 : i32
          %mul3A_452 = arith.muli %squeeze3A_298, %mul3A_451 : i32
          %add3A_453 = arith.constant 10 : i32
          %add3A_454 = arith.addi %mul3A_452, %add3A_453 : i32
          %get3A_455 = arith.index_cast %add3A_454 : i32 to index
          %get3A_456 = arith.constant 0 : index
          %get3A_457 = tpu.vector_load %arg5[%get3A_455, %get3A_456] {strides = array<i32>} : memref<320x16xf32, #tpu.memory_space<vmem>>, vector<1x16xf32>,
          %get3A_458 = vector.shape_cast %get3A_457 : vector<1x16xf32> to vector<16xf32>
          %gt3A_459 = arith.cmpf ogt, %get3A_458, %select_n3A_445 : vector<16xf32>
          %select_n3A_460 = arith.select %gt3A_459, %get3A_458, %select_n3A_445 : vector<16xi1>, vector<16xf32>
          %mul3A_461 = arith.constant 16 : i32
          %mul3A_462 = arith.muli %add3A_454, %mul3A_461 : i32
          %add3A_463 = vector.broadcast %mul3A_462 : i32 to vector<16xi32>
          %add3A_464 = arith.addi %add3A_463, %iota3A : vector<16xi32>
          %select_n3A_465 = arith.select %gt3A_459, %add3A_464, %select_n3A_450 : vector<16xi1>, vector<16xi32>
          %mul3A_466 = arith.constant 16 : i32
          %mul3A_467 = arith.muli %squeeze3A_298, %mul3A_466 : i32
          %add3A_468 = arith.constant 11 : i32
          %add3A_469 = arith.addi %mul3A_467, %add3A_468 : i32
          %get3A_470 = arith.index_cast %add3A_469 : i32 to index
          %get3A_471 = arith.constant 0 : index
          %get3A_472 = tpu.vector_load %arg5[%get3A_470, %get3A_471] {strides = array<i32>} : memref<320x16xf32, #tpu.memory_space<vmem>>, vector<1x16xf32>,
          %get3A_473 = vector.shape_cast %get3A_472 : vector<1x16xf32> to vector<16xf32>
          %gt3A_474 = arith.cmpf ogt, %get3A_473, %select_n3A_460 : vector<16xf32>
          %select_n3A_475 = arith.select %gt3A_474, %get3A_473, %select_n3A_460 : vector<16xi1>, vector<16xf32>
          %mul3A_476 = arith.constant 16 : i32
          %mul3A_477 = arith.muli %add3A_469, %mul3A_476 : i32
          %add3A_478 = vector.broadcast %mul3A_477 : i32 to vector<16xi32>
          %add3A_479 = arith.addi %add3A_478, %iota3A : vector<16xi32>
          %select_n3A_480 = arith.select %gt3A_474, %add3A_479, %select_n3A_465 : vector<16xi1>, vector<16xi32>
          %mul3A_481 = arith.constant 16 : i32
          %mul3A_482 = arith.muli %squeeze3A_298, %mul3A_481 : i32
          %add3A_483 = arith.constant 12 : i32
          %add3A_484 = arith.addi %mul3A_482, %add3A_483 : i32
          %get3A_485 = arith.index_cast %add3A_484 : i32 to index
          %get3A_486 = arith.constant 0 : index
          %get3A_487 = tpu.vector_load %arg5[%get3A_485, %get3A_486] {strides = array<i32>} : memref<320x16xf32, #tpu.memory_space<vmem>>, vector<1x16xf32>,
          %get3A_488 = vector.shape_cast %get3A_487 : vector<1x16xf32> to vector<16xf32>
          %gt3A_489 = arith.cmpf ogt, %get3A_488, %select_n3A_475 : vector<16xf32>
          %select_n3A_490 = arith.select %gt3A_489, %get3A_488, %select_n3A_475 : vector<16xi1>, vector<16xf32>
          %mul3A_491 = arith.constant 16 : i32
          %mul3A_492 = arith.muli %add3A_484, %mul3A_491 : i32
          %add3A_493 = vector.broadcast %mul3A_492 : i32 to vector<16xi32>
          %add3A_494 = arith.addi %add3A_493, %iota3A : vector<16xi32>
          %select_n3A_495 = arith.select %gt3A_489, %add3A_494, %select_n3A_480 : vector<16xi1>, vector<16xi32>
          %mul3A_496 = arith.constant 16 : i32
          %mul3A_497 = arith.muli %squeeze3A_298, %mul3A_496 : i32
          %add3A_498 = arith.constant 13 : i32
          %add3A_499 = arith.addi %mul3A_497, %add3A_498 : i32
          %get3A_500 = arith.index_cast %add3A_499 : i32 to index
          %get3A_501 = arith.constant 0 : index
          %get3A_502 = tpu.vector_load %arg5[%get3A_500, %get3A_501] {strides = array<i32>} : memref<320x16xf32, #tpu.memory_space<vmem>>, vector<1x16xf32>,
          %get3A_503 = vector.shape_cast %get3A_502 : vector<1x16xf32> to vector<16xf32>
          %gt3A_504 = arith.cmpf ogt, %get3A_503, %select_n3A_490 : vector<16xf32>
          %select_n3A_505 = arith.select %gt3A_504, %get3A_503, %select_n3A_490 : vector<16xi1>, vector<16xf32>
          %mul3A_506 = arith.constant 16 : i32
          %mul3A_507 = arith.muli %add3A_499, %mul3A_506 : i32
          %add3A_508 = vector.broadcast %mul3A_507 : i32 to vector<16xi32>
          %add3A_509 = arith.addi %add3A_508, %iota3A : vector<16xi32>
          %select_n3A_510 = arith.select %gt3A_504, %add3A_509, %select_n3A_495 : vector<16xi1>, vector<16xi32>
          %mul3A_511 = arith.constant 16 : i32
          %mul3A_512 = arith.muli %squeeze3A_298, %mul3A_511 : i32
          %add3A_513 = arith.constant 14 : i32
          %add3A_514 = arith.addi %mul3A_512, %add3A_513 : i32
          %get3A_515 = arith.index_cast %add3A_514 : i32 to index
          %get3A_516 = arith.constant 0 : index
          %get3A_517 = tpu.vector_load %arg5[%get3A_515, %get3A_516] {strides = array<i32>} : memref<320x16xf32, #tpu.memory_space<vmem>>, vector<1x16xf32>,
          %get3A_518 = vector.shape_cast %get3A_517 : vector<1x16xf32> to vector<16xf32>
          %gt3A_519 = arith.cmpf ogt, %get3A_518, %select_n3A_505 : vector<16xf32>
          %select_n3A_520 = arith.select %gt3A_519, %get3A_518, %select_n3A_505 : vector<16xi1>, vector<16xf32>
          %mul3A_521 = arith.constant 16 : i32
          %mul3A_522 = arith.muli %add3A_514, %mul3A_521 : i32
          %add3A_523 = vector.broadcast %mul3A_522 : i32 to vector<16xi32>
          %add3A_524 = arith.addi %add3A_523, %iota3A : vector<16xi32>
          %select_n3A_525 = arith.select %gt3A_519, %add3A_524, %select_n3A_510 : vector<16xi1>, vector<16xi32>
          %mul3A_526 = arith.constant 16 : i32
          %mul3A_527 = arith.muli %squeeze3A_298, %mul3A_526 : i32
          %add3A_528 = arith.constant 15 : i32
          %add3A_529 = arith.addi %mul3A_527, %add3A_528 : i32
          %get3A_530 = arith.index_cast %add3A_529 : i32 to index
          %get3A_531 = arith.constant 0 : index
          %get3A_532 = tpu.vector_load %arg5[%get3A_530, %get3A_531] {strides = array<i32>} : memref<320x16xf32, #tpu.memory_space<vmem>>, vector<1x16xf32>,
          %get3A_533 = vector.shape_cast %get3A_532 : vector<1x16xf32> to vector<16xf32>
          %gt3A_534 = arith.cmpf ogt, %get3A_533, %select_n3A_520 : vector<16xf32>
          %select_n3A_535 = arith.select %gt3A_534, %get3A_533, %select_n3A_520 : vector<16xi1>, vector<16xf32>
          %mul3A_536 = arith.constant 16 : i32
          %mul3A_537 = arith.muli %add3A_529, %mul3A_536 : i32
          %add3A_538 = vector.broadcast %mul3A_537 : i32 to vector<16xi32>
          %add3A_539 = arith.addi %add3A_538, %iota3A : vector<16xi32>
          %select_n3A_540 = arith.select %gt3A_534, %add3A_539, %select_n3A_525 : vector<16xi1>, vector<16xi32>
          %eq3A_541 = arith.cmpf oeq, %select_n3A_535, %max3A_238 : vector<16xf32>
          %jit3A_542 = arith.constant 1073741824 : i32
          %broadcast_in_dim3A_543 = vector.broadcast %jit3A_542 : i32 to vector<16xi32>
          %select_n3A_544 = arith.select %eq3A_541, %select_n3A_540, %broadcast_in_dim3A_543 : vector<16xi1>, vector<16xi32>
          %xor3A_545 = arith.constant 1 : i32
          %xor3A_546 = vector.broadcast %xor3A_545 : i32 to vector<16xi32>
          %xor3A_547 = arith.xori %iota3A, %xor3A_546 : vector<16xi32>
          %lt3A_548 = arith.constant 0 : i32
          %lt3A_549 = vector.broadcast %lt3A_548 : i32 to vector<16xi32>
          %lt3A_550 = arith.cmpi slt, %xor3A_547, %lt3A_549 : vector<16xi32>
          %add3A_551 = arith.constant 16 : i32
          %add3A_552 = vector.broadcast %add3A_551 : i32 to vector<16xi32>
          %add3A_553 = arith.addi %xor3A_547, %add3A_552 : vector<16xi32>
          %select_n3A_554 = arith.select %lt3A_550, %add3A_553, %xor3A_547 : vector<16xi1>, vector<16xi32>
          %broadcast_in_dim3A_555 = vector.shape_cast %select_n3A_554 : vector<16xi32> to vector<16x1xi32>
          %gather3A_556 = vector.shape_cast %broadcast_in_dim3A_555 : vector<16x1xi32> to vector<16xi32>
          %gather3A_557 = tpu.dynamic_gather %select_n3A_544[%gather3A_556] in [0] : vector<16xi32>, vector<16xi32> -> vector<16xi32>
          %min3A_558 = arith.minsi %select_n3A_544, %gather3A_557 : vector<16xi32>
          %xor3A_559 = arith.constant 2 : i32
          %xor3A_560 = vector.broadcast %xor3A_559 : i32 to vector<16xi32>
          %xor3A_561 = arith.xori %iota3A, %xor3A_560 : vector<16xi32>
          %lt3A_562 = arith.constant 0 : i32
          %lt3A_563 = vector.broadcast %lt3A_562 : i32 to vector<16xi32>
          %lt3A_564 = arith.cmpi slt, %xor3A_561, %lt3A_563 : vector<16xi32>
          %add3A_565 = arith.constant 16 : i32
          %add3A_566 = vector.broadcast %add3A_565 : i32 to vector<16xi32>
          %add3A_567 = arith.addi %xor3A_561, %add3A_566 : vector<16xi32>
          %select_n3A_568 = arith.select %lt3A_564, %add3A_567, %xor3A_561 : vector<16xi1>, vector<16xi32>
          %broadcast_in_dim3A_569 = vector.shape_cast %select_n3A_568 : vector<16xi32> to vector<16x1xi32>
          %gather3A_570 = vector.shape_cast %broadcast_in_dim3A_569 : vector<16x1xi32> to vector<16xi32>
          %gather3A_571 = tpu.dynamic_gather %min3A_558[%gather3A_570] in [0] : vector<16xi32>, vector<16xi32> -> vector<16xi32>
          %min3A_572 = arith.minsi %min3A_558, %gather3A_571 : vector<16xi32>
          %xor3A_573 = arith.constant 4 : i32
          %xor3A_574 = vector.broadcast %xor3A_573 : i32 to vector<16xi32>
          %xor3A_575 = arith.xori %iota3A, %xor3A_574 : vector<16xi32>
          %lt3A_576 = arith.constant 0 : i32
          %lt3A_577 = vector.broadcast %lt3A_576 : i32 to vector<16xi32>
          %lt3A_578 = arith.cmpi slt, %xor3A_575, %lt3A_577 : vector<16xi32>
          %add3A_579 = arith.constant 16 : i32
          %add3A_580 = vector.broadcast %add3A_579 : i32 to vector<16xi32>
          %add3A_581 = arith.addi %xor3A_575, %add3A_580 : vector<16xi32>
          %select_n3A_582 = arith.select %lt3A_578, %add3A_581, %xor3A_575 : vector<16xi1>, vector<16xi32>
          %broadcast_in_dim3A_583 = vector.shape_cast %select_n3A_582 : vector<16xi32> to vector<16x1xi32>
          %gather3A_584 = vector.shape_cast %broadcast_in_dim3A_583 : vector<16x1xi32> to vector<16xi32>
          %gather3A_585 = tpu.dynamic_gather %min3A_572[%gather3A_584] in [0] : vector<16xi32>, vector<16xi32> -> vector<16xi32>
          %min3A_586 = arith.minsi %min3A_572, %gather3A_585 : vector<16xi32>
          %xor3A_587 = arith.constant 8 : i32
          %xor3A_588 = vector.broadcast %xor3A_587 : i32 to vector<16xi32>
          %xor3A_589 = arith.xori %iota3A, %xor3A_588 : vector<16xi32>
          %lt3A_590 = arith.constant 0 : i32
          %lt3A_591 = vector.broadcast %lt3A_590 : i32 to vector<16xi32>
          %lt3A_592 = arith.cmpi slt, %xor3A_589, %lt3A_591 : vector<16xi32>
          %add3A_593 = arith.constant 16 : i32
          %add3A_594 = vector.broadcast %add3A_593 : i32 to vector<16xi32>
          %add3A_595 = arith.addi %xor3A_589, %add3A_594 : vector<16xi32>
          %select_n3A_596 = arith.select %lt3A_592, %add3A_595, %xor3A_589 : vector<16xi1>, vector<16xi32>
          %broadcast_in_dim3A_597 = vector.shape_cast %select_n3A_596 : vector<16xi32> to vector<16x1xi32>
          %gather3A_598 = vector.shape_cast %broadcast_in_dim3A_597 : vector<16x1xi32> to vector<16xi32>
          %gather3A_599 = tpu.dynamic_gather %min3A_586[%gather3A_598] in [0] : vector<16xi32>, vector<16xi32> -> vector<16xi32>
          %min3A_600 = arith.minsi %min3A_586, %gather3A_599 : vector<16xi32>
          %slice3A_601 = vector.extract_strided_slice %min3A_600 {offsets = [0], sizes = [1], strides = [1]} : vector<16xi32> to vector<1xi32>
          %squeeze3A_602 = vector.extract %slice3A_601[0] : i32 from vector<1xi32>
          %shift_right_logical3A = arith.constant 4 : i32
          %shift_right_logical3A_603 = arith.shrui %squeeze3A_602, %shift_right_logical3A : i32
          %and3A_604 = arith.constant 15 : i32
          %and3A_605 = arith.andi %squeeze3A_602, %and3A_604 : i32
          %eq3A_606 = vector.broadcast %and3A_605 : i32 to vector<16xi32>
          %eq3A_607 = arith.cmpi eq, %iota3A, %eq3A_606 : vector<16xi32>
          %get3A_608 = arith.index_cast %shift_right_logical3A_603 : i32 to index
          %get3A_609 = arith.constant 0 : index
          %get3A_610 = tpu.vector_load %arg5[%get3A_608, %get3A_609] {strides = array<i32>} : memref<320x16xf32, #tpu.memory_space<vmem>>, vector<1x16xf32>,
          %get3A_611 = vector.shape_cast %get3A_610 : vector<1x16xf32> to vector<16xf32>
          %jit3A_612 = arith.constant 0xFF800000 : f32
          %broadcast_in_dim3A_613 = vector.broadcast %jit3A_612 : f32 to vector<16xf32>
          %select_n3A_614 = arith.select %eq3A_607, %broadcast_in_dim3A_613, %get3A_611 : vector<16xi1>, vector<16xf32>
          %swap3A_615 = arith.index_cast %shift_right_logical3A_603 : i32 to index
          %swap3A_616 = arith.constant 0 : index
          %swap3A_617 = tpu.vector_load %arg5[%swap3A_615, %swap3A_616] {strides = array<i32>} : memref<320x16xf32, #tpu.memory_space<vmem>>, vector<1x16xf32>,
          %swap3A_618 = vector.shape_cast %swap3A_617 : vector<1x16xf32> to vector<16xf32>
          %swap3A_619 = vector.shape_cast %select_n3A_614 : vector<16xf32> to vector<1x16xf32>
          tpu.vector_store %arg5[%swap3A_615, %swap3A_616], %swap3A_619 {strides = array<i32>} : memref<320x16xf32, #tpu.memory_space<vmem>>, vector<1x16xf32>,
          "tpu.region"() ({
            %run_scoped3A = tpu.sem_alloc : memref<!tpu.dma_semaphore, #tpu.memory_space<semaphore_mem>>
            %dma_start3A = arith.constant 0 : i32
            %dma_start3A_1282 = arith.constant 0 : i32
            %dma_start3A_1283 = tpu.memref_slice %arg3[%shift_right_logical3A_603, %dma_start3A, %dma_start3A_1282] : memref<320x4x16xf32, #tpu.memory_space<hbm>> -> memref<1x4x16xf32, #tpu.memory_space<hbm>>
            %dma_start3A_1284 = tpu.memref_squeeze %dma_start3A_1283 : memref<1x4x16xf32, #tpu.memory_space<hbm>> -> memref<4x16xf32, #tpu.memory_space<hbm>>
            %dma_start3A_1285 = arith.constant 0 : i32
            %dma_start3A_1286 = arith.constant 0 : i32
            %dma_start3A_1287 = tpu.memref_slice %arg3[%shift_right_logical3A_603, %dma_start3A_1285, %dma_start3A_1286] : memref<320x4x16xf32, #tpu.memory_space<hbm>> -> memref<1x4x16xf32, #tpu.memory_space<hbm>>
            %dma_start3A_1288 = tpu.memref_squeeze %dma_start3A_1287 : memref<1x4x16xf32, #tpu.memory_space<hbm>> -> memref<4x16xf32, #tpu.memory_space<hbm>>
            tpu.enqueue_dma source(%dma_start3A_1288 : memref<4x16xf32, #tpu.memory_space<hbm>>) target(%arg6 : memref<4x16xf32, #tpu.memory_space<vmem>>) target_semaphore(%run_scoped3A : memref<!tpu.dma_semaphore, #tpu.memory_space<semaphore_mem>>)
            %dma_wait3A = arith.constant 0 : i32
            %dma_wait3A_1289 = arith.constant 0 : i32
            %dma_wait3A_1290 = tpu.memref_slice %arg3[%shift_right_logical3A_603, %dma_wait3A, %dma_wait3A_1289] : memref<320x4x16xf32, #tpu.memory_space<hbm>> -> memref<1x4x16xf32, #tpu.memory_space<hbm>>
            %dma_wait3A_1291 = tpu.memref_squeeze %dma_wait3A_1290 : memref<1x4x16xf32, #tpu.memory_space<hbm>> -> memref<4x16xf32, #tpu.memory_space<hbm>>
            %dma_wait3A_1292 = arith.constant 0 : i32
            %dma_wait3A_1293 = arith.constant 0 : i32
            %dma_wait3A_1294 = tpu.memref_slice %arg3[%shift_right_logical3A_603, %dma_wait3A_1292, %dma_wait3A_1293] : memref<320x4x16xf32, #tpu.memory_space<hbm>> -> memref<1x4x16xf32, #tpu.memory_space<hbm>>
            %dma_wait3A_1295 = tpu.memref_squeeze %dma_wait3A_1294 : memref<1x4x16xf32, #tpu.memory_space<hbm>> -> memref<4x16xf32, #tpu.memory_space<hbm>>
            tpu.wait_dma2 semaphore(%run_scoped3A : memref<!tpu.dma_semaphore, #tpu.memory_space<semaphore_mem>>) src(%dma_wait3A_1295 : memref<4x16xf32, #tpu.memory_space<hbm>>) dst(%arg6 : memref<4x16xf32, #tpu.memory_space<vmem>>)
            tpu.yield
          }) : () -> ()
          %mul3A_620 = arith.constant 16 : i32
          %mul3A_621 = arith.muli %squeeze3A_298, %mul3A_620 : i32
          %get3A_622 = arith.index_cast %mul3A_621 : i32 to index
          %get3A_623 = arith.constant 0 : index
          %get3A_624 = tpu.vector_load %arg5[%get3A_622, %get3A_623] {strides = array<i32>} : memref<320x16xf32, #tpu.memory_space<vmem>>, vector<1x16xf32>,
          %get3A_625 = vector.shape_cast %get3A_624 : vector<1x16xf32> to vector<16xf32>
          %mul3A_626 = arith.constant 16 : i32
          %mul3A_627 = arith.muli %squeeze3A_298, %mul3A_626 : i32
          %add3A_628 = arith.constant 1 : i32
          %add3A_629 = arith.addi %mul3A_627, %add3A_628 : i32
          %get3A_630 = arith.index_cast %add3A_629 : i32 to index
          %get3A_631 = arith.constant 0 : index
          %get3A_632 = tpu.vector_load %arg5[%get3A_630, %get3A_631] {strides = array<i32>} : memref<320x16xf32, #tpu.memory_space<vmem>>, vector<1x16xf32>,
          %get3A_633 = vector.shape_cast %get3A_632 : vector<1x16xf32> to vector<16xf32>
          %max3A_634 = arith.maximumf %get3A_625, %get3A_633 : vector<16xf32>
          %mul3A_635 = arith.constant 16 : i32
          %mul3A_636 = arith.muli %squeeze3A_298, %mul3A_635 : i32
          %add3A_637 = arith.constant 2 : i32
          %add3A_638 = arith.addi %mul3A_636, %add3A_637 : i32
          %get3A_639 = arith.index_cast %add3A_638 : i32 to index
          %get3A_640 = arith.constant 0 : index
          %get3A_641 = tpu.vector_load %arg5[%get3A_639, %get3A_640] {strides = array<i32>} : memref<320x16xf32, #tpu.memory_space<vmem>>, vector<1x16xf32>,
          %get3A_642 = vector.shape_cast %get3A_641 : vector<1x16xf32> to vector<16xf32>
          %max3A_643 = arith.maximumf %max3A_634, %get3A_642 : vector<16xf32>
          %mul3A_644 = arith.constant 16 : i32
          %mul3A_645 = arith.muli %squeeze3A_298, %mul3A_644 : i32
          %add3A_646 = arith.constant 3 : i32
          %add3A_647 = arith.addi %mul3A_645, %add3A_646 : i32
          %get3A_648 = arith.index_cast %add3A_647 : i32 to index
          %get3A_649 = arith.constant 0 : index
          %get3A_650 = tpu.vector_load %arg5[%get3A_648, %get3A_649] {strides = array<i32>} : memref<320x16xf32, #tpu.memory_space<vmem>>, vector<1x16xf32>,
          %get3A_651 = vector.shape_cast %get3A_650 : vector<1x16xf32> to vector<16xf32>
          %max3A_652 = arith.maximumf %max3A_643, %get3A_651 : vector<16xf32>
          %mul3A_653 = arith.constant 16 : i32
          %mul3A_654 = arith.muli %squeeze3A_298, %mul3A_653 : i32
          %add3A_655 = arith.constant 4 : i32
          %add3A_656 = arith.addi %mul3A_654, %add3A_655 : i32
          %get3A_657 = arith.index_cast %add3A_656 : i32 to index
          %get3A_658 = arith.constant 0 : index
          %get3A_659 = tpu.vector_load %arg5[%get3A_657, %get3A_658] {strides = array<i32>} : memref<320x16xf32, #tpu.memory_space<vmem>>, vector<1x16xf32>,
          %get3A_660 = vector.shape_cast %get3A_659 : vector<1x16xf32> to vector<16xf32>
          %max3A_661 = arith.maximumf %max3A_652, %get3A_660 : vector<16xf32>
          %mul3A_662 = arith.constant 16 : i32
          %mul3A_663 = arith.muli %squeeze3A_298, %mul3A_662 : i32
          %add3A_664 = arith.constant 5 : i32
          %add3A_665 = arith.addi %mul3A_663, %add3A_664 : i32
          %get3A_666 = arith.index_cast %add3A_665 : i32 to index
          %get3A_667 = arith.constant 0 : index
          %get3A_668 = tpu.vector_load %arg5[%get3A_666, %get3A_667] {strides = array<i32>} : memref<320x16xf32, #tpu.memory_space<vmem>>, vector<1x16xf32>,
          %get3A_669 = vector.shape_cast %get3A_668 : vector<1x16xf32> to vector<16xf32>
          %max3A_670 = arith.maximumf %max3A_661, %get3A_669 : vector<16xf32>
          %mul3A_671 = arith.constant 16 : i32
          %mul3A_672 = arith.muli %squeeze3A_298, %mul3A_671 : i32
          %add3A_673 = arith.constant 6 : i32
          %add3A_674 = arith.addi %mul3A_672, %add3A_673 : i32
          %get3A_675 = arith.index_cast %add3A_674 : i32 to index
          %get3A_676 = arith.constant 0 : index
          %get3A_677 = tpu.vector_load %arg5[%get3A_675, %get3A_676] {strides = array<i32>} : memref<320x16xf32, #tpu.memory_space<vmem>>, vector<1x16xf32>,
          %get3A_678 = vector.shape_cast %get3A_677 : vector<1x16xf32> to vector<16xf32>
          %max3A_679 = arith.maximumf %max3A_670, %get3A_678 : vector<16xf32>
          %mul3A_680 = arith.constant 16 : i32
          %mul3A_681 = arith.muli %squeeze3A_298, %mul3A_680 : i32
          %add3A_682 = arith.constant 7 : i32
          %add3A_683 = arith.addi %mul3A_681, %add3A_682 : i32
          %get3A_684 = arith.index_cast %add3A_683 : i32 to index
          %get3A_685 = arith.constant 0 : index
          %get3A_686 = tpu.vector_load %arg5[%get3A_684, %get3A_685] {strides = array<i32>} : memref<320x16xf32, #tpu.memory_space<vmem>>, vector<1x16xf32>,
          %get3A_687 = vector.shape_cast %get3A_686 : vector<1x16xf32> to vector<16xf32>
          %max3A_688 = arith.maximumf %max3A_679, %get3A_687 : vector<16xf32>
          %mul3A_689 = arith.constant 16 : i32
          %mul3A_690 = arith.muli %squeeze3A_298, %mul3A_689 : i32
          %add3A_691 = arith.constant 8 : i32
          %add3A_692 = arith.addi %mul3A_690, %add3A_691 : i32
          %get3A_693 = arith.index_cast %add3A_692 : i32 to index
          %get3A_694 = arith.constant 0 : index
          %get3A_695 = tpu.vector_load %arg5[%get3A_693, %get3A_694] {strides = array<i32>} : memref<320x16xf32, #tpu.memory_space<vmem>>, vector<1x16xf32>,
          %get3A_696 = vector.shape_cast %get3A_695 : vector<1x16xf32> to vector<16xf32>
          %max3A_697 = arith.maximumf %max3A_688, %get3A_696 : vector<16xf32>
          %mul3A_698 = arith.constant 16 : i32
          %mul3A_699 = arith.muli %squeeze3A_298, %mul3A_698 : i32
          %add3A_700 = arith.constant 9 : i32
          %add3A_701 = arith.addi %mul3A_699, %add3A_700 : i32
          %get3A_702 = arith.index_cast %add3A_701 : i32 to index
          %get3A_703 = arith.constant 0 : index
          %get3A_704 = tpu.vector_load %arg5[%get3A_702, %get3A_703] {strides = array<i32>} : memref<320x16xf32, #tpu.memory_space<vmem>>, vector<1x16xf32>,
          %get3A_705 = vector.shape_cast %get3A_704 : vector<1x16xf32> to vector<16xf32>
          %max3A_706 = arith.maximumf %max3A_697, %get3A_705 : vector<16xf32>
          %mul3A_707 = arith.constant 16 : i32
          %mul3A_708 = arith.muli %squeeze3A_298, %mul3A_707 : i32
          %add3A_709 = arith.constant 10 : i32
          %add3A_710 = arith.addi %mul3A_708, %add3A_709 : i32
          %get3A_711 = arith.index_cast %add3A_710 : i32 to index
          %get3A_712 = arith.constant 0 : index
          %get3A_713 = tpu.vector_load %arg5[%get3A_711, %get3A_712] {strides = array<i32>} : memref<320x16xf32, #tpu.memory_space<vmem>>, vector<1x16xf32>,
          %get3A_714 = vector.shape_cast %get3A_713 : vector<1x16xf32> to vector<16xf32>
          %max3A_715 = arith.maximumf %max3A_706, %get3A_714 : vector<16xf32>
          %mul3A_716 = arith.constant 16 : i32
          %mul3A_717 = arith.muli %squeeze3A_298, %mul3A_716 : i32
          %add3A_718 = arith.constant 11 : i32
          %add3A_719 = arith.addi %mul3A_717, %add3A_718 : i32
          %get3A_720 = arith.index_cast %add3A_719 : i32 to index
          %get3A_721 = arith.constant 0 : index
          %get3A_722 = tpu.vector_load %arg5[%get3A_720, %get3A_721] {strides = array<i32>} : memref<320x16xf32, #tpu.memory_space<vmem>>, vector<1x16xf32>,
          %get3A_723 = vector.shape_cast %get3A_722 : vector<1x16xf32> to vector<16xf32>
          %max3A_724 = arith.maximumf %max3A_715, %get3A_723 : vector<16xf32>
          %mul3A_725 = arith.constant 16 : i32
          %mul3A_726 = arith.muli %squeeze3A_298, %mul3A_725 : i32
          %add3A_727 = arith.constant 12 : i32
          %add3A_728 = arith.addi %mul3A_726, %add3A_727 : i32
          %get3A_729 = arith.index_cast %add3A_728 : i32 to index
          %get3A_730 = arith.constant 0 : index
          %get3A_731 = tpu.vector_load %arg5[%get3A_729, %get3A_730] {strides = array<i32>} : memref<320x16xf32, #tpu.memory_space<vmem>>, vector<1x16xf32>,
          %get3A_732 = vector.shape_cast %get3A_731 : vector<1x16xf32> to vector<16xf32>
          %max3A_733 = arith.maximumf %max3A_724, %get3A_732 : vector<16xf32>
          %mul3A_734 = arith.constant 16 : i32
          %mul3A_735 = arith.muli %squeeze3A_298, %mul3A_734 : i32
          %add3A_736 = arith.constant 13 : i32
          %add3A_737 = arith.addi %mul3A_735, %add3A_736 : i32
          %get3A_738 = arith.index_cast %add3A_737 : i32 to index
          %get3A_739 = arith.constant 0 : index
          %get3A_740 = tpu.vector_load %arg5[%get3A_738, %get3A_739] {strides = array<i32>} : memref<320x16xf32, #tpu.memory_space<vmem>>, vector<1x16xf32>,
          %get3A_741 = vector.shape_cast %get3A_740 : vector<1x16xf32> to vector<16xf32>
          %max3A_742 = arith.maximumf %max3A_733, %get3A_741 : vector<16xf32>
          %mul3A_743 = arith.constant 16 : i32
          %mul3A_744 = arith.muli %squeeze3A_298, %mul3A_743 : i32
          %add3A_745 = arith.constant 14 : i32
          %add3A_746 = arith.addi %mul3A_744, %add3A_745 : i32
          %get3A_747 = arith.index_cast %add3A_746 : i32 to index
          %get3A_748 = arith.constant 0 : index
          %get3A_749 = tpu.vector_load %arg5[%get3A_747, %get3A_748] {strides = array<i32>} : memref<320x16xf32, #tpu.memory_space<vmem>>, vector<1x16xf32>,
          %get3A_750 = vector.shape_cast %get3A_749 : vector<1x16xf32> to vector<16xf32>
          %max3A_751 = arith.maximumf %max3A_742, %get3A_750 : vector<16xf32>
          %mul3A_752 = arith.constant 16 : i32
          %mul3A_753 = arith.muli %squeeze3A_298, %mul3A_752 : i32
          %add3A_754 = arith.constant 15 : i32
          %add3A_755 = arith.addi %mul3A_753, %add3A_754 : i32
          %get3A_756 = arith.index_cast %add3A_755 : i32 to index
          %get3A_757 = arith.constant 0 : index
          %get3A_758 = tpu.vector_load %arg5[%get3A_756, %get3A_757] {strides = array<i32>} : memref<320x16xf32, #tpu.memory_space<vmem>>, vector<1x16xf32>,
          %get3A_759 = vector.shape_cast %get3A_758 : vector<1x16xf32> to vector<16xf32>
          %max3A_760 = arith.maximumf %max3A_751, %get3A_759 : vector<16xf32>
          %swap3A_761 = arith.index_cast %squeeze3A_298 : i32 to index
          %swap3A_762 = arith.constant 0 : index
          %swap3A_763 = tpu.vector_load %arg7[%swap3A_761, %swap3A_762] {strides = array<i32>} : memref<20x16xf32, #tpu.memory_space<vmem>>, vector<1x16xf32>,
          %swap3A_764 = vector.shape_cast %swap3A_763 : vector<1x16xf32> to vector<16xf32>
          %swap3A_765 = vector.shape_cast %max3A_760 : vector<16xf32> to vector<1x16xf32>
          tpu.vector_store %arg7[%swap3A_761, %swap3A_762], %swap3A_765 {strides = array<i32>} : memref<20x16xf32, #tpu.memory_space<vmem>>, vector<1x16xf32>,
          %get3A_766 = arith.constant 0 : i32
          %get3A_767 = arith.index_cast %get3A_766 : i32 to index
          %get3A_768 = arith.constant 0 : index
          %get3A_769 = tpu.vector_load %arg6[%get3A_767, %get3A_768] {strides = array<i32>} : memref<4x16xf32, #tpu.memory_space<vmem>>, vector<1x16xf32>,
          %get3A_770 = vector.shape_cast %get3A_769 : vector<1x16xf32> to vector<16xf32>
          %jit3A_771 = arith.constant 0xFF800000 : f32
          %broadcast_in_dim3A_772 = vector.broadcast %jit3A_771 : f32 to vector<16xf32>
          %select_n3A_773 = arith.select %eq3A_607, %get3A_770, %broadcast_in_dim3A_772 : vector<16xi1>, vector<16xf32>
          %xor3A_774 = arith.constant 1 : i32
          %xor3A_775 = vector.broadcast %xor3A_774 : i32 to vector<16xi32>
          %xor3A_776 = arith.xori %iota3A, %xor3A_775 : vector<16xi32>
          %lt3A_777 = arith.constant 0 : i32
          %lt3A_778 = vector.broadcast %lt3A_777 : i32 to vector<16xi32>
          %lt3A_779 = arith.cmpi slt, %xor3A_776, %lt3A_778 : vector<16xi32>
          %add3A_780 = arith.constant 16 : i32
          %add3A_781 = vector.broadcast %add3A_780 : i32 to vector<16xi32>
          %add3A_782 = arith.addi %xor3A_776, %add3A_781 : vector<16xi32>
          %select_n3A_783 = arith.select %lt3A_779, %add3A_782, %xor3A_776 : vector<16xi1>, vector<16xi32>
          %broadcast_in_dim3A_784 = vector.shape_cast %select_n3A_783 : vector<16xi32> to vector<16x1xi32>
          %gather3A_785 = vector.shape_cast %broadcast_in_dim3A_784 : vector<16x1xi32> to vector<16xi32>
          %gather3A_786 = tpu.dynamic_gather %select_n3A_773[%gather3A_785] in [0] : vector<16xf32>, vector<16xi32> -> vector<16xf32>
          %max3A_787 = arith.maximumf %select_n3A_773, %gather3A_786 : vector<16xf32>
          %xor3A_788 = arith.constant 2 : i32
          %xor3A_789 = vector.broadcast %xor3A_788 : i32 to vector<16xi32>
          %xor3A_790 = arith.xori %iota3A, %xor3A_789 : vector<16xi32>
          %lt3A_791 = arith.constant 0 : i32
          %lt3A_792 = vector.broadcast %lt3A_791 : i32 to vector<16xi32>
          %lt3A_793 = arith.cmpi slt, %xor3A_790, %lt3A_792 : vector<16xi32>
          %add3A_794 = arith.constant 16 : i32
          %add3A_795 = vector.broadcast %add3A_794 : i32 to vector<16xi32>
          %add3A_796 = arith.addi %xor3A_790, %add3A_795 : vector<16xi32>
          %select_n3A_797 = arith.select %lt3A_793, %add3A_796, %xor3A_790 : vector<16xi1>, vector<16xi32>
          %broadcast_in_dim3A_798 = vector.shape_cast %select_n3A_797 : vector<16xi32> to vector<16x1xi32>
          %gather3A_799 = vector.shape_cast %broadcast_in_dim3A_798 : vector<16x1xi32> to vector<16xi32>
          %gather3A_800 = tpu.dynamic_gather %max3A_787[%gather3A_799] in [0] : vector<16xf32>, vector<16xi32> -> vector<16xf32>
          %max3A_801 = arith.maximumf %max3A_787, %gather3A_800 : vector<16xf32>
          %xor3A_802 = arith.constant 4 : i32
          %xor3A_803 = vector.broadcast %xor3A_802 : i32 to vector<16xi32>
          %xor3A_804 = arith.xori %iota3A, %xor3A_803 : vector<16xi32>
          %lt3A_805 = arith.constant 0 : i32
          %lt3A_806 = vector.broadcast %lt3A_805 : i32 to vector<16xi32>
          %lt3A_807 = arith.cmpi slt, %xor3A_804, %lt3A_806 : vector<16xi32>
          %add3A_808 = arith.constant 16 : i32
          %add3A_809 = vector.broadcast %add3A_808 : i32 to vector<16xi32>
          %add3A_810 = arith.addi %xor3A_804, %add3A_809 : vector<16xi32>
          %select_n3A_811 = arith.select %lt3A_807, %add3A_810, %xor3A_804 : vector<16xi1>, vector<16xi32>
          %broadcast_in_dim3A_812 = vector.shape_cast %select_n3A_811 : vector<16xi32> to vector<16x1xi32>
          %gather3A_813 = vector.shape_cast %broadcast_in_dim3A_812 : vector<16x1xi32> to vector<16xi32>
          %gather3A_814 = tpu.dynamic_gather %max3A_801[%gather3A_813] in [0] : vector<16xf32>, vector<16xi32> -> vector<16xf32>
          %max3A_815 = arith.maximumf %max3A_801, %gather3A_814 : vector<16xf32>
          %xor3A_816 = arith.constant 8 : i32
          %xor3A_817 = vector.broadcast %xor3A_816 : i32 to vector<16xi32>
          %xor3A_818 = arith.xori %iota3A, %xor3A_817 : vector<16xi32>
          %lt3A_819 = arith.constant 0 : i32
          %lt3A_820 = vector.broadcast %lt3A_819 : i32 to vector<16xi32>
          %lt3A_821 = arith.cmpi slt, %xor3A_818, %lt3A_820 : vector<16xi32>
          %add3A_822 = arith.constant 16 : i32
          %add3A_823 = vector.broadcast %add3A_822 : i32 to vector<16xi32>
          %add3A_824 = arith.addi %xor3A_818, %add3A_823 : vector<16xi32>
          %select_n3A_825 = arith.select %lt3A_821, %add3A_824, %xor3A_818 : vector<16xi1>, vector<16xi32>
          %broadcast_in_dim3A_826 = vector.shape_cast %select_n3A_825 : vector<16xi32> to vector<16x1xi32>
          %gather3A_827 = vector.shape_cast %broadcast_in_dim3A_826 : vector<16x1xi32> to vector<16xi32>
          %gather3A_828 = tpu.dynamic_gather %max3A_815[%gather3A_827] in [0] : vector<16xf32>, vector<16xi32> -> vector<16xf32>
          %max3A_829 = arith.maximumf %max3A_815, %gather3A_828 : vector<16xf32>
          %get3A_830 = arith.constant 1 : i32
          %get3A_831 = arith.index_cast %get3A_830 : i32 to index
          %get3A_832 = arith.constant 0 : index
          %get3A_833 = tpu.vector_load %arg6[%get3A_831, %get3A_832] {strides = array<i32>} : memref<4x16xf32, #tpu.memory_space<vmem>>, vector<1x16xf32>,
          %get3A_834 = vector.shape_cast %get3A_833 : vector<1x16xf32> to vector<16xf32>
          %jit3A_835 = arith.constant 0xFF800000 : f32
          %broadcast_in_dim3A_836 = vector.broadcast %jit3A_835 : f32 to vector<16xf32>
          %select_n3A_837 = arith.select %eq3A_607, %get3A_834, %broadcast_in_dim3A_836 : vector<16xi1>, vector<16xf32>
          %xor3A_838 = arith.constant 1 : i32
          %xor3A_839 = vector.broadcast %xor3A_838 : i32 to vector<16xi32>
          %xor3A_840 = arith.xori %iota3A, %xor3A_839 : vector<16xi32>
          %lt3A_841 = arith.constant 0 : i32
          %lt3A_842 = vector.broadcast %lt3A_841 : i32 to vector<16xi32>
          %lt3A_843 = arith.cmpi slt, %xor3A_840, %lt3A_842 : vector<16xi32>
          %add3A_844 = arith.constant 16 : i32
          %add3A_845 = vector.broadcast %add3A_844 : i32 to vector<16xi32>
          %add3A_846 = arith.addi %xor3A_840, %add3A_845 : vector<16xi32>
          %select_n3A_847 = arith.select %lt3A_843, %add3A_846, %xor3A_840 : vector<16xi1>, vector<16xi32>
          %broadcast_in_dim3A_848 = vector.shape_cast %select_n3A_847 : vector<16xi32> to vector<16x1xi32>
          %gather3A_849 = vector.shape_cast %broadcast_in_dim3A_848 : vector<16x1xi32> to vector<16xi32>
          %gather3A_850 = tpu.dynamic_gather %select_n3A_837[%gather3A_849] in [0] : vector<16xf32>, vector<16xi32> -> vector<16xf32>
          %max3A_851 = arith.maximumf %select_n3A_837, %gather3A_850 : vector<16xf32>
          %xor3A_852 = arith.constant 2 : i32
          %xor3A_853 = vector.broadcast %xor3A_852 : i32 to vector<16xi32>
          %xor3A_854 = arith.xori %iota3A, %xor3A_853 : vector<16xi32>
          %lt3A_855 = arith.constant 0 : i32
          %lt3A_856 = vector.broadcast %lt3A_855 : i32 to vector<16xi32>
          %lt3A_857 = arith.cmpi slt, %xor3A_854, %lt3A_856 : vector<16xi32>
          %add3A_858 = arith.constant 16 : i32
          %add3A_859 = vector.broadcast %add3A_858 : i32 to vector<16xi32>
          %add3A_860 = arith.addi %xor3A_854, %add3A_859 : vector<16xi32>
          %select_n3A_861 = arith.select %lt3A_857, %add3A_860, %xor3A_854 : vector<16xi1>, vector<16xi32>
          %broadcast_in_dim3A_862 = vector.shape_cast %select_n3A_861 : vector<16xi32> to vector<16x1xi32>
          %gather3A_863 = vector.shape_cast %broadcast_in_dim3A_862 : vector<16x1xi32> to vector<16xi32>
          %gather3A_864 = tpu.dynamic_gather %max3A_851[%gather3A_863] in [0] : vector<16xf32>, vector<16xi32> -> vector<16xf32>
          %max3A_865 = arith.maximumf %max3A_851, %gather3A_864 : vector<16xf32>
          %xor3A_866 = arith.constant 4 : i32
          %xor3A_867 = vector.broadcast %xor3A_866 : i32 to vector<16xi32>
          %xor3A_868 = arith.xori %iota3A, %xor3A_867 : vector<16xi32>
          %lt3A_869 = arith.constant 0 : i32
          %lt3A_870 = vector.broadcast %lt3A_869 : i32 to vector<16xi32>
          %lt3A_871 = arith.cmpi slt, %xor3A_868, %lt3A_870 : vector<16xi32>
          %add3A_872 = arith.constant 16 : i32
          %add3A_873 = vector.broadcast %add3A_872 : i32 to vector<16xi32>
          %add3A_874 = arith.addi %xor3A_868, %add3A_873 : vector<16xi32>
          %select_n3A_875 = arith.select %lt3A_871, %add3A_874, %xor3A_868 : vector<16xi1>, vector<16xi32>
          %broadcast_in_dim3A_876 = vector.shape_cast %select_n3A_875 : vector<16xi32> to vector<16x1xi32>
          %gather3A_877 = vector.shape_cast %broadcast_in_dim3A_876 : vector<16x1xi32> to vector<16xi32>
          %gather3A_878 = tpu.dynamic_gather %max3A_865[%gather3A_877] in [0] : vector<16xf32>, vector<16xi32> -> vector<16xf32>
          %max3A_879 = arith.maximumf %max3A_865, %gather3A_878 : vector<16xf32>
          %xor3A_880 = arith.constant 8 : i32
          %xor3A_881 = vector.broadcast %xor3A_880 : i32 to vector<16xi32>
          %xor3A_882 = arith.xori %iota3A, %xor3A_881 : vector<16xi32>
          %lt3A_883 = arith.constant 0 : i32
          %lt3A_884 = vector.broadcast %lt3A_883 : i32 to vector<16xi32>
          %lt3A_885 = arith.cmpi slt, %xor3A_882, %lt3A_884 : vector<16xi32>
          %add3A_886 = arith.constant 16 : i32
          %add3A_887 = vector.broadcast %add3A_886 : i32 to vector<16xi32>
          %add3A_888 = arith.addi %xor3A_882, %add3A_887 : vector<16xi32>
          %select_n3A_889 = arith.select %lt3A_885, %add3A_888, %xor3A_882 : vector<16xi1>, vector<16xi32>
          %broadcast_in_dim3A_890 = vector.shape_cast %select_n3A_889 : vector<16xi32> to vector<16x1xi32>
          %gather3A_891 = vector.shape_cast %broadcast_in_dim3A_890 : vector<16x1xi32> to vector<16xi32>
          %gather3A_892 = tpu.dynamic_gather %max3A_879[%gather3A_891] in [0] : vector<16xf32>, vector<16xi32> -> vector<16xf32>
          %max3A_893 = arith.maximumf %max3A_879, %gather3A_892 : vector<16xf32>
          %get3A_894 = arith.constant 2 : i32
          %get3A_895 = arith.index_cast %get3A_894 : i32 to index
          %get3A_896 = arith.constant 0 : index
          %get3A_897 = tpu.vector_load %arg6[%get3A_895, %get3A_896] {strides = array<i32>} : memref<4x16xf32, #tpu.memory_space<vmem>>, vector<1x16xf32>,
          %get3A_898 = vector.shape_cast %get3A_897 : vector<1x16xf32> to vector<16xf32>
          %jit3A_899 = arith.constant 0xFF800000 : f32
          %broadcast_in_dim3A_900 = vector.broadcast %jit3A_899 : f32 to vector<16xf32>
          %select_n3A_901 = arith.select %eq3A_607, %get3A_898, %broadcast_in_dim3A_900 : vector<16xi1>, vector<16xf32>
          %xor3A_902 = arith.constant 1 : i32
          %xor3A_903 = vector.broadcast %xor3A_902 : i32 to vector<16xi32>
          %xor3A_904 = arith.xori %iota3A, %xor3A_903 : vector<16xi32>
          %lt3A_905 = arith.constant 0 : i32
          %lt3A_906 = vector.broadcast %lt3A_905 : i32 to vector<16xi32>
          %lt3A_907 = arith.cmpi slt, %xor3A_904, %lt3A_906 : vector<16xi32>
          %add3A_908 = arith.constant 16 : i32
          %add3A_909 = vector.broadcast %add3A_908 : i32 to vector<16xi32>
          %add3A_910 = arith.addi %xor3A_904, %add3A_909 : vector<16xi32>
          %select_n3A_911 = arith.select %lt3A_907, %add3A_910, %xor3A_904 : vector<16xi1>, vector<16xi32>
          %broadcast_in_dim3A_912 = vector.shape_cast %select_n3A_911 : vector<16xi32> to vector<16x1xi32>
          %gather3A_913 = vector.shape_cast %broadcast_in_dim3A_912 : vector<16x1xi32> to vector<16xi32>
          %gather3A_914 = tpu.dynamic_gather %select_n3A_901[%gather3A_913] in [0] : vector<16xf32>, vector<16xi32> -> vector<16xf32>
          %max3A_915 = arith.maximumf %select_n3A_901, %gather3A_914 : vector<16xf32>
          %xor3A_916 = arith.constant 2 : i32
          %xor3A_917 = vector.broadcast %xor3A_916 : i32 to vector<16xi32>
          %xor3A_918 = arith.xori %iota3A, %xor3A_917 : vector<16xi32>
          %lt3A_919 = arith.constant 0 : i32
          %lt3A_920 = vector.broadcast %lt3A_919 : i32 to vector<16xi32>
          %lt3A_921 = arith.cmpi slt, %xor3A_918, %lt3A_920 : vector<16xi32>
          %add3A_922 = arith.constant 16 : i32
          %add3A_923 = vector.broadcast %add3A_922 : i32 to vector<16xi32>
          %add3A_924 = arith.addi %xor3A_918, %add3A_923 : vector<16xi32>
          %select_n3A_925 = arith.select %lt3A_921, %add3A_924, %xor3A_918 : vector<16xi1>, vector<16xi32>
          %broadcast_in_dim3A_926 = vector.shape_cast %select_n3A_925 : vector<16xi32> to vector<16x1xi32>
          %gather3A_927 = vector.shape_cast %broadcast_in_dim3A_926 : vector<16x1xi32> to vector<16xi32>
          %gather3A_928 = tpu.dynamic_gather %max3A_915[%gather3A_927] in [0] : vector<16xf32>, vector<16xi32> -> vector<16xf32>
          %max3A_929 = arith.maximumf %max3A_915, %gather3A_928 : vector<16xf32>
          %xor3A_930 = arith.constant 4 : i32
          %xor3A_931 = vector.broadcast %xor3A_930 : i32 to vector<16xi32>
          %xor3A_932 = arith.xori %iota3A, %xor3A_931 : vector<16xi32>
          %lt3A_933 = arith.constant 0 : i32
          %lt3A_934 = vector.broadcast %lt3A_933 : i32 to vector<16xi32>
          %lt3A_935 = arith.cmpi slt, %xor3A_932, %lt3A_934 : vector<16xi32>
          %add3A_936 = arith.constant 16 : i32
          %add3A_937 = vector.broadcast %add3A_936 : i32 to vector<16xi32>
          %add3A_938 = arith.addi %xor3A_932, %add3A_937 : vector<16xi32>
          %select_n3A_939 = arith.select %lt3A_935, %add3A_938, %xor3A_932 : vector<16xi1>, vector<16xi32>
          %broadcast_in_dim3A_940 = vector.shape_cast %select_n3A_939 : vector<16xi32> to vector<16x1xi32>
          %gather3A_941 = vector.shape_cast %broadcast_in_dim3A_940 : vector<16x1xi32> to vector<16xi32>
          %gather3A_942 = tpu.dynamic_gather %max3A_929[%gather3A_941] in [0] : vector<16xf32>, vector<16xi32> -> vector<16xf32>
          %max3A_943 = arith.maximumf %max3A_929, %gather3A_942 : vector<16xf32>
          %xor3A_944 = arith.constant 8 : i32
          %xor3A_945 = vector.broadcast %xor3A_944 : i32 to vector<16xi32>
          %xor3A_946 = arith.xori %iota3A, %xor3A_945 : vector<16xi32>
          %lt3A_947 = arith.constant 0 : i32
          %lt3A_948 = vector.broadcast %lt3A_947 : i32 to vector<16xi32>
          %lt3A_949 = arith.cmpi slt, %xor3A_946, %lt3A_948 : vector<16xi32>
          %add3A_950 = arith.constant 16 : i32
          %add3A_951 = vector.broadcast %add3A_950 : i32 to vector<16xi32>
          %add3A_952 = arith.addi %xor3A_946, %add3A_951 : vector<16xi32>
          %select_n3A_953 = arith.select %lt3A_949, %add3A_952, %xor3A_946 : vector<16xi1>, vector<16xi32>
          %broadcast_in_dim3A_954 = vector.shape_cast %select_n3A_953 : vector<16xi32> to vector<16x1xi32>
          %gather3A_955 = vector.shape_cast %broadcast_in_dim3A_954 : vector<16x1xi32> to vector<16xi32>
          %gather3A_956 = tpu.dynamic_gather %max3A_943[%gather3A_955] in [0] : vector<16xf32>, vector<16xi32> -> vector<16xf32>
          %max3A_957 = arith.maximumf %max3A_943, %gather3A_956 : vector<16xf32>
          %get3A_958 = arith.constant 3 : i32
          %get3A_959 = arith.index_cast %get3A_958 : i32 to index
          %get3A_960 = arith.constant 0 : index
          %get3A_961 = tpu.vector_load %arg6[%get3A_959, %get3A_960] {strides = array<i32>} : memref<4x16xf32, #tpu.memory_space<vmem>>, vector<1x16xf32>,
          %get3A_962 = vector.shape_cast %get3A_961 : vector<1x16xf32> to vector<16xf32>
          %jit3A_963 = arith.constant 0xFF800000 : f32
          %broadcast_in_dim3A_964 = vector.broadcast %jit3A_963 : f32 to vector<16xf32>
          %select_n3A_965 = arith.select %eq3A_607, %get3A_962, %broadcast_in_dim3A_964 : vector<16xi1>, vector<16xf32>
          %xor3A_966 = arith.constant 1 : i32
          %xor3A_967 = vector.broadcast %xor3A_966 : i32 to vector<16xi32>
          %xor3A_968 = arith.xori %iota3A, %xor3A_967 : vector<16xi32>
          %lt3A_969 = arith.constant 0 : i32
          %lt3A_970 = vector.broadcast %lt3A_969 : i32 to vector<16xi32>
          %lt3A_971 = arith.cmpi slt, %xor3A_968, %lt3A_970 : vector<16xi32>
          %add3A_972 = arith.constant 16 : i32
          %add3A_973 = vector.broadcast %add3A_972 : i32 to vector<16xi32>
          %add3A_974 = arith.addi %xor3A_968, %add3A_973 : vector<16xi32>
          %select_n3A_975 = arith.select %lt3A_971, %add3A_974, %xor3A_968 : vector<16xi1>, vector<16xi32>
          %broadcast_in_dim3A_976 = vector.shape_cast %select_n3A_975 : vector<16xi32> to vector<16x1xi32>
          %gather3A_977 = vector.shape_cast %broadcast_in_dim3A_976 : vector<16x1xi32> to vector<16xi32>
          %gather3A_978 = tpu.dynamic_gather %select_n3A_965[%gather3A_977] in [0] : vector<16xf32>, vector<16xi32> -> vector<16xf32>
          %max3A_979 = arith.maximumf %select_n3A_965, %gather3A_978 : vector<16xf32>
          %xor3A_980 = arith.constant 2 : i32
          %xor3A_981 = vector.broadcast %xor3A_980 : i32 to vector<16xi32>
          %xor3A_982 = arith.xori %iota3A, %xor3A_981 : vector<16xi32>
          %lt3A_983 = arith.constant 0 : i32
          %lt3A_984 = vector.broadcast %lt3A_983 : i32 to vector<16xi32>
          %lt3A_985 = arith.cmpi slt, %xor3A_982, %lt3A_984 : vector<16xi32>
          %add3A_986 = arith.constant 16 : i32
          %add3A_987 = vector.broadcast %add3A_986 : i32 to vector<16xi32>
          %add3A_988 = arith.addi %xor3A_982, %add3A_987 : vector<16xi32>
          %select_n3A_989 = arith.select %lt3A_985, %add3A_988, %xor3A_982 : vector<16xi1>, vector<16xi32>
          %broadcast_in_dim3A_990 = vector.shape_cast %select_n3A_989 : vector<16xi32> to vector<16x1xi32>
          %gather3A_991 = vector.shape_cast %broadcast_in_dim3A_990 : vector<16x1xi32> to vector<16xi32>
          %gather3A_992 = tpu.dynamic_gather %max3A_979[%gather3A_991] in [0] : vector<16xf32>, vector<16xi32> -> vector<16xf32>
          %max3A_993 = arith.maximumf %max3A_979, %gather3A_992 : vector<16xf32>
          %xor3A_994 = arith.constant 4 : i32
          %xor3A_995 = vector.broadcast %xor3A_994 : i32 to vector<16xi32>
          %xor3A_996 = arith.xori %iota3A, %xor3A_995 : vector<16xi32>
          %lt3A_997 = arith.constant 0 : i32
          %lt3A_998 = vector.broadcast %lt3A_997 : i32 to vector<16xi32>
          %lt3A_999 = arith.cmpi slt, %xor3A_996, %lt3A_998 : vector<16xi32>
          %add3A_1000 = arith.constant 16 : i32
          %add3A_1001 = vector.broadcast %add3A_1000 : i32 to vector<16xi32>
          %add3A_1002 = arith.addi %xor3A_996, %add3A_1001 : vector<16xi32>
          %select_n3A_1003 = arith.select %lt3A_999, %add3A_1002, %xor3A_996 : vector<16xi1>, vector<16xi32>
          %broadcast_in_dim3A_1004 = vector.shape_cast %select_n3A_1003 : vector<16xi32> to vector<16x1xi32>
          %gather3A_1005 = vector.shape_cast %broadcast_in_dim3A_1004 : vector<16x1xi32> to vector<16xi32>
          %gather3A_1006 = tpu.dynamic_gather %max3A_993[%gather3A_1005] in [0] : vector<16xf32>, vector<16xi32> -> vector<16xf32>
          %max3A_1007 = arith.maximumf %max3A_993, %gather3A_1006 : vector<16xf32>
          %xor3A_1008 = arith.constant 8 : i32
          %xor3A_1009 = vector.broadcast %xor3A_1008 : i32 to vector<16xi32>
          %xor3A_1010 = arith.xori %iota3A, %xor3A_1009 : vector<16xi32>
          %lt3A_1011 = arith.constant 0 : i32
          %lt3A_1012 = vector.broadcast %lt3A_1011 : i32 to vector<16xi32>
          %lt3A_1013 = arith.cmpi slt, %xor3A_1010, %lt3A_1012 : vector<16xi32>
          %add3A_1014 = arith.constant 16 : i32
          %add3A_1015 = vector.broadcast %add3A_1014 : i32 to vector<16xi32>
          %add3A_1016 = arith.addi %xor3A_1010, %add3A_1015 : vector<16xi32>
          %select_n3A_1017 = arith.select %lt3A_1013, %add3A_1016, %xor3A_1010 : vector<16xi1>, vector<16xi32>
          %broadcast_in_dim3A_1018 = vector.shape_cast %select_n3A_1017 : vector<16xi32> to vector<16x1xi32>
          %gather3A_1019 = vector.shape_cast %broadcast_in_dim3A_1018 : vector<16x1xi32> to vector<16xi32>
          %gather3A_1020 = tpu.dynamic_gather %max3A_1007[%gather3A_1019] in [0] : vector<16xf32>, vector<16xi32> -> vector<16xf32>
          %max3A_1021 = arith.maximumf %max3A_1007, %gather3A_1020 : vector<16xf32>
          %sub3A = arith.subf %max3A_957, %max3A_829 : vector<16xf32>
          %sub3A_1022 = arith.subf %max3A_1021, %max3A_893 : vector<16xf32>
          %mul3A_1023 = arith.mulf %sub3A, %sub3A_1022 : vector<16xf32>
          %get3A_1024 = arith.constant 1 : i32
          %get3A_1025 = arith.index_cast %get3A_1024 : i32 to index
          %get3A_1026 = arith.constant 0 : index
          %get3A_1027 = tpu.vector_load %arg10[%get3A_1025, %get3A_1026] {strides = array<i32>} : memref<2x16xi32, #tpu.memory_space<vmem>>, vector<1x16xi32>,
          %get3A_1028 = vector.shape_cast %get3A_1027 : vector<1x16xi32> to vector<16xi32>
          %get3A_1029 = arith.constant 2 : i32
          %get3A_1030 = arith.index_cast %get3A_1029 : i32 to index
          %get3A_1031 = arith.constant 0 : index
          %get3A_1032 = tpu.vector_load %arg9[%get3A_1030, %get3A_1031] {strides = array<i32>} : memref<8x16xf32, #tpu.memory_space<vmem>>, vector<1x16xf32>,
          %get3A_1033 = vector.shape_cast %get3A_1032 : vector<1x16xf32> to vector<16xf32>
          %min3A_1034 = arith.minimumf %get3A_1033, %max3A_957 : vector<16xf32>
          %get3A_1035 = arith.constant 0 : i32
          %get3A_1036 = arith.index_cast %get3A_1035 : i32 to index
          %get3A_1037 = arith.constant 0 : index
          %get3A_1038 = tpu.vector_load %arg9[%get3A_1036, %get3A_1037] {strides = array<i32>} : memref<8x16xf32, #tpu.memory_space<vmem>>, vector<1x16xf32>,
          %get3A_1039 = vector.shape_cast %get3A_1038 : vector<1x16xf32> to vector<16xf32>
          %max3A_1040 = arith.maximumf %get3A_1039, %max3A_829 : vector<16xf32>
          %sub3A_1041 = arith.subf %min3A_1034, %max3A_1040 : vector<16xf32>
          %max3A_1042 = vector.broadcast %scan3A_156 : f32 to vector<16xf32>
          %max3A_1043 = arith.maximumf %sub3A_1041, %max3A_1042 : vector<16xf32>
          %get3A_1044 = arith.constant 3 : i32
          %get3A_1045 = arith.index_cast %get3A_1044 : i32 to index
          %get3A_1046 = arith.constant 0 : index
          %get3A_1047 = tpu.vector_load %arg9[%get3A_1045, %get3A_1046] {strides = array<i32>} : memref<8x16xf32, #tpu.memory_space<vmem>>, vector<1x16xf32>,
          %get3A_1048 = vector.shape_cast %get3A_1047 : vector<1x16xf32> to vector<16xf32>
          %min3A_1049 = arith.minimumf %get3A_1048, %max3A_1021 : vector<16xf32>
          %get3A_1050 = arith.constant 1 : i32
          %get3A_1051 = arith.index_cast %get3A_1050 : i32 to index
          %get3A_1052 = arith.constant 0 : index
          %get3A_1053 = tpu.vector_load %arg9[%get3A_1051, %get3A_1052] {strides = array<i32>} : memref<8x16xf32, #tpu.memory_space<vmem>>, vector<1x16xf32>,
          %get3A_1054 = vector.shape_cast %get3A_1053 : vector<1x16xf32> to vector<16xf32>
          %max3A_1055 = arith.maximumf %get3A_1054, %max3A_893 : vector<16xf32>
          %sub3A_1056 = arith.subf %min3A_1049, %max3A_1055 : vector<16xf32>
          %max3A_1057 = vector.broadcast %scan3A_156 : f32 to vector<16xf32>
          %max3A_1058 = arith.maximumf %sub3A_1056, %max3A_1057 : vector<16xf32>
          %mul3A_1059 = arith.mulf %max3A_1043, %max3A_1058 : vector<16xf32>
          %get3A_1060 = arith.constant 4 : i32
          %get3A_1061 = arith.index_cast %get3A_1060 : i32 to index
          %get3A_1062 = arith.constant 0 : index
          %get3A_1063 = tpu.vector_load %arg9[%get3A_1061, %get3A_1062] {strides = array<i32>} : memref<8x16xf32, #tpu.memory_space<vmem>>, vector<1x16xf32>,
          %get3A_1064 = vector.shape_cast %get3A_1063 : vector<1x16xf32> to vector<16xf32>
          %add3A_1065 = arith.addf %get3A_1064, %mul3A_1023 : vector<16xf32>
          %sub3A_1066 = arith.subf %add3A_1065, %mul3A_1059 : vector<16xf32>
          %max3A_1067 = arith.constant 9.99999971E-10 : f32
          %max3A_1068 = vector.broadcast %max3A_1067 : f32 to vector<16xf32>
          %max3A_1069 = arith.maximumf %sub3A_1066, %max3A_1068 : vector<16xf32>
          %div3A = arith.divf %mul3A_1059, %max3A_1069 : vector<16xf32>
          %gt3A_1070 = arith.constant 0.699999988 : f32
          %gt3A_1071 = vector.broadcast %gt3A_1070 : f32 to vector<16xf32>
          %gt3A_1072 = arith.cmpf ogt, %div3A, %gt3A_1071 : vector<16xf32>
          %lt3A_1073 = arith.cmpi slt, %iota3A, %get3A_1028 : vector<16xi32>
          %and3A_1074 = arith.andi %gt3A_1072, %lt3A_1073 : vector<16xi1>
          %jit3A_1075 = arith.constant 1 : i32
          %jit3A_1076 = arith.constant 0 : i32
          %broadcast_in_dim3A_1077 = vector.broadcast %jit3A_1075 : i32 to vector<16xi32>
          %broadcast_in_dim3A_1078 = vector.broadcast %jit3A_1076 : i32 to vector<16xi32>
          %select_n3A_1079 = arith.select %and3A_1074, %broadcast_in_dim3A_1077, %broadcast_in_dim3A_1078 : vector<16xi1>, vector<16xi32>
          %xor3A_1080 = arith.constant 1 : i32
          %xor3A_1081 = vector.broadcast %xor3A_1080 : i32 to vector<16xi32>
          %xor3A_1082 = arith.xori %iota3A, %xor3A_1081 : vector<16xi32>
          %lt3A_1083 = arith.constant 0 : i32
          %lt3A_1084 = vector.broadcast %lt3A_1083 : i32 to vector<16xi32>
          %lt3A_1085 = arith.cmpi slt, %xor3A_1082, %lt3A_1084 : vector<16xi32>
          %add3A_1086 = arith.constant 16 : i32
          %add3A_1087 = vector.broadcast %add3A_1086 : i32 to vector<16xi32>
          %add3A_1088 = arith.addi %xor3A_1082, %add3A_1087 : vector<16xi32>
          %select_n3A_1089 = arith.select %lt3A_1085, %add3A_1088, %xor3A_1082 : vector<16xi1>, vector<16xi32>
          %broadcast_in_dim3A_1090 = vector.shape_cast %select_n3A_1089 : vector<16xi32> to vector<16x1xi32>
          %gather3A_1091 = vector.shape_cast %broadcast_in_dim3A_1090 : vector<16x1xi32> to vector<16xi32>
          %gather3A_1092 = tpu.dynamic_gather %select_n3A_1079[%gather3A_1091] in [0] : vector<16xi32>, vector<16xi32> -> vector<16xi32>
          %max3A_1093 = arith.maxsi %select_n3A_1079, %gather3A_1092 : vector<16xi32>
          %xor3A_1094 = arith.constant 2 : i32
          %xor3A_1095 = vector.broadcast %xor3A_1094 : i32 to vector<16xi32>
          %xor3A_1096 = arith.xori %iota3A, %xor3A_1095 : vector<16xi32>
          %lt3A_1097 = arith.constant 0 : i32
          %lt3A_1098 = vector.broadcast %lt3A_1097 : i32 to vector<16xi32>
          %lt3A_1099 = arith.cmpi slt, %xor3A_1096, %lt3A_1098 : vector<16xi32>
          %add3A_1100 = arith.constant 16 : i32
          %add3A_1101 = vector.broadcast %add3A_1100 : i32 to vector<16xi32>
          %add3A_1102 = arith.addi %xor3A_1096, %add3A_1101 : vector<16xi32>
          %select_n3A_1103 = arith.select %lt3A_1099, %add3A_1102, %xor3A_1096 : vector<16xi1>, vector<16xi32>
          %broadcast_in_dim3A_1104 = vector.shape_cast %select_n3A_1103 : vector<16xi32> to vector<16x1xi32>
          %gather3A_1105 = vector.shape_cast %broadcast_in_dim3A_1104 : vector<16x1xi32> to vector<16xi32>
          %gather3A_1106 = tpu.dynamic_gather %max3A_1093[%gather3A_1105] in [0] : vector<16xi32>, vector<16xi32> -> vector<16xi32>
          %max3A_1107 = arith.maxsi %max3A_1093, %gather3A_1106 : vector<16xi32>
          %xor3A_1108 = arith.constant 4 : i32
          %xor3A_1109 = vector.broadcast %xor3A_1108 : i32 to vector<16xi32>
          %xor3A_1110 = arith.xori %iota3A, %xor3A_1109 : vector<16xi32>
          %lt3A_1111 = arith.constant 0 : i32
          %lt3A_1112 = vector.broadcast %lt3A_1111 : i32 to vector<16xi32>
          %lt3A_1113 = arith.cmpi slt, %xor3A_1110, %lt3A_1112 : vector<16xi32>
          %add3A_1114 = arith.constant 16 : i32
          %add3A_1115 = vector.broadcast %add3A_1114 : i32 to vector<16xi32>
          %add3A_1116 = arith.addi %xor3A_1110, %add3A_1115 : vector<16xi32>
          %select_n3A_1117 = arith.select %lt3A_1113, %add3A_1116, %xor3A_1110 : vector<16xi1>, vector<16xi32>
          %broadcast_in_dim3A_1118 = vector.shape_cast %select_n3A_1117 : vector<16xi32> to vector<16x1xi32>
          %gather3A_1119 = vector.shape_cast %broadcast_in_dim3A_1118 : vector<16x1xi32> to vector<16xi32>
          %gather3A_1120 = tpu.dynamic_gather %max3A_1107[%gather3A_1119] in [0] : vector<16xi32>, vector<16xi32> -> vector<16xi32>
          %max3A_1121 = arith.maxsi %max3A_1107, %gather3A_1120 : vector<16xi32>
          %xor3A_1122 = arith.constant 8 : i32
          %xor3A_1123 = vector.broadcast %xor3A_1122 : i32 to vector<16xi32>
          %xor3A_1124 = arith.xori %iota3A, %xor3A_1123 : vector<16xi32>
          %lt3A_1125 = arith.constant 0 : i32
          %lt3A_1126 = vector.broadcast %lt3A_1125 : i32 to vector<16xi32>
          %lt3A_1127 = arith.cmpi slt, %xor3A_1124, %lt3A_1126 : vector<16xi32>
          %add3A_1128 = arith.constant 16 : i32
          %add3A_1129 = vector.broadcast %add3A_1128 : i32 to vector<16xi32>
          %add3A_1130 = arith.addi %xor3A_1124, %add3A_1129 : vector<16xi32>
          %select_n3A_1131 = arith.select %lt3A_1127, %add3A_1130, %xor3A_1124 : vector<16xi1>, vector<16xi32>
          %broadcast_in_dim3A_1132 = vector.shape_cast %select_n3A_1131 : vector<16xi32> to vector<16x1xi32>
          %gather3A_1133 = vector.shape_cast %broadcast_in_dim3A_1132 : vector<16x1xi32> to vector<16xi32>
          %gather3A_1134 = tpu.dynamic_gather %max3A_1121[%gather3A_1133] in [0] : vector<16xi32>, vector<16xi32> -> vector<16xi32>
          %max3A_1135 = arith.maxsi %max3A_1121, %gather3A_1134 : vector<16xi32>
          %min3A_1136 = arith.constant 1 : i32
          %min3A_1137 = vector.broadcast %min3A_1136 : i32 to vector<16xi32>
          %min3A_1138 = arith.minsi %max3A_1135, %min3A_1137 : vector<16xi32>
          %lt3A_1139 = arith.constant 2.000000e-01 : f32
          %lt3A_1140 = vector.broadcast %lt3A_1139 : f32 to vector<16xf32>
          %lt3A_1141 = arith.cmpf olt, %max3A_238, %lt3A_1140 : vector<16xf32>
          %jit3A_1142 = arith.constant 1 : i32
          %jit3A_1143 = arith.constant 0 : i32
          %broadcast_in_dim3A_1144 = vector.broadcast %jit3A_1142 : i32 to vector<16xi32>
          %broadcast_in_dim3A_1145 = vector.broadcast %jit3A_1143 : i32 to vector<16xi32>
          %select_n3A_1146 = arith.select %lt3A_1141, %broadcast_in_dim3A_1144, %broadcast_in_dim3A_1145 : vector<16xi1>, vector<16xi32>
          %eq3A_1147 = arith.constant 0 : i32
          %eq3A_1148 = vector.broadcast %eq3A_1147 : i32 to vector<16xi32>
          %eq3A_1149 = arith.cmpi eq, %iota3A, %eq3A_1148 : vector<16xi32>
          %broadcast_in_dim3A_1150 = vector.broadcast %scan3A_156 : f32 to vector<16xf32>
          %select_n3A_1151 = arith.select %eq3A_1149, %max3A_829, %broadcast_in_dim3A_1150 : vector<16xi1>, vector<16xf32>
          %eq3A_1152 = arith.constant 1 : i32
          %eq3A_1153 = vector.broadcast %eq3A_1152 : i32 to vector<16xi32>
          %eq3A_1154 = arith.cmpi eq, %iota3A, %eq3A_1153 : vector<16xi32>
          %broadcast_in_dim3A_1155 = vector.broadcast %scan3A_156 : f32 to vector<16xf32>
          %select_n3A_1156 = arith.select %eq3A_1154, %max3A_893, %broadcast_in_dim3A_1155 : vector<16xi1>, vector<16xf32>
          %add3A_1157 = arith.addf %select_n3A_1151, %select_n3A_1156 : vector<16xf32>
          %eq3A_1158 = arith.constant 2 : i32
          %eq3A_1159 = vector.broadcast %eq3A_1158 : i32 to vector<16xi32>
          %eq3A_1160 = arith.cmpi eq, %iota3A, %eq3A_1159 : vector<16xi32>
          %broadcast_in_dim3A_1161 = vector.broadcast %scan3A_156 : f32 to vector<16xf32>
          %select_n3A_1162 = arith.select %eq3A_1160, %max3A_957, %broadcast_in_dim3A_1161 : vector<16xi1>, vector<16xf32>
          %add3A_1163 = arith.addf %add3A_1157, %select_n3A_1162 : vector<16xf32>
          %eq3A_1164 = arith.constant 3 : i32
          %eq3A_1165 = vector.broadcast %eq3A_1164 : i32 to vector<16xi32>
          %eq3A_1166 = arith.cmpi eq, %iota3A, %eq3A_1165 : vector<16xi32>
          %broadcast_in_dim3A_1167 = vector.broadcast %scan3A_156 : f32 to vector<16xf32>
          %select_n3A_1168 = arith.select %eq3A_1166, %max3A_1021, %broadcast_in_dim3A_1167 : vector<16xi1>, vector<16xf32>
          %add3A_1169 = arith.addf %add3A_1163, %select_n3A_1168 : vector<16xf32>
          %eq3A_1170 = arith.constant 4 : i32
          %eq3A_1171 = vector.broadcast %eq3A_1170 : i32 to vector<16xi32>
          %eq3A_1172 = arith.cmpi eq, %iota3A, %eq3A_1171 : vector<16xi32>
          %broadcast_in_dim3A_1173 = vector.broadcast %scan3A_156 : f32 to vector<16xf32>
          %select_n3A_1174 = arith.select %eq3A_1172, %max3A_238, %broadcast_in_dim3A_1173 : vector<16xi1>, vector<16xf32>
          %add3A_1175 = arith.addf %add3A_1169, %select_n3A_1174 : vector<16xf32>
          %sub3A_1176 = arith.constant 1 : i32
          %sub3A_1177 = vector.broadcast %sub3A_1176 : i32 to vector<16xi32>
          %sub3A_1178 = arith.subi %sub3A_1177, %min3A_1138 : vector<16xi32>
          %sub3A_1179 = arith.constant 1 : i32
          %sub3A_1180 = vector.broadcast %sub3A_1179 : i32 to vector<16xi32>
          %sub3A_1181 = arith.subi %sub3A_1180, %select_n3A_1146 : vector<16xi32>
          %mul3A_1182 = arith.muli %sub3A_1178, %sub3A_1181 : vector<16xi32>
          %slice3A_1183 = vector.extract_strided_slice %get3A_1028 {offsets = [0], sizes = [1], strides = [1]} : vector<16xi32> to vector<1xi32>
          %squeeze3A_1184 = vector.extract %slice3A_1183[0] : i32 from vector<1xi32>
          %mul3A_1185 = arith.constant 16 : i32
          %mul3A_1186 = vector.broadcast %mul3A_1185 : i32 to vector<16xi32>
          %mul3A_1187 = arith.muli %mul3A_1182, %mul3A_1186 : vector<16xi32>
          %lt3A_1188 = arith.cmpi slt, %iota3A, %mul3A_1187 : vector<16xi32>
          %get3A_1189 = arith.index_cast %squeeze3A_1184 : i32 to index
          %get3A_1190 = arith.constant 0 : index
          %get3A_1191 = tpu.vector_load %arg8[%get3A_1189, %get3A_1190] {strides = array<i32>} : memref<16x16xf32, #tpu.memory_space<vmem>>, vector<1x16xf32>,
          %get3A_1192 = vector.shape_cast %get3A_1191 : vector<1x16xf32> to vector<16xf32>
          %select_n3A_1193 = arith.select %lt3A_1188, %add3A_1175, %get3A_1192 : vector<16xi1>, vector<16xf32>
          %swap3A_1194 = arith.index_cast %squeeze3A_1184 : i32 to index
          %swap3A_1195 = arith.constant 0 : index
          %swap3A_1196 = tpu.vector_load %arg8[%swap3A_1194, %swap3A_1195] {strides = array<i32>} : memref<16x16xf32, #tpu.memory_space<vmem>>, vector<1x16xf32>,
          %swap3A_1197 = vector.shape_cast %swap3A_1196 : vector<1x16xf32> to vector<16xf32>
          %swap3A_1198 = vector.shape_cast %select_n3A_1193 : vector<16xf32> to vector<1x16xf32>
          tpu.vector_store %arg8[%swap3A_1194, %swap3A_1195], %swap3A_1198 {strides = array<i32>} : memref<16x16xf32, #tpu.memory_space<vmem>>, vector<1x16xf32>,
          %eq3A_1199 = arith.cmpi eq, %iota3A, %get3A_1028 : vector<16xi32>
          %and3A_1200 = arith.andi %lt3A_1188, %eq3A_1199 : vector<16xi1>
          %get3A_1201 = arith.constant 0 : i32
          %get3A_1202 = arith.index_cast %get3A_1201 : i32 to index
          %get3A_1203 = arith.constant 0 : index
          %get3A_1204 = tpu.vector_load %arg9[%get3A_1202, %get3A_1203] {strides = array<i32>} : memref<8x16xf32, #tpu.memory_space<vmem>>, vector<1x16xf32>,
          %get3A_1205 = vector.shape_cast %get3A_1204 : vector<1x16xf32> to vector<16xf32>
          %select_n3A_1206 = arith.select %and3A_1200, %max3A_829, %get3A_1205 : vector<16xi1>, vector<16xf32>
          %swap3A_1207 = arith.constant 0 : i32
          %swap3A_1208 = arith.index_cast %swap3A_1207 : i32 to index
          %swap3A_1209 = arith.constant 0 : index
          %swap3A_1210 = tpu.vector_load %arg9[%swap3A_1208, %swap3A_1209] {strides = array<i32>} : memref<8x16xf32, #tpu.memory_space<vmem>>, vector<1x16xf32>,
          %swap3A_1211 = vector.shape_cast %swap3A_1210 : vector<1x16xf32> to vector<16xf32>
          %swap3A_1212 = vector.shape_cast %select_n3A_1206 : vector<16xf32> to vector<1x16xf32>
          tpu.vector_store %arg9[%swap3A_1208, %swap3A_1209], %swap3A_1212 {strides = array<i32>} : memref<8x16xf32, #tpu.memory_space<vmem>>, vector<1x16xf32>,
          %get3A_1213 = arith.constant 1 : i32
          %get3A_1214 = arith.index_cast %get3A_1213 : i32 to index
          %get3A_1215 = arith.constant 0 : index
          %get3A_1216 = tpu.vector_load %arg9[%get3A_1214, %get3A_1215] {strides = array<i32>} : memref<8x16xf32, #tpu.memory_space<vmem>>, vector<1x16xf32>,
          %get3A_1217 = vector.shape_cast %get3A_1216 : vector<1x16xf32> to vector<16xf32>
          %select_n3A_1218 = arith.select %and3A_1200, %max3A_893, %get3A_1217 : vector<16xi1>, vector<16xf32>
          %swap3A_1219 = arith.constant 1 : i32
          %swap3A_1220 = arith.index_cast %swap3A_1219 : i32 to index
          %swap3A_1221 = arith.constant 0 : index
          %swap3A_1222 = tpu.vector_load %arg9[%swap3A_1220, %swap3A_1221] {strides = array<i32>} : memref<8x16xf32, #tpu.memory_space<vmem>>, vector<1x16xf32>,
          %swap3A_1223 = vector.shape_cast %swap3A_1222 : vector<1x16xf32> to vector<16xf32>
          %swap3A_1224 = vector.shape_cast %select_n3A_1218 : vector<16xf32> to vector<1x16xf32>
          tpu.vector_store %arg9[%swap3A_1220, %swap3A_1221], %swap3A_1224 {strides = array<i32>} : memref<8x16xf32, #tpu.memory_space<vmem>>, vector<1x16xf32>,
          %get3A_1225 = arith.constant 2 : i32
          %get3A_1226 = arith.index_cast %get3A_1225 : i32 to index
          %get3A_1227 = arith.constant 0 : index
          %get3A_1228 = tpu.vector_load %arg9[%get3A_1226, %get3A_1227] {strides = array<i32>} : memref<8x16xf32, #tpu.memory_space<vmem>>, vector<1x16xf32>,
          %get3A_1229 = vector.shape_cast %get3A_1228 : vector<1x16xf32> to vector<16xf32>
          %select_n3A_1230 = arith.select %and3A_1200, %max3A_957, %get3A_1229 : vector<16xi1>, vector<16xf32>
          %swap3A_1231 = arith.constant 2 : i32
          %swap3A_1232 = arith.index_cast %swap3A_1231 : i32 to index
          %swap3A_1233 = arith.constant 0 : index
          %swap3A_1234 = tpu.vector_load %arg9[%swap3A_1232, %swap3A_1233] {strides = array<i32>} : memref<8x16xf32, #tpu.memory_space<vmem>>, vector<1x16xf32>,
          %swap3A_1235 = vector.shape_cast %swap3A_1234 : vector<1x16xf32> to vector<16xf32>
          %swap3A_1236 = vector.shape_cast %select_n3A_1230 : vector<16xf32> to vector<1x16xf32>
          tpu.vector_store %arg9[%swap3A_1232, %swap3A_1233], %swap3A_1236 {strides = array<i32>} : memref<8x16xf32, #tpu.memory_space<vmem>>, vector<1x16xf32>,
          %get3A_1237 = arith.constant 3 : i32
          %get3A_1238 = arith.index_cast %get3A_1237 : i32 to index
          %get3A_1239 = arith.constant 0 : index
          %get3A_1240 = tpu.vector_load %arg9[%get3A_1238, %get3A_1239] {strides = array<i32>} : memref<8x16xf32, #tpu.memory_space<vmem>>, vector<1x16xf32>,
          %get3A_1241 = vector.shape_cast %get3A_1240 : vector<1x16xf32> to vector<16xf32>
          %select_n3A_1242 = arith.select %and3A_1200, %max3A_1021, %get3A_1241 : vector<16xi1>, vector<16xf32>
          %swap3A_1243 = arith.constant 3 : i32
          %swap3A_1244 = arith.index_cast %swap3A_1243 : i32 to index
          %swap3A_1245 = arith.constant 0 : index
          %swap3A_1246 = tpu.vector_load %arg9[%swap3A_1244, %swap3A_1245] {strides = array<i32>} : memref<8x16xf32, #tpu.memory_space<vmem>>, vector<1x16xf32>,
          %swap3A_1247 = vector.shape_cast %swap3A_1246 : vector<1x16xf32> to vector<16xf32>
          %swap3A_1248 = vector.shape_cast %select_n3A_1242 : vector<16xf32> to vector<1x16xf32>
          tpu.vector_store %arg9[%swap3A_1244, %swap3A_1245], %swap3A_1248 {strides = array<i32>} : memref<8x16xf32, #tpu.memory_space<vmem>>, vector<1x16xf32>,
          %get3A_1249 = arith.constant 4 : i32
          %get3A_1250 = arith.index_cast %get3A_1249 : i32 to index
          %get3A_1251 = arith.constant 0 : index
          %get3A_1252 = tpu.vector_load %arg9[%get3A_1250, %get3A_1251] {strides = array<i32>} : memref<8x16xf32, #tpu.memory_space<vmem>>, vector<1x16xf32>,
          %get3A_1253 = vector.shape_cast %get3A_1252 : vector<1x16xf32> to vector<16xf32>
          %select_n3A_1254 = arith.select %and3A_1200, %mul3A_1023, %get3A_1253 : vector<16xi1>, vector<16xf32>
          %swap3A_1255 = arith.constant 4 : i32
          %swap3A_1256 = arith.index_cast %swap3A_1255 : i32 to index
          %swap3A_1257 = arith.constant 0 : index
          %swap3A_1258 = tpu.vector_load %arg9[%swap3A_1256, %swap3A_1257] {strides = array<i32>} : memref<8x16xf32, #tpu.memory_space<vmem>>, vector<1x16xf32>,
          %swap3A_1259 = vector.shape_cast %swap3A_1258 : vector<1x16xf32> to vector<16xf32>
          %swap3A_1260 = vector.shape_cast %select_n3A_1254 : vector<16xf32> to vector<1x16xf32>
          tpu.vector_store %arg9[%swap3A_1256, %swap3A_1257], %swap3A_1260 {strides = array<i32>} : memref<8x16xf32, #tpu.memory_space<vmem>>, vector<1x16xf32>,
          %add3A_1261 = arith.addi %get3A_1028, %mul3A_1182 : vector<16xi32>
          %swap3A_1262 = arith.constant 1 : i32
          %swap3A_1263 = arith.index_cast %swap3A_1262 : i32 to index
          %swap3A_1264 = arith.constant 0 : index
          %swap3A_1265 = tpu.vector_load %arg10[%swap3A_1263, %swap3A_1264] {strides = array<i32>} : memref<2x16xi32, #tpu.memory_space<vmem>>, vector<1x16xi32>,
          %swap3A_1266 = vector.shape_cast %swap3A_1265 : vector<1x16xi32> to vector<16xi32>
          %swap3A_1267 = vector.shape_cast %add3A_1261 : vector<16xi32> to vector<1x16xi32>
          tpu.vector_store %arg10[%swap3A_1263, %swap3A_1264], %swap3A_1267 {strides = array<i32>} : memref<2x16xi32, #tpu.memory_space<vmem>>, vector<1x16xi32>,
          %ge3A = arith.constant 10 : i32
          %ge3A_1268 = vector.broadcast %ge3A : i32 to vector<16xi32>
          %ge3A_1269 = arith.cmpi sge, %add3A_1261, %ge3A_1268 : vector<16xi32>
          %jit3A_1270 = arith.constant 1 : i32
          %jit3A_1271 = arith.constant 0 : i32
          %broadcast_in_dim3A_1272 = vector.broadcast %jit3A_1270 : i32 to vector<16xi32>
          %broadcast_in_dim3A_1273 = vector.broadcast %jit3A_1271 : i32 to vector<16xi32>
          %select_n3A_1274 = arith.select %ge3A_1269, %broadcast_in_dim3A_1272, %broadcast_in_dim3A_1273 : vector<16xi1>, vector<16xi32>
          %max3A_1275 = arith.maxsi %select_n3A_1146, %select_n3A_1274 : vector<16xi32>
          %swap3A_1276 = arith.constant 0 : i32
          %swap3A_1277 = arith.index_cast %swap3A_1276 : i32 to index
          %swap3A_1278 = arith.constant 0 : index
          %swap3A_1279 = tpu.vector_load %arg10[%swap3A_1277, %swap3A_1278] {strides = array<i32>} : memref<2x16xi32, #tpu.memory_space<vmem>>, vector<1x16xi32>,
          %swap3A_1280 = vector.shape_cast %swap3A_1279 : vector<1x16xi32> to vector<16xi32>
          %swap3A_1281 = vector.shape_cast %max3A_1275 : vector<16xi32> to vector<1x16xi32>
          tpu.vector_store %arg10[%swap3A_1277, %swap3A_1278], %swap3A_1281 {strides = array<i32>} : memref<2x16xi32, #tpu.memory_space<vmem>>, vector<1x16xi32>,
        } else {
        }
      }
      %scan3A_161 = arith.constant 16 : i32
      %scan3A_162 = arith.constant 0 : i32
      %scan3A_163 = arith.constant 0.000000e+00 : f32
      %scan3A_164 = arith.constant 0 : i32
      %scan3A_165 = arith.constant 20 : i32
      %scan3A_166 = arith.addi %scan3A_164, %scan3A_165 : i32
      %scan3A_167 = arith.constant 1 : i32
      scf.for %scan3A_169 = %scan3A_164 to %scan3A_166 step %scan3A_167  : i32 {
        %get3A = arith.constant 0 : i32
        %get3A_170 = arith.index_cast %get3A : i32 to index
        %get3A_171 = arith.constant 0 : index
        %get3A_172 = tpu.vector_load %arg10[%get3A_170, %get3A_171] {strides = array<i32>} : memref<2x16xi32, #tpu.memory_space<vmem>>, vector<1x16xi32>,
        %get3A_173 = vector.shape_cast %get3A_172 : vector<1x16xi32> to vector<16xi32>
        %slice3A = vector.extract_strided_slice %get3A_173 {offsets = [0], sizes = [1], strides = [1]} : vector<16xi32> to vector<1xi32>
        %squeeze3A = vector.extract %slice3A[0] : i32 from vector<1xi32>
        %eq3A_174 = arith.constant 0 : i32
        %eq3A_175 = arith.cmpi eq, %squeeze3A, %eq3A_174 : i32
        %convert_element_type3A_176 = arith.extui %eq3A_175 : i1 to i32
        %cond3A_177 = arith.constant 0 : i32
        %cond3A_178 = arith.cmpi ne, %convert_element_type3A_176, %cond3A_177 : i32
        scf.if %cond3A_178 {
          %scan3A_179 = arith.constant 0 : i32
          %scan3A_180 = arith.constant 0 : i32
          %scan3A_181 = arith.constant 256 : i32
          %scan3A_182 = arith.addi %scan3A_180, %scan3A_181 : i32
          %scan3A_183 = arith.constant 1 : i32
          scf.for %scan3A_185 = %scan3A_180 to %scan3A_182 step %scan3A_183  : i32 {
            %get3A_186 = arith.constant 0 : i32
            %get3A_187 = arith.index_cast %get3A_186 : i32 to index
            %get3A_188 = arith.constant 0 : index
            %get3A_189 = tpu.vector_load %arg10[%get3A_187, %get3A_188] {strides = array<i32>} : memref<2x16xi32, #tpu.memory_space<vmem>>, vector<1x16xi32>,
            %get3A_190 = vector.shape_cast %get3A_189 : vector<1x16xi32> to vector<16xi32>
            %slice3A_191 = vector.extract_strided_slice %get3A_190 {offsets = [0], sizes = [1], strides = [1]} : vector<16xi32> to vector<1xi32>
            %squeeze3A_192 = vector.extract %slice3A_191[0] : i32 from vector<1xi32>
            %eq3A_193 = arith.constant 0 : i32
            %eq3A_194 = arith.cmpi eq, %squeeze3A_192, %eq3A_193 : i32
            %convert_element_type3A_195 = arith.extui %eq3A_194 : i1 to i32
            %cond3A_196 = arith.constant 0 : i32
            %cond3A_197 = arith.cmpi ne, %convert_element_type3A_195, %cond3A_196 : i32
            scf.if %cond3A_197 {
              %broadcast_in_dim3A_198 = arith.constant 0xFF800000 : f32
              %broadcast_in_dim3A_199 = vector.broadcast %broadcast_in_dim3A_198 : f32 to vector<16xf32>
              %broadcast_in_dim3A_200 = arith.constant 0 : i32
              %broadcast_in_dim3A_201 = vector.broadcast %broadcast_in_dim3A_200 : i32 to vector<16xi32>
              %scan3A_202 = arith.constant 0 : i32
              %scan3A_203 = arith.constant 20 : i32
              %scan3A_204 = arith.addi %scan3A_202, %scan3A_203 : i32
              %scan3A_205 = arith.constant 5 : i32
              %scan3A_206:2 = scf.for %scan3A_1301 = %scan3A_202 to %scan3A_204 step %scan3A_205 iter_args(%scan3A_1302 = %broadcast_in_dim3A_199, %scan3A_1303 = %broadcast_in_dim3A_201) -> (vector<16xf32>, vector<16xi32>)  : i32 {
                %get3A_1304 = arith.index_cast %scan3A_1301 : i32 to index
                %get3A_1305 = arith.constant 0 : index
                %get3A_1306 = tpu.vector_load %arg7[%get3A_1304, %get3A_1305] {strides = array<i32>} : memref<20x16xf32, #tpu.memory_space<vmem>>, vector<1x16xf32>,
                %get3A_1307 = vector.shape_cast %get3A_1306 : vector<1x16xf32> to vector<16xf32>
                %gt3A_1308 = arith.cmpf ogt, %get3A_1307, %scan3A_1302 : vector<16xf32>
                %select_n3A_1309 = arith.select %gt3A_1308, %get3A_1307, %scan3A_1302 : vector<16xi1>, vector<16xf32>
                %broadcast_in_dim3A_1310 = vector.broadcast %scan3A_1301 : i32 to vector<16xi32>
                %select_n3A_1311 = arith.select %gt3A_1308, %broadcast_in_dim3A_1310, %scan3A_1303 : vector<16xi1>, vector<16xi32>
                %scan3A_1312 = arith.constant 1 : i32
                %scan3A_1313 = arith.addi %scan3A_1301, %scan3A_1312 : i32
                %get3A_1314 = arith.index_cast %scan3A_1313 : i32 to index
                %get3A_1315 = arith.constant 0 : index
                %get3A_1316 = tpu.vector_load %arg7[%get3A_1314, %get3A_1315] {strides = array<i32>} : memref<20x16xf32, #tpu.memory_space<vmem>>, vector<1x16xf32>,
                %get3A_1317 = vector.shape_cast %get3A_1316 : vector<1x16xf32> to vector<16xf32>
                %gt3A_1318 = arith.cmpf ogt, %get3A_1317, %select_n3A_1309 : vector<16xf32>
                %select_n3A_1319 = arith.select %gt3A_1318, %get3A_1317, %select_n3A_1309 : vector<16xi1>, vector<16xf32>
                %broadcast_in_dim3A_1320 = vector.broadcast %scan3A_1313 : i32 to vector<16xi32>
                %select_n3A_1321 = arith.select %gt3A_1318, %broadcast_in_dim3A_1320, %select_n3A_1311 : vector<16xi1>, vector<16xi32>
                %scan3A_1322 = arith.constant 2 : i32
                %scan3A_1323 = arith.addi %scan3A_1301, %scan3A_1322 : i32
                %get3A_1324 = arith.index_cast %scan3A_1323 : i32 to index
                %get3A_1325 = arith.constant 0 : index
                %get3A_1326 = tpu.vector_load %arg7[%get3A_1324, %get3A_1325] {strides = array<i32>} : memref<20x16xf32, #tpu.memory_space<vmem>>, vector<1x16xf32>,
                %get3A_1327 = vector.shape_cast %get3A_1326 : vector<1x16xf32> to vector<16xf32>
                %gt3A_1328 = arith.cmpf ogt, %get3A_1327, %select_n3A_1319 : vector<16xf32>
                %select_n3A_1329 = arith.select %gt3A_1328, %get3A_1327, %select_n3A_1319 : vector<16xi1>, vector<16xf32>
                %broadcast_in_dim3A_1330 = vector.broadcast %scan3A_1323 : i32 to vector<16xi32>
                %select_n3A_1331 = arith.select %gt3A_1328, %broadcast_in_dim3A_1330, %select_n3A_1321 : vector<16xi1>, vector<16xi32>
                %scan3A_1332 = arith.constant 3 : i32
                %scan3A_1333 = arith.addi %scan3A_1301, %scan3A_1332 : i32
                %get3A_1334 = arith.index_cast %scan3A_1333 : i32 to index
                %get3A_1335 = arith.constant 0 : index
                %get3A_1336 = tpu.vector_load %arg7[%get3A_1334, %get3A_1335] {strides = array<i32>} : memref<20x16xf32, #tpu.memory_space<vmem>>, vector<1x16xf32>,
                %get3A_1337 = vector.shape_cast %get3A_1336 : vector<1x16xf32> to vector<16xf32>
                %gt3A_1338 = arith.cmpf ogt, %get3A_1337, %select_n3A_1329 : vector<16xf32>
                %select_n3A_1339 = arith.select %gt3A_1338, %get3A_1337, %select_n3A_1329 : vector<16xi1>, vector<16xf32>
                %broadcast_in_dim3A_1340 = vector.broadcast %scan3A_1333 : i32 to vector<16xi32>
                %select_n3A_1341 = arith.select %gt3A_1338, %broadcast_in_dim3A_1340, %select_n3A_1331 : vector<16xi1>, vector<16xi32>
                %scan3A_1342 = arith.constant 4 : i32
                %scan3A_1343 = arith.addi %scan3A_1301, %scan3A_1342 : i32
                %get3A_1344 = arith.index_cast %scan3A_1343 : i32 to index
                %get3A_1345 = arith.constant 0 : index
                %get3A_1346 = tpu.vector_load %arg7[%get3A_1344, %get3A_1345] {strides = array<i32>} : memref<20x16xf32, #tpu.memory_space<vmem>>, vector<1x16xf32>,
                %get3A_1347 = vector.shape_cast %get3A_1346 : vector<1x16xf32> to vector<16xf32>
                %gt3A_1348 = arith.cmpf ogt, %get3A_1347, %select_n3A_1339 : vector<16xf32>
                %select_n3A_1349 = arith.select %gt3A_1348, %get3A_1347, %select_n3A_1339 : vector<16xi1>, vector<16xf32>
                %broadcast_in_dim3A_1350 = vector.broadcast %scan3A_1343 : i32 to vector<16xi32>
                %select_n3A_1351 = arith.select %gt3A_1348, %broadcast_in_dim3A_1350, %select_n3A_1341 : vector<16xi1>, vector<16xi32>
                scf.yield %select_n3A_1349, %select_n3A_1351 : vector<16xf32>, vector<16xi32>
              }
              %scan3A_207 = arith.constant 20 : i32
              %xor3A = arith.constant 1 : i32
              %xor3A_208 = vector.broadcast %xor3A : i32 to vector<16xi32>
              %xor3A_209 = arith.xori %iota3A, %xor3A_208 : vector<16xi32>
              %lt3A = arith.constant 0 : i32
              %lt3A_210 = vector.broadcast %lt3A : i32 to vector<16xi32>
              %lt3A_211 = arith.cmpi slt, %xor3A_209, %lt3A_210 : vector<16xi32>
              %add3A = arith.constant 16 : i32
              %add3A_212 = vector.broadcast %add3A : i32 to vector<16xi32>
              %add3A_213 = arith.addi %xor3A_209, %add3A_212 : vector<16xi32>
              %select_n3A = arith.select %lt3A_211, %add3A_213, %xor3A_209 : vector<16xi1>, vector<16xi32>
              %broadcast_in_dim3A_214 = vector.shape_cast %select_n3A : vector<16xi32> to vector<16x1xi32>
              %gather3A = vector.shape_cast %broadcast_in_dim3A_214 : vector<16x1xi32> to vector<16xi32>
              %gather3A_215 = tpu.dynamic_gather %scan3A_206#0[%gather3A] in [0] : vector<16xf32>, vector<16xi32> -> vector<16xf32>
              %max3A = arith.maximumf %scan3A_206#0, %gather3A_215 : vector<16xf32>
              %xor3A_216 = arith.constant 2 : i32
              %xor3A_217 = vector.broadcast %xor3A_216 : i32 to vector<16xi32>
              %xor3A_218 = arith.xori %iota3A, %xor3A_217 : vector<16xi32>
              %lt3A_219 = arith.constant 0 : i32
              %lt3A_220 = vector.broadcast %lt3A_219 : i32 to vector<16xi32>
              %lt3A_221 = arith.cmpi slt, %xor3A_218, %lt3A_220 : vector<16xi32>
              %add3A_222 = arith.constant 16 : i32
              %add3A_223 = vector.broadcast %add3A_222 : i32 to vector<16xi32>
              %add3A_224 = arith.addi %xor3A_218, %add3A_223 : vector<16xi32>
              %select_n3A_225 = arith.select %lt3A_221, %add3A_224, %xor3A_218 : vector<16xi1>, vector<16xi32>
              %broadcast_in_dim3A_226 = vector.shape_cast %select_n3A_225 : vector<16xi32> to vector<16x1xi32>
              %gather3A_227 = vector.shape_cast %broadcast_in_dim3A_226 : vector<16x1xi32> to vector<16xi32>
              %gather3A_228 = tpu.dynamic_gather %max3A[%gather3A_227] in [0] : vector<16xf32>, vector<16xi32> -> vector<16xf32>
              %max3A_229 = arith.maximumf %max3A, %gather3A_228 : vector<16xf32>
              %xor3A_230 = arith.constant 4 : i32
              %xor3A_231 = vector.broadcast %xor3A_230 : i32 to vector<16xi32>
              %xor3A_232 = arith.xori %iota3A, %xor3A_231 : vector<16xi32>
              %lt3A_233 = arith.constant 0 : i32
              %lt3A_234 = vector.broadcast %lt3A_233 : i32 to vector<16xi32>
              %lt3A_235 = arith.cmpi slt, %xor3A_232, %lt3A_234 : vector<16xi32>
              %add3A_236 = arith.constant 16 : i32
              %add3A_237 = vector.broadcast %add3A_236 : i32 to vector<16xi32>
              %add3A_238 = arith.addi %xor3A_232, %add3A_237 : vector<16xi32>
              %select_n3A_239 = arith.select %lt3A_235, %add3A_238, %xor3A_232 : vector<16xi1>, vector<16xi32>
              %broadcast_in_dim3A_240 = vector.shape_cast %select_n3A_239 : vector<16xi32> to vector<16x1xi32>
              %gather3A_241 = vector.shape_cast %broadcast_in_dim3A_240 : vector<16x1xi32> to vector<16xi32>
              %gather3A_242 = tpu.dynamic_gather %max3A_229[%gather3A_241] in [0] : vector<16xf32>, vector<16xi32> -> vector<16xf32>
              %max3A_243 = arith.maximumf %max3A_229, %gather3A_242 : vector<16xf32>
              %xor3A_244 = arith.constant 8 : i32
              %xor3A_245 = vector.broadcast %xor3A_244 : i32 to vector<16xi32>
              %xor3A_246 = arith.xori %iota3A, %xor3A_245 : vector<16xi32>
              %lt3A_247 = arith.constant 0 : i32
              %lt3A_248 = vector.broadcast %lt3A_247 : i32 to vector<16xi32>
              %lt3A_249 = arith.cmpi slt, %xor3A_246, %lt3A_248 : vector<16xi32>
              %add3A_250 = arith.constant 16 : i32
              %add3A_251 = vector.broadcast %add3A_250 : i32 to vector<16xi32>
              %add3A_252 = arith.addi %xor3A_246, %add3A_251 : vector<16xi32>
              %select_n3A_253 = arith.select %lt3A_249, %add3A_252, %xor3A_246 : vector<16xi1>, vector<16xi32>
              %broadcast_in_dim3A_254 = vector.shape_cast %select_n3A_253 : vector<16xi32> to vector<16x1xi32>
              %gather3A_255 = vector.shape_cast %broadcast_in_dim3A_254 : vector<16x1xi32> to vector<16xi32>
              %gather3A_256 = tpu.dynamic_gather %max3A_243[%gather3A_255] in [0] : vector<16xf32>, vector<16xi32> -> vector<16xf32>
              %max3A_257 = arith.maximumf %max3A_243, %gather3A_256 : vector<16xf32>
              %eq3A_258 = arith.cmpf oeq, %scan3A_206#0, %max3A_257 : vector<16xf32>
              %jit3A = arith.constant 1073741824 : i32
              %broadcast_in_dim3A_259 = vector.broadcast %jit3A : i32 to vector<16xi32>
              %select_n3A_260 = arith.select %eq3A_258, %scan3A_206#1, %broadcast_in_dim3A_259 : vector<16xi1>, vector<16xi32>
              %xor3A_261 = arith.constant 1 : i32
              %xor3A_262 = vector.broadcast %xor3A_261 : i32 to vector<16xi32>
              %xor3A_263 = arith.xori %iota3A, %xor3A_262 : vector<16xi32>
              %lt3A_264 = arith.constant 0 : i32
              %lt3A_265 = vector.broadcast %lt3A_264 : i32 to vector<16xi32>
              %lt3A_266 = arith.cmpi slt, %xor3A_263, %lt3A_265 : vector<16xi32>
              %add3A_267 = arith.constant 16 : i32
              %add3A_268 = vector.broadcast %add3A_267 : i32 to vector<16xi32>
              %add3A_269 = arith.addi %xor3A_263, %add3A_268 : vector<16xi32>
              %select_n3A_270 = arith.select %lt3A_266, %add3A_269, %xor3A_263 : vector<16xi1>, vector<16xi32>
              %broadcast_in_dim3A_271 = vector.shape_cast %select_n3A_270 : vector<16xi32> to vector<16x1xi32>
              %gather3A_272 = vector.shape_cast %broadcast_in_dim3A_271 : vector<16x1xi32> to vector<16xi32>
              %gather3A_273 = tpu.dynamic_gather %select_n3A_260[%gather3A_272] in [0] : vector<16xi32>, vector<16xi32> -> vector<16xi32>
              %min3A = arith.minsi %select_n3A_260, %gather3A_273 : vector<16xi32>
              %xor3A_274 = arith.constant 2 : i32
              %xor3A_275 = vector.broadcast %xor3A_274 : i32 to vector<16xi32>
              %xor3A_276 = arith.xori %iota3A, %xor3A_275 : vector<16xi32>
              %lt3A_277 = arith.constant 0 : i32
              %lt3A_278 = vector.broadcast %lt3A_277 : i32 to vector<16xi32>
              %lt3A_279 = arith.cmpi slt, %xor3A_276, %lt3A_278 : vector<16xi32>
              %add3A_280 = arith.constant 16 : i32
              %add3A_281 = vector.broadcast %add3A_280 : i32 to vector<16xi32>
              %add3A_282 = arith.addi %xor3A_276, %add3A_281 : vector<16xi32>
              %select_n3A_283 = arith.select %lt3A_279, %add3A_282, %xor3A_276 : vector<16xi1>, vector<16xi32>
              %broadcast_in_dim3A_284 = vector.shape_cast %select_n3A_283 : vector<16xi32> to vector<16x1xi32>
              %gather3A_285 = vector.shape_cast %broadcast_in_dim3A_284 : vector<16x1xi32> to vector<16xi32>
              %gather3A_286 = tpu.dynamic_gather %min3A[%gather3A_285] in [0] : vector<16xi32>, vector<16xi32> -> vector<16xi32>
              %min3A_287 = arith.minsi %min3A, %gather3A_286 : vector<16xi32>
              %xor3A_288 = arith.constant 4 : i32
              %xor3A_289 = vector.broadcast %xor3A_288 : i32 to vector<16xi32>
              %xor3A_290 = arith.xori %iota3A, %xor3A_289 : vector<16xi32>
              %lt3A_291 = arith.constant 0 : i32
              %lt3A_292 = vector.broadcast %lt3A_291 : i32 to vector<16xi32>
              %lt3A_293 = arith.cmpi slt, %xor3A_290, %lt3A_292 : vector<16xi32>
              %add3A_294 = arith.constant 16 : i32
              %add3A_295 = vector.broadcast %add3A_294 : i32 to vector<16xi32>
              %add3A_296 = arith.addi %xor3A_290, %add3A_295 : vector<16xi32>
              %select_n3A_297 = arith.select %lt3A_293, %add3A_296, %xor3A_290 : vector<16xi1>, vector<16xi32>
              %broadcast_in_dim3A_298 = vector.shape_cast %select_n3A_297 : vector<16xi32> to vector<16x1xi32>
              %gather3A_299 = vector.shape_cast %broadcast_in_dim3A_298 : vector<16x1xi32> to vector<16xi32>
              %gather3A_300 = tpu.dynamic_gather %min3A_287[%gather3A_299] in [0] : vector<16xi32>, vector<16xi32> -> vector<16xi32>
              %min3A_301 = arith.minsi %min3A_287, %gather3A_300 : vector<16xi32>
              %xor3A_302 = arith.constant 8 : i32
              %xor3A_303 = vector.broadcast %xor3A_302 : i32 to vector<16xi32>
              %xor3A_304 = arith.xori %iota3A, %xor3A_303 : vector<16xi32>
              %lt3A_305 = arith.constant 0 : i32
              %lt3A_306 = vector.broadcast %lt3A_305 : i32 to vector<16xi32>
              %lt3A_307 = arith.cmpi slt, %xor3A_304, %lt3A_306 : vector<16xi32>
              %add3A_308 = arith.constant 16 : i32
              %add3A_309 = vector.broadcast %add3A_308 : i32 to vector<16xi32>
              %add3A_310 = arith.addi %xor3A_304, %add3A_309 : vector<16xi32>
              %select_n3A_311 = arith.select %lt3A_307, %add3A_310, %xor3A_304 : vector<16xi1>, vector<16xi32>
              %broadcast_in_dim3A_312 = vector.shape_cast %select_n3A_311 : vector<16xi32> to vector<16x1xi32>
              %gather3A_313 = vector.shape_cast %broadcast_in_dim3A_312 : vector<16x1xi32> to vector<16xi32>
              %gather3A_314 = tpu.dynamic_gather %min3A_301[%gather3A_313] in [0] : vector<16xi32>, vector<16xi32> -> vector<16xi32>
              %min3A_315 = arith.minsi %min3A_301, %gather3A_314 : vector<16xi32>
              %slice3A_316 = vector.extract_strided_slice %min3A_315 {offsets = [0], sizes = [1], strides = [1]} : vector<16xi32> to vector<1xi32>
              %squeeze3A_317 = vector.extract %slice3A_316[0] : i32 from vector<1xi32>
              %broadcast_in_dim3A_318 = arith.constant 0xFF800000 : f32
              %broadcast_in_dim3A_319 = vector.broadcast %broadcast_in_dim3A_318 : f32 to vector<16xf32>
              %broadcast_in_dim3A_320 = arith.constant 0 : i32
              %broadcast_in_dim3A_321 = vector.broadcast %broadcast_in_dim3A_320 : i32 to vector<16xi32>
              %mul3A = arith.constant 16 : i32
              %mul3A_322 = arith.muli %squeeze3A_317, %mul3A : i32
              %add3A_323 = arith.constant 0 : i32
              %add3A_324 = arith.addi %mul3A_322, %add3A_323 : i32
              %get3A_325 = arith.index_cast %add3A_324 : i32 to index
              %get3A_326 = arith.constant 0 : index
              %get3A_327 = tpu.vector_load %arg5[%get3A_325, %get3A_326] {strides = array<i32>} : memref<320x16xf32, #tpu.memory_space<vmem>>, vector<1x16xf32>,
              %get3A_328 = vector.shape_cast %get3A_327 : vector<1x16xf32> to vector<16xf32>
              %gt3A = arith.cmpf ogt, %get3A_328, %broadcast_in_dim3A_319 : vector<16xf32>
              %select_n3A_329 = arith.select %gt3A, %get3A_328, %broadcast_in_dim3A_319 : vector<16xi1>, vector<16xf32>
              %mul3A_330 = arith.constant 16 : i32
              %mul3A_331 = arith.muli %add3A_324, %mul3A_330 : i32
              %add3A_332 = vector.broadcast %mul3A_331 : i32 to vector<16xi32>
              %add3A_333 = arith.addi %add3A_332, %iota3A : vector<16xi32>
              %select_n3A_334 = arith.select %gt3A, %add3A_333, %broadcast_in_dim3A_321 : vector<16xi1>, vector<16xi32>
              %mul3A_335 = arith.constant 16 : i32
              %mul3A_336 = arith.muli %squeeze3A_317, %mul3A_335 : i32
              %add3A_337 = arith.constant 1 : i32
              %add3A_338 = arith.addi %mul3A_336, %add3A_337 : i32
              %get3A_339 = arith.index_cast %add3A_338 : i32 to index
              %get3A_340 = arith.constant 0 : index
              %get3A_341 = tpu.vector_load %arg5[%get3A_339, %get3A_340] {strides = array<i32>} : memref<320x16xf32, #tpu.memory_space<vmem>>, vector<1x16xf32>,
              %get3A_342 = vector.shape_cast %get3A_341 : vector<1x16xf32> to vector<16xf32>
              %gt3A_343 = arith.cmpf ogt, %get3A_342, %select_n3A_329 : vector<16xf32>
              %select_n3A_344 = arith.select %gt3A_343, %get3A_342, %select_n3A_329 : vector<16xi1>, vector<16xf32>
              %mul3A_345 = arith.constant 16 : i32
              %mul3A_346 = arith.muli %add3A_338, %mul3A_345 : i32
              %add3A_347 = vector.broadcast %mul3A_346 : i32 to vector<16xi32>
              %add3A_348 = arith.addi %add3A_347, %iota3A : vector<16xi32>
              %select_n3A_349 = arith.select %gt3A_343, %add3A_348, %select_n3A_334 : vector<16xi1>, vector<16xi32>
              %mul3A_350 = arith.constant 16 : i32
              %mul3A_351 = arith.muli %squeeze3A_317, %mul3A_350 : i32
              %add3A_352 = arith.constant 2 : i32
              %add3A_353 = arith.addi %mul3A_351, %add3A_352 : i32
              %get3A_354 = arith.index_cast %add3A_353 : i32 to index
              %get3A_355 = arith.constant 0 : index
              %get3A_356 = tpu.vector_load %arg5[%get3A_354, %get3A_355] {strides = array<i32>} : memref<320x16xf32, #tpu.memory_space<vmem>>, vector<1x16xf32>,
              %get3A_357 = vector.shape_cast %get3A_356 : vector<1x16xf32> to vector<16xf32>
              %gt3A_358 = arith.cmpf ogt, %get3A_357, %select_n3A_344 : vector<16xf32>
              %select_n3A_359 = arith.select %gt3A_358, %get3A_357, %select_n3A_344 : vector<16xi1>, vector<16xf32>
              %mul3A_360 = arith.constant 16 : i32
              %mul3A_361 = arith.muli %add3A_353, %mul3A_360 : i32
              %add3A_362 = vector.broadcast %mul3A_361 : i32 to vector<16xi32>
              %add3A_363 = arith.addi %add3A_362, %iota3A : vector<16xi32>
              %select_n3A_364 = arith.select %gt3A_358, %add3A_363, %select_n3A_349 : vector<16xi1>, vector<16xi32>
              %mul3A_365 = arith.constant 16 : i32
              %mul3A_366 = arith.muli %squeeze3A_317, %mul3A_365 : i32
              %add3A_367 = arith.constant 3 : i32
              %add3A_368 = arith.addi %mul3A_366, %add3A_367 : i32
              %get3A_369 = arith.index_cast %add3A_368 : i32 to index
              %get3A_370 = arith.constant 0 : index
              %get3A_371 = tpu.vector_load %arg5[%get3A_369, %get3A_370] {strides = array<i32>} : memref<320x16xf32, #tpu.memory_space<vmem>>, vector<1x16xf32>,
              %get3A_372 = vector.shape_cast %get3A_371 : vector<1x16xf32> to vector<16xf32>
              %gt3A_373 = arith.cmpf ogt, %get3A_372, %select_n3A_359 : vector<16xf32>
              %select_n3A_374 = arith.select %gt3A_373, %get3A_372, %select_n3A_359 : vector<16xi1>, vector<16xf32>
              %mul3A_375 = arith.constant 16 : i32
              %mul3A_376 = arith.muli %add3A_368, %mul3A_375 : i32
              %add3A_377 = vector.broadcast %mul3A_376 : i32 to vector<16xi32>
              %add3A_378 = arith.addi %add3A_377, %iota3A : vector<16xi32>
              %select_n3A_379 = arith.select %gt3A_373, %add3A_378, %select_n3A_364 : vector<16xi1>, vector<16xi32>
              %mul3A_380 = arith.constant 16 : i32
              %mul3A_381 = arith.muli %squeeze3A_317, %mul3A_380 : i32
              %add3A_382 = arith.constant 4 : i32
              %add3A_383 = arith.addi %mul3A_381, %add3A_382 : i32
              %get3A_384 = arith.index_cast %add3A_383 : i32 to index
              %get3A_385 = arith.constant 0 : index
              %get3A_386 = tpu.vector_load %arg5[%get3A_384, %get3A_385] {strides = array<i32>} : memref<320x16xf32, #tpu.memory_space<vmem>>, vector<1x16xf32>,
              %get3A_387 = vector.shape_cast %get3A_386 : vector<1x16xf32> to vector<16xf32>
              %gt3A_388 = arith.cmpf ogt, %get3A_387, %select_n3A_374 : vector<16xf32>
              %select_n3A_389 = arith.select %gt3A_388, %get3A_387, %select_n3A_374 : vector<16xi1>, vector<16xf32>
              %mul3A_390 = arith.constant 16 : i32
              %mul3A_391 = arith.muli %add3A_383, %mul3A_390 : i32
              %add3A_392 = vector.broadcast %mul3A_391 : i32 to vector<16xi32>
              %add3A_393 = arith.addi %add3A_392, %iota3A : vector<16xi32>
              %select_n3A_394 = arith.select %gt3A_388, %add3A_393, %select_n3A_379 : vector<16xi1>, vector<16xi32>
              %mul3A_395 = arith.constant 16 : i32
              %mul3A_396 = arith.muli %squeeze3A_317, %mul3A_395 : i32
              %add3A_397 = arith.constant 5 : i32
              %add3A_398 = arith.addi %mul3A_396, %add3A_397 : i32
              %get3A_399 = arith.index_cast %add3A_398 : i32 to index
              %get3A_400 = arith.constant 0 : index
              %get3A_401 = tpu.vector_load %arg5[%get3A_399, %get3A_400] {strides = array<i32>} : memref<320x16xf32, #tpu.memory_space<vmem>>, vector<1x16xf32>,
              %get3A_402 = vector.shape_cast %get3A_401 : vector<1x16xf32> to vector<16xf32>
              %gt3A_403 = arith.cmpf ogt, %get3A_402, %select_n3A_389 : vector<16xf32>
              %select_n3A_404 = arith.select %gt3A_403, %get3A_402, %select_n3A_389 : vector<16xi1>, vector<16xf32>
              %mul3A_405 = arith.constant 16 : i32
              %mul3A_406 = arith.muli %add3A_398, %mul3A_405 : i32
              %add3A_407 = vector.broadcast %mul3A_406 : i32 to vector<16xi32>
              %add3A_408 = arith.addi %add3A_407, %iota3A : vector<16xi32>
              %select_n3A_409 = arith.select %gt3A_403, %add3A_408, %select_n3A_394 : vector<16xi1>, vector<16xi32>
              %mul3A_410 = arith.constant 16 : i32
              %mul3A_411 = arith.muli %squeeze3A_317, %mul3A_410 : i32
              %add3A_412 = arith.constant 6 : i32
              %add3A_413 = arith.addi %mul3A_411, %add3A_412 : i32
              %get3A_414 = arith.index_cast %add3A_413 : i32 to index
              %get3A_415 = arith.constant 0 : index
              %get3A_416 = tpu.vector_load %arg5[%get3A_414, %get3A_415] {strides = array<i32>} : memref<320x16xf32, #tpu.memory_space<vmem>>, vector<1x16xf32>,
              %get3A_417 = vector.shape_cast %get3A_416 : vector<1x16xf32> to vector<16xf32>
              %gt3A_418 = arith.cmpf ogt, %get3A_417, %select_n3A_404 : vector<16xf32>
              %select_n3A_419 = arith.select %gt3A_418, %get3A_417, %select_n3A_404 : vector<16xi1>, vector<16xf32>
              %mul3A_420 = arith.constant 16 : i32
              %mul3A_421 = arith.muli %add3A_413, %mul3A_420 : i32
              %add3A_422 = vector.broadcast %mul3A_421 : i32 to vector<16xi32>
              %add3A_423 = arith.addi %add3A_422, %iota3A : vector<16xi32>
              %select_n3A_424 = arith.select %gt3A_418, %add3A_423, %select_n3A_409 : vector<16xi1>, vector<16xi32>
              %mul3A_425 = arith.constant 16 : i32
              %mul3A_426 = arith.muli %squeeze3A_317, %mul3A_425 : i32
              %add3A_427 = arith.constant 7 : i32
              %add3A_428 = arith.addi %mul3A_426, %add3A_427 : i32
              %get3A_429 = arith.index_cast %add3A_428 : i32 to index
              %get3A_430 = arith.constant 0 : index
              %get3A_431 = tpu.vector_load %arg5[%get3A_429, %get3A_430] {strides = array<i32>} : memref<320x16xf32, #tpu.memory_space<vmem>>, vector<1x16xf32>,
              %get3A_432 = vector.shape_cast %get3A_431 : vector<1x16xf32> to vector<16xf32>
              %gt3A_433 = arith.cmpf ogt, %get3A_432, %select_n3A_419 : vector<16xf32>
              %select_n3A_434 = arith.select %gt3A_433, %get3A_432, %select_n3A_419 : vector<16xi1>, vector<16xf32>
              %mul3A_435 = arith.constant 16 : i32
              %mul3A_436 = arith.muli %add3A_428, %mul3A_435 : i32
              %add3A_437 = vector.broadcast %mul3A_436 : i32 to vector<16xi32>
              %add3A_438 = arith.addi %add3A_437, %iota3A : vector<16xi32>
              %select_n3A_439 = arith.select %gt3A_433, %add3A_438, %select_n3A_424 : vector<16xi1>, vector<16xi32>
              %mul3A_440 = arith.constant 16 : i32
              %mul3A_441 = arith.muli %squeeze3A_317, %mul3A_440 : i32
              %add3A_442 = arith.constant 8 : i32
              %add3A_443 = arith.addi %mul3A_441, %add3A_442 : i32
              %get3A_444 = arith.index_cast %add3A_443 : i32 to index
              %get3A_445 = arith.constant 0 : index
              %get3A_446 = tpu.vector_load %arg5[%get3A_444, %get3A_445] {strides = array<i32>} : memref<320x16xf32, #tpu.memory_space<vmem>>, vector<1x16xf32>,
              %get3A_447 = vector.shape_cast %get3A_446 : vector<1x16xf32> to vector<16xf32>
              %gt3A_448 = arith.cmpf ogt, %get3A_447, %select_n3A_434 : vector<16xf32>
              %select_n3A_449 = arith.select %gt3A_448, %get3A_447, %select_n3A_434 : vector<16xi1>, vector<16xf32>
              %mul3A_450 = arith.constant 16 : i32
              %mul3A_451 = arith.muli %add3A_443, %mul3A_450 : i32
              %add3A_452 = vector.broadcast %mul3A_451 : i32 to vector<16xi32>
              %add3A_453 = arith.addi %add3A_452, %iota3A : vector<16xi32>
              %select_n3A_454 = arith.select %gt3A_448, %add3A_453, %select_n3A_439 : vector<16xi1>, vector<16xi32>
              %mul3A_455 = arith.constant 16 : i32
              %mul3A_456 = arith.muli %squeeze3A_317, %mul3A_455 : i32
              %add3A_457 = arith.constant 9 : i32
              %add3A_458 = arith.addi %mul3A_456, %add3A_457 : i32
              %get3A_459 = arith.index_cast %add3A_458 : i32 to index
              %get3A_460 = arith.constant 0 : index
              %get3A_461 = tpu.vector_load %arg5[%get3A_459, %get3A_460] {strides = array<i32>} : memref<320x16xf32, #tpu.memory_space<vmem>>, vector<1x16xf32>,
              %get3A_462 = vector.shape_cast %get3A_461 : vector<1x16xf32> to vector<16xf32>
              %gt3A_463 = arith.cmpf ogt, %get3A_462, %select_n3A_449 : vector<16xf32>
              %select_n3A_464 = arith.select %gt3A_463, %get3A_462, %select_n3A_449 : vector<16xi1>, vector<16xf32>
              %mul3A_465 = arith.constant 16 : i32
              %mul3A_466 = arith.muli %add3A_458, %mul3A_465 : i32
              %add3A_467 = vector.broadcast %mul3A_466 : i32 to vector<16xi32>
              %add3A_468 = arith.addi %add3A_467, %iota3A : vector<16xi32>
              %select_n3A_469 = arith.select %gt3A_463, %add3A_468, %select_n3A_454 : vector<16xi1>, vector<16xi32>
              %mul3A_470 = arith.constant 16 : i32
              %mul3A_471 = arith.muli %squeeze3A_317, %mul3A_470 : i32
              %add3A_472 = arith.constant 10 : i32
              %add3A_473 = arith.addi %mul3A_471, %add3A_472 : i32
              %get3A_474 = arith.index_cast %add3A_473 : i32 to index
              %get3A_475 = arith.constant 0 : index
              %get3A_476 = tpu.vector_load %arg5[%get3A_474, %get3A_475] {strides = array<i32>} : memref<320x16xf32, #tpu.memory_space<vmem>>, vector<1x16xf32>,
              %get3A_477 = vector.shape_cast %get3A_476 : vector<1x16xf32> to vector<16xf32>
              %gt3A_478 = arith.cmpf ogt, %get3A_477, %select_n3A_464 : vector<16xf32>
              %select_n3A_479 = arith.select %gt3A_478, %get3A_477, %select_n3A_464 : vector<16xi1>, vector<16xf32>
              %mul3A_480 = arith.constant 16 : i32
              %mul3A_481 = arith.muli %add3A_473, %mul3A_480 : i32
              %add3A_482 = vector.broadcast %mul3A_481 : i32 to vector<16xi32>
              %add3A_483 = arith.addi %add3A_482, %iota3A : vector<16xi32>
              %select_n3A_484 = arith.select %gt3A_478, %add3A_483, %select_n3A_469 : vector<16xi1>, vector<16xi32>
              %mul3A_485 = arith.constant 16 : i32
              %mul3A_486 = arith.muli %squeeze3A_317, %mul3A_485 : i32
              %add3A_487 = arith.constant 11 : i32
              %add3A_488 = arith.addi %mul3A_486, %add3A_487 : i32
              %get3A_489 = arith.index_cast %add3A_488 : i32 to index
              %get3A_490 = arith.constant 0 : index
              %get3A_491 = tpu.vector_load %arg5[%get3A_489, %get3A_490] {strides = array<i32>} : memref<320x16xf32, #tpu.memory_space<vmem>>, vector<1x16xf32>,
              %get3A_492 = vector.shape_cast %get3A_491 : vector<1x16xf32> to vector<16xf32>
              %gt3A_493 = arith.cmpf ogt, %get3A_492, %select_n3A_479 : vector<16xf32>
              %select_n3A_494 = arith.select %gt3A_493, %get3A_492, %select_n3A_479 : vector<16xi1>, vector<16xf32>
              %mul3A_495 = arith.constant 16 : i32
              %mul3A_496 = arith.muli %add3A_488, %mul3A_495 : i32
              %add3A_497 = vector.broadcast %mul3A_496 : i32 to vector<16xi32>
              %add3A_498 = arith.addi %add3A_497, %iota3A : vector<16xi32>
              %select_n3A_499 = arith.select %gt3A_493, %add3A_498, %select_n3A_484 : vector<16xi1>, vector<16xi32>
              %mul3A_500 = arith.constant 16 : i32
              %mul3A_501 = arith.muli %squeeze3A_317, %mul3A_500 : i32
              %add3A_502 = arith.constant 12 : i32
              %add3A_503 = arith.addi %mul3A_501, %add3A_502 : i32
              %get3A_504 = arith.index_cast %add3A_503 : i32 to index
              %get3A_505 = arith.constant 0 : index
              %get3A_506 = tpu.vector_load %arg5[%get3A_504, %get3A_505] {strides = array<i32>} : memref<320x16xf32, #tpu.memory_space<vmem>>, vector<1x16xf32>,
              %get3A_507 = vector.shape_cast %get3A_506 : vector<1x16xf32> to vector<16xf32>
              %gt3A_508 = arith.cmpf ogt, %get3A_507, %select_n3A_494 : vector<16xf32>
              %select_n3A_509 = arith.select %gt3A_508, %get3A_507, %select_n3A_494 : vector<16xi1>, vector<16xf32>
              %mul3A_510 = arith.constant 16 : i32
              %mul3A_511 = arith.muli %add3A_503, %mul3A_510 : i32
              %add3A_512 = vector.broadcast %mul3A_511 : i32 to vector<16xi32>
              %add3A_513 = arith.addi %add3A_512, %iota3A : vector<16xi32>
              %select_n3A_514 = arith.select %gt3A_508, %add3A_513, %select_n3A_499 : vector<16xi1>, vector<16xi32>
              %mul3A_515 = arith.constant 16 : i32
              %mul3A_516 = arith.muli %squeeze3A_317, %mul3A_515 : i32
              %add3A_517 = arith.constant 13 : i32
              %add3A_518 = arith.addi %mul3A_516, %add3A_517 : i32
              %get3A_519 = arith.index_cast %add3A_518 : i32 to index
              %get3A_520 = arith.constant 0 : index
              %get3A_521 = tpu.vector_load %arg5[%get3A_519, %get3A_520] {strides = array<i32>} : memref<320x16xf32, #tpu.memory_space<vmem>>, vector<1x16xf32>,
              %get3A_522 = vector.shape_cast %get3A_521 : vector<1x16xf32> to vector<16xf32>
              %gt3A_523 = arith.cmpf ogt, %get3A_522, %select_n3A_509 : vector<16xf32>
              %select_n3A_524 = arith.select %gt3A_523, %get3A_522, %select_n3A_509 : vector<16xi1>, vector<16xf32>
              %mul3A_525 = arith.constant 16 : i32
              %mul3A_526 = arith.muli %add3A_518, %mul3A_525 : i32
              %add3A_527 = vector.broadcast %mul3A_526 : i32 to vector<16xi32>
              %add3A_528 = arith.addi %add3A_527, %iota3A : vector<16xi32>
              %select_n3A_529 = arith.select %gt3A_523, %add3A_528, %select_n3A_514 : vector<16xi1>, vector<16xi32>
              %mul3A_530 = arith.constant 16 : i32
              %mul3A_531 = arith.muli %squeeze3A_317, %mul3A_530 : i32
              %add3A_532 = arith.constant 14 : i32
              %add3A_533 = arith.addi %mul3A_531, %add3A_532 : i32
              %get3A_534 = arith.index_cast %add3A_533 : i32 to index
              %get3A_535 = arith.constant 0 : index
              %get3A_536 = tpu.vector_load %arg5[%get3A_534, %get3A_535] {strides = array<i32>} : memref<320x16xf32, #tpu.memory_space<vmem>>, vector<1x16xf32>,
              %get3A_537 = vector.shape_cast %get3A_536 : vector<1x16xf32> to vector<16xf32>
              %gt3A_538 = arith.cmpf ogt, %get3A_537, %select_n3A_524 : vector<16xf32>
              %select_n3A_539 = arith.select %gt3A_538, %get3A_537, %select_n3A_524 : vector<16xi1>, vector<16xf32>
              %mul3A_540 = arith.constant 16 : i32
              %mul3A_541 = arith.muli %add3A_533, %mul3A_540 : i32
              %add3A_542 = vector.broadcast %mul3A_541 : i32 to vector<16xi32>
              %add3A_543 = arith.addi %add3A_542, %iota3A : vector<16xi32>
              %select_n3A_544 = arith.select %gt3A_538, %add3A_543, %select_n3A_529 : vector<16xi1>, vector<16xi32>
              %mul3A_545 = arith.constant 16 : i32
              %mul3A_546 = arith.muli %squeeze3A_317, %mul3A_545 : i32
              %add3A_547 = arith.constant 15 : i32
              %add3A_548 = arith.addi %mul3A_546, %add3A_547 : i32
              %get3A_549 = arith.index_cast %add3A_548 : i32 to index
              %get3A_550 = arith.constant 0 : index
              %get3A_551 = tpu.vector_load %arg5[%get3A_549, %get3A_550] {strides = array<i32>} : memref<320x16xf32, #tpu.memory_space<vmem>>, vector<1x16xf32>,
              %get3A_552 = vector.shape_cast %get3A_551 : vector<1x16xf32> to vector<16xf32>
              %gt3A_553 = arith.cmpf ogt, %get3A_552, %select_n3A_539 : vector<16xf32>
              %select_n3A_554 = arith.select %gt3A_553, %get3A_552, %select_n3A_539 : vector<16xi1>, vector<16xf32>
              %mul3A_555 = arith.constant 16 : i32
              %mul3A_556 = arith.muli %add3A_548, %mul3A_555 : i32
              %add3A_557 = vector.broadcast %mul3A_556 : i32 to vector<16xi32>
              %add3A_558 = arith.addi %add3A_557, %iota3A : vector<16xi32>
              %select_n3A_559 = arith.select %gt3A_553, %add3A_558, %select_n3A_544 : vector<16xi1>, vector<16xi32>
              %eq3A_560 = arith.cmpf oeq, %select_n3A_554, %max3A_257 : vector<16xf32>
              %jit3A_561 = arith.constant 1073741824 : i32
              %broadcast_in_dim3A_562 = vector.broadcast %jit3A_561 : i32 to vector<16xi32>
              %select_n3A_563 = arith.select %eq3A_560, %select_n3A_559, %broadcast_in_dim3A_562 : vector<16xi1>, vector<16xi32>
              %xor3A_564 = arith.constant 1 : i32
              %xor3A_565 = vector.broadcast %xor3A_564 : i32 to vector<16xi32>
              %xor3A_566 = arith.xori %iota3A, %xor3A_565 : vector<16xi32>
              %lt3A_567 = arith.constant 0 : i32
              %lt3A_568 = vector.broadcast %lt3A_567 : i32 to vector<16xi32>
              %lt3A_569 = arith.cmpi slt, %xor3A_566, %lt3A_568 : vector<16xi32>
              %add3A_570 = arith.constant 16 : i32
              %add3A_571 = vector.broadcast %add3A_570 : i32 to vector<16xi32>
              %add3A_572 = arith.addi %xor3A_566, %add3A_571 : vector<16xi32>
              %select_n3A_573 = arith.select %lt3A_569, %add3A_572, %xor3A_566 : vector<16xi1>, vector<16xi32>
              %broadcast_in_dim3A_574 = vector.shape_cast %select_n3A_573 : vector<16xi32> to vector<16x1xi32>
              %gather3A_575 = vector.shape_cast %broadcast_in_dim3A_574 : vector<16x1xi32> to vector<16xi32>
              %gather3A_576 = tpu.dynamic_gather %select_n3A_563[%gather3A_575] in [0] : vector<16xi32>, vector<16xi32> -> vector<16xi32>
              %min3A_577 = arith.minsi %select_n3A_563, %gather3A_576 : vector<16xi32>
              %xor3A_578 = arith.constant 2 : i32
              %xor3A_579 = vector.broadcast %xor3A_578 : i32 to vector<16xi32>
              %xor3A_580 = arith.xori %iota3A, %xor3A_579 : vector<16xi32>
              %lt3A_581 = arith.constant 0 : i32
              %lt3A_582 = vector.broadcast %lt3A_581 : i32 to vector<16xi32>
              %lt3A_583 = arith.cmpi slt, %xor3A_580, %lt3A_582 : vector<16xi32>
              %add3A_584 = arith.constant 16 : i32
              %add3A_585 = vector.broadcast %add3A_584 : i32 to vector<16xi32>
              %add3A_586 = arith.addi %xor3A_580, %add3A_585 : vector<16xi32>
              %select_n3A_587 = arith.select %lt3A_583, %add3A_586, %xor3A_580 : vector<16xi1>, vector<16xi32>
              %broadcast_in_dim3A_588 = vector.shape_cast %select_n3A_587 : vector<16xi32> to vector<16x1xi32>
              %gather3A_589 = vector.shape_cast %broadcast_in_dim3A_588 : vector<16x1xi32> to vector<16xi32>
              %gather3A_590 = tpu.dynamic_gather %min3A_577[%gather3A_589] in [0] : vector<16xi32>, vector<16xi32> -> vector<16xi32>
              %min3A_591 = arith.minsi %min3A_577, %gather3A_590 : vector<16xi32>
              %xor3A_592 = arith.constant 4 : i32
              %xor3A_593 = vector.broadcast %xor3A_592 : i32 to vector<16xi32>
              %xor3A_594 = arith.xori %iota3A, %xor3A_593 : vector<16xi32>
              %lt3A_595 = arith.constant 0 : i32
              %lt3A_596 = vector.broadcast %lt3A_595 : i32 to vector<16xi32>
              %lt3A_597 = arith.cmpi slt, %xor3A_594, %lt3A_596 : vector<16xi32>
              %add3A_598 = arith.constant 16 : i32
              %add3A_599 = vector.broadcast %add3A_598 : i32 to vector<16xi32>
              %add3A_600 = arith.addi %xor3A_594, %add3A_599 : vector<16xi32>
              %select_n3A_601 = arith.select %lt3A_597, %add3A_600, %xor3A_594 : vector<16xi1>, vector<16xi32>
              %broadcast_in_dim3A_602 = vector.shape_cast %select_n3A_601 : vector<16xi32> to vector<16x1xi32>
              %gather3A_603 = vector.shape_cast %broadcast_in_dim3A_602 : vector<16x1xi32> to vector<16xi32>
              %gather3A_604 = tpu.dynamic_gather %min3A_591[%gather3A_603] in [0] : vector<16xi32>, vector<16xi32> -> vector<16xi32>
              %min3A_605 = arith.minsi %min3A_591, %gather3A_604 : vector<16xi32>
              %xor3A_606 = arith.constant 8 : i32
              %xor3A_607 = vector.broadcast %xor3A_606 : i32 to vector<16xi32>
              %xor3A_608 = arith.xori %iota3A, %xor3A_607 : vector<16xi32>
              %lt3A_609 = arith.constant 0 : i32
              %lt3A_610 = vector.broadcast %lt3A_609 : i32 to vector<16xi32>
              %lt3A_611 = arith.cmpi slt, %xor3A_608, %lt3A_610 : vector<16xi32>
              %add3A_612 = arith.constant 16 : i32
              %add3A_613 = vector.broadcast %add3A_612 : i32 to vector<16xi32>
              %add3A_614 = arith.addi %xor3A_608, %add3A_613 : vector<16xi32>
              %select_n3A_615 = arith.select %lt3A_611, %add3A_614, %xor3A_608 : vector<16xi1>, vector<16xi32>
              %broadcast_in_dim3A_616 = vector.shape_cast %select_n3A_615 : vector<16xi32> to vector<16x1xi32>
              %gather3A_617 = vector.shape_cast %broadcast_in_dim3A_616 : vector<16x1xi32> to vector<16xi32>
              %gather3A_618 = tpu.dynamic_gather %min3A_605[%gather3A_617] in [0] : vector<16xi32>, vector<16xi32> -> vector<16xi32>
              %min3A_619 = arith.minsi %min3A_605, %gather3A_618 : vector<16xi32>
              %slice3A_620 = vector.extract_strided_slice %min3A_619 {offsets = [0], sizes = [1], strides = [1]} : vector<16xi32> to vector<1xi32>
              %squeeze3A_621 = vector.extract %slice3A_620[0] : i32 from vector<1xi32>
              %shift_right_logical3A = arith.constant 4 : i32
              %shift_right_logical3A_622 = arith.shrui %squeeze3A_621, %shift_right_logical3A : i32
              %and3A_623 = arith.constant 15 : i32
              %and3A_624 = arith.andi %squeeze3A_621, %and3A_623 : i32
              %eq3A_625 = vector.broadcast %and3A_624 : i32 to vector<16xi32>
              %eq3A_626 = arith.cmpi eq, %iota3A, %eq3A_625 : vector<16xi32>
              %get3A_627 = arith.index_cast %shift_right_logical3A_622 : i32 to index
              %get3A_628 = arith.constant 0 : index
              %get3A_629 = tpu.vector_load %arg5[%get3A_627, %get3A_628] {strides = array<i32>} : memref<320x16xf32, #tpu.memory_space<vmem>>, vector<1x16xf32>,
              %get3A_630 = vector.shape_cast %get3A_629 : vector<1x16xf32> to vector<16xf32>
              %jit3A_631 = arith.constant 0xFF800000 : f32
              %broadcast_in_dim3A_632 = vector.broadcast %jit3A_631 : f32 to vector<16xf32>
              %select_n3A_633 = arith.select %eq3A_626, %broadcast_in_dim3A_632, %get3A_630 : vector<16xi1>, vector<16xf32>
              %swap3A_634 = arith.index_cast %shift_right_logical3A_622 : i32 to index
              %swap3A_635 = arith.constant 0 : index
              %swap3A_636 = tpu.vector_load %arg5[%swap3A_634, %swap3A_635] {strides = array<i32>} : memref<320x16xf32, #tpu.memory_space<vmem>>, vector<1x16xf32>,
              %swap3A_637 = vector.shape_cast %swap3A_636 : vector<1x16xf32> to vector<16xf32>
              %swap3A_638 = vector.shape_cast %select_n3A_633 : vector<16xf32> to vector<1x16xf32>
              tpu.vector_store %arg5[%swap3A_634, %swap3A_635], %swap3A_638 {strides = array<i32>} : memref<320x16xf32, #tpu.memory_space<vmem>>, vector<1x16xf32>,
              "tpu.region"() ({
                %run_scoped3A = tpu.sem_alloc : memref<!tpu.dma_semaphore, #tpu.memory_space<semaphore_mem>>
                %dma_start3A = arith.constant 0 : i32
                %dma_start3A_1301 = arith.constant 0 : i32
                %dma_start3A_1302 = tpu.memref_slice %arg3[%shift_right_logical3A_622, %dma_start3A, %dma_start3A_1301] : memref<320x4x16xf32, #tpu.memory_space<hbm>> -> memref<1x4x16xf32, #tpu.memory_space<hbm>>
                %dma_start3A_1303 = tpu.memref_squeeze %dma_start3A_1302 : memref<1x4x16xf32, #tpu.memory_space<hbm>> -> memref<4x16xf32, #tpu.memory_space<hbm>>
                %dma_start3A_1304 = arith.constant 0 : i32
                %dma_start3A_1305 = arith.constant 0 : i32
                %dma_start3A_1306 = tpu.memref_slice %arg3[%shift_right_logical3A_622, %dma_start3A_1304, %dma_start3A_1305] : memref<320x4x16xf32, #tpu.memory_space<hbm>> -> memref<1x4x16xf32, #tpu.memory_space<hbm>>
                %dma_start3A_1307 = tpu.memref_squeeze %dma_start3A_1306 : memref<1x4x16xf32, #tpu.memory_space<hbm>> -> memref<4x16xf32, #tpu.memory_space<hbm>>
                tpu.enqueue_dma source(%dma_start3A_1307 : memref<4x16xf32, #tpu.memory_space<hbm>>) target(%arg6 : memref<4x16xf32, #tpu.memory_space<vmem>>) target_semaphore(%run_scoped3A : memref<!tpu.dma_semaphore, #tpu.memory_space<semaphore_mem>>)
                %dma_wait3A = arith.constant 0 : i32
                %dma_wait3A_1308 = arith.constant 0 : i32
                %dma_wait3A_1309 = tpu.memref_slice %arg3[%shift_right_logical3A_622, %dma_wait3A, %dma_wait3A_1308] : memref<320x4x16xf32, #tpu.memory_space<hbm>> -> memref<1x4x16xf32, #tpu.memory_space<hbm>>
                %dma_wait3A_1310 = tpu.memref_squeeze %dma_wait3A_1309 : memref<1x4x16xf32, #tpu.memory_space<hbm>> -> memref<4x16xf32, #tpu.memory_space<hbm>>
                %dma_wait3A_1311 = arith.constant 0 : i32
                %dma_wait3A_1312 = arith.constant 0 : i32
                %dma_wait3A_1313 = tpu.memref_slice %arg3[%shift_right_logical3A_622, %dma_wait3A_1311, %dma_wait3A_1312] : memref<320x4x16xf32, #tpu.memory_space<hbm>> -> memref<1x4x16xf32, #tpu.memory_space<hbm>>
                %dma_wait3A_1314 = tpu.memref_squeeze %dma_wait3A_1313 : memref<1x4x16xf32, #tpu.memory_space<hbm>> -> memref<4x16xf32, #tpu.memory_space<hbm>>
                tpu.wait_dma2 semaphore(%run_scoped3A : memref<!tpu.dma_semaphore, #tpu.memory_space<semaphore_mem>>) src(%dma_wait3A_1314 : memref<4x16xf32, #tpu.memory_space<hbm>>) dst(%arg6 : memref<4x16xf32, #tpu.memory_space<vmem>>)
                tpu.yield
              }) : () -> ()
              %mul3A_639 = arith.constant 16 : i32
              %mul3A_640 = arith.muli %squeeze3A_317, %mul3A_639 : i32
              %get3A_641 = arith.index_cast %mul3A_640 : i32 to index
              %get3A_642 = arith.constant 0 : index
              %get3A_643 = tpu.vector_load %arg5[%get3A_641, %get3A_642] {strides = array<i32>} : memref<320x16xf32, #tpu.memory_space<vmem>>, vector<1x16xf32>,
              %get3A_644 = vector.shape_cast %get3A_643 : vector<1x16xf32> to vector<16xf32>
              %mul3A_645 = arith.constant 16 : i32
              %mul3A_646 = arith.muli %squeeze3A_317, %mul3A_645 : i32
              %add3A_647 = arith.constant 1 : i32
              %add3A_648 = arith.addi %mul3A_646, %add3A_647 : i32
              %get3A_649 = arith.index_cast %add3A_648 : i32 to index
              %get3A_650 = arith.constant 0 : index
              %get3A_651 = tpu.vector_load %arg5[%get3A_649, %get3A_650] {strides = array<i32>} : memref<320x16xf32, #tpu.memory_space<vmem>>, vector<1x16xf32>,
              %get3A_652 = vector.shape_cast %get3A_651 : vector<1x16xf32> to vector<16xf32>
              %max3A_653 = arith.maximumf %get3A_644, %get3A_652 : vector<16xf32>
              %mul3A_654 = arith.constant 16 : i32
              %mul3A_655 = arith.muli %squeeze3A_317, %mul3A_654 : i32
              %add3A_656 = arith.constant 2 : i32
              %add3A_657 = arith.addi %mul3A_655, %add3A_656 : i32
              %get3A_658 = arith.index_cast %add3A_657 : i32 to index
              %get3A_659 = arith.constant 0 : index
              %get3A_660 = tpu.vector_load %arg5[%get3A_658, %get3A_659] {strides = array<i32>} : memref<320x16xf32, #tpu.memory_space<vmem>>, vector<1x16xf32>,
              %get3A_661 = vector.shape_cast %get3A_660 : vector<1x16xf32> to vector<16xf32>
              %max3A_662 = arith.maximumf %max3A_653, %get3A_661 : vector<16xf32>
              %mul3A_663 = arith.constant 16 : i32
              %mul3A_664 = arith.muli %squeeze3A_317, %mul3A_663 : i32
              %add3A_665 = arith.constant 3 : i32
              %add3A_666 = arith.addi %mul3A_664, %add3A_665 : i32
              %get3A_667 = arith.index_cast %add3A_666 : i32 to index
              %get3A_668 = arith.constant 0 : index
              %get3A_669 = tpu.vector_load %arg5[%get3A_667, %get3A_668] {strides = array<i32>} : memref<320x16xf32, #tpu.memory_space<vmem>>, vector<1x16xf32>,
              %get3A_670 = vector.shape_cast %get3A_669 : vector<1x16xf32> to vector<16xf32>
              %max3A_671 = arith.maximumf %max3A_662, %get3A_670 : vector<16xf32>
              %mul3A_672 = arith.constant 16 : i32
              %mul3A_673 = arith.muli %squeeze3A_317, %mul3A_672 : i32
              %add3A_674 = arith.constant 4 : i32
              %add3A_675 = arith.addi %mul3A_673, %add3A_674 : i32
              %get3A_676 = arith.index_cast %add3A_675 : i32 to index
              %get3A_677 = arith.constant 0 : index
              %get3A_678 = tpu.vector_load %arg5[%get3A_676, %get3A_677] {strides = array<i32>} : memref<320x16xf32, #tpu.memory_space<vmem>>, vector<1x16xf32>,
              %get3A_679 = vector.shape_cast %get3A_678 : vector<1x16xf32> to vector<16xf32>
              %max3A_680 = arith.maximumf %max3A_671, %get3A_679 : vector<16xf32>
              %mul3A_681 = arith.constant 16 : i32
              %mul3A_682 = arith.muli %squeeze3A_317, %mul3A_681 : i32
              %add3A_683 = arith.constant 5 : i32
              %add3A_684 = arith.addi %mul3A_682, %add3A_683 : i32
              %get3A_685 = arith.index_cast %add3A_684 : i32 to index
              %get3A_686 = arith.constant 0 : index
              %get3A_687 = tpu.vector_load %arg5[%get3A_685, %get3A_686] {strides = array<i32>} : memref<320x16xf32, #tpu.memory_space<vmem>>, vector<1x16xf32>,
              %get3A_688 = vector.shape_cast %get3A_687 : vector<1x16xf32> to vector<16xf32>
              %max3A_689 = arith.maximumf %max3A_680, %get3A_688 : vector<16xf32>
              %mul3A_690 = arith.constant 16 : i32
              %mul3A_691 = arith.muli %squeeze3A_317, %mul3A_690 : i32
              %add3A_692 = arith.constant 6 : i32
              %add3A_693 = arith.addi %mul3A_691, %add3A_692 : i32
              %get3A_694 = arith.index_cast %add3A_693 : i32 to index
              %get3A_695 = arith.constant 0 : index
              %get3A_696 = tpu.vector_load %arg5[%get3A_694, %get3A_695] {strides = array<i32>} : memref<320x16xf32, #tpu.memory_space<vmem>>, vector<1x16xf32>,
              %get3A_697 = vector.shape_cast %get3A_696 : vector<1x16xf32> to vector<16xf32>
              %max3A_698 = arith.maximumf %max3A_689, %get3A_697 : vector<16xf32>
              %mul3A_699 = arith.constant 16 : i32
              %mul3A_700 = arith.muli %squeeze3A_317, %mul3A_699 : i32
              %add3A_701 = arith.constant 7 : i32
              %add3A_702 = arith.addi %mul3A_700, %add3A_701 : i32
              %get3A_703 = arith.index_cast %add3A_702 : i32 to index
              %get3A_704 = arith.constant 0 : index
              %get3A_705 = tpu.vector_load %arg5[%get3A_703, %get3A_704] {strides = array<i32>} : memref<320x16xf32, #tpu.memory_space<vmem>>, vector<1x16xf32>,
              %get3A_706 = vector.shape_cast %get3A_705 : vector<1x16xf32> to vector<16xf32>
              %max3A_707 = arith.maximumf %max3A_698, %get3A_706 : vector<16xf32>
              %mul3A_708 = arith.constant 16 : i32
              %mul3A_709 = arith.muli %squeeze3A_317, %mul3A_708 : i32
              %add3A_710 = arith.constant 8 : i32
              %add3A_711 = arith.addi %mul3A_709, %add3A_710 : i32
              %get3A_712 = arith.index_cast %add3A_711 : i32 to index
              %get3A_713 = arith.constant 0 : index
              %get3A_714 = tpu.vector_load %arg5[%get3A_712, %get3A_713] {strides = array<i32>} : memref<320x16xf32, #tpu.memory_space<vmem>>, vector<1x16xf32>,
              %get3A_715 = vector.shape_cast %get3A_714 : vector<1x16xf32> to vector<16xf32>
              %max3A_716 = arith.maximumf %max3A_707, %get3A_715 : vector<16xf32>
              %mul3A_717 = arith.constant 16 : i32
              %mul3A_718 = arith.muli %squeeze3A_317, %mul3A_717 : i32
              %add3A_719 = arith.constant 9 : i32
              %add3A_720 = arith.addi %mul3A_718, %add3A_719 : i32
              %get3A_721 = arith.index_cast %add3A_720 : i32 to index
              %get3A_722 = arith.constant 0 : index
              %get3A_723 = tpu.vector_load %arg5[%get3A_721, %get3A_722] {strides = array<i32>} : memref<320x16xf32, #tpu.memory_space<vmem>>, vector<1x16xf32>,
              %get3A_724 = vector.shape_cast %get3A_723 : vector<1x16xf32> to vector<16xf32>
              %max3A_725 = arith.maximumf %max3A_716, %get3A_724 : vector<16xf32>
              %mul3A_726 = arith.constant 16 : i32
              %mul3A_727 = arith.muli %squeeze3A_317, %mul3A_726 : i32
              %add3A_728 = arith.constant 10 : i32
              %add3A_729 = arith.addi %mul3A_727, %add3A_728 : i32
              %get3A_730 = arith.index_cast %add3A_729 : i32 to index
              %get3A_731 = arith.constant 0 : index
              %get3A_732 = tpu.vector_load %arg5[%get3A_730, %get3A_731] {strides = array<i32>} : memref<320x16xf32, #tpu.memory_space<vmem>>, vector<1x16xf32>,
              %get3A_733 = vector.shape_cast %get3A_732 : vector<1x16xf32> to vector<16xf32>
              %max3A_734 = arith.maximumf %max3A_725, %get3A_733 : vector<16xf32>
              %mul3A_735 = arith.constant 16 : i32
              %mul3A_736 = arith.muli %squeeze3A_317, %mul3A_735 : i32
              %add3A_737 = arith.constant 11 : i32
              %add3A_738 = arith.addi %mul3A_736, %add3A_737 : i32
              %get3A_739 = arith.index_cast %add3A_738 : i32 to index
              %get3A_740 = arith.constant 0 : index
              %get3A_741 = tpu.vector_load %arg5[%get3A_739, %get3A_740] {strides = array<i32>} : memref<320x16xf32, #tpu.memory_space<vmem>>, vector<1x16xf32>,
              %get3A_742 = vector.shape_cast %get3A_741 : vector<1x16xf32> to vector<16xf32>
              %max3A_743 = arith.maximumf %max3A_734, %get3A_742 : vector<16xf32>
              %mul3A_744 = arith.constant 16 : i32
              %mul3A_745 = arith.muli %squeeze3A_317, %mul3A_744 : i32
              %add3A_746 = arith.constant 12 : i32
              %add3A_747 = arith.addi %mul3A_745, %add3A_746 : i32
              %get3A_748 = arith.index_cast %add3A_747 : i32 to index
              %get3A_749 = arith.constant 0 : index
              %get3A_750 = tpu.vector_load %arg5[%get3A_748, %get3A_749] {strides = array<i32>} : memref<320x16xf32, #tpu.memory_space<vmem>>, vector<1x16xf32>,
              %get3A_751 = vector.shape_cast %get3A_750 : vector<1x16xf32> to vector<16xf32>
              %max3A_752 = arith.maximumf %max3A_743, %get3A_751 : vector<16xf32>
              %mul3A_753 = arith.constant 16 : i32
              %mul3A_754 = arith.muli %squeeze3A_317, %mul3A_753 : i32
              %add3A_755 = arith.constant 13 : i32
              %add3A_756 = arith.addi %mul3A_754, %add3A_755 : i32
              %get3A_757 = arith.index_cast %add3A_756 : i32 to index
              %get3A_758 = arith.constant 0 : index
              %get3A_759 = tpu.vector_load %arg5[%get3A_757, %get3A_758] {strides = array<i32>} : memref<320x16xf32, #tpu.memory_space<vmem>>, vector<1x16xf32>,
              %get3A_760 = vector.shape_cast %get3A_759 : vector<1x16xf32> to vector<16xf32>
              %max3A_761 = arith.maximumf %max3A_752, %get3A_760 : vector<16xf32>
              %mul3A_762 = arith.constant 16 : i32
              %mul3A_763 = arith.muli %squeeze3A_317, %mul3A_762 : i32
              %add3A_764 = arith.constant 14 : i32
              %add3A_765 = arith.addi %mul3A_763, %add3A_764 : i32
              %get3A_766 = arith.index_cast %add3A_765 : i32 to index
              %get3A_767 = arith.constant 0 : index
              %get3A_768 = tpu.vector_load %arg5[%get3A_766, %get3A_767] {strides = array<i32>} : memref<320x16xf32, #tpu.memory_space<vmem>>, vector<1x16xf32>,
              %get3A_769 = vector.shape_cast %get3A_768 : vector<1x16xf32> to vector<16xf32>
              %max3A_770 = arith.maximumf %max3A_761, %get3A_769 : vector<16xf32>
              %mul3A_771 = arith.constant 16 : i32
              %mul3A_772 = arith.muli %squeeze3A_317, %mul3A_771 : i32
              %add3A_773 = arith.constant 15 : i32
              %add3A_774 = arith.addi %mul3A_772, %add3A_773 : i32
              %get3A_775 = arith.index_cast %add3A_774 : i32 to index
              %get3A_776 = arith.constant 0 : index
              %get3A_777 = tpu.vector_load %arg5[%get3A_775, %get3A_776] {strides = array<i32>} : memref<320x16xf32, #tpu.memory_space<vmem>>, vector<1x16xf32>,
              %get3A_778 = vector.shape_cast %get3A_777 : vector<1x16xf32> to vector<16xf32>
              %max3A_779 = arith.maximumf %max3A_770, %get3A_778 : vector<16xf32>
              %swap3A_780 = arith.index_cast %squeeze3A_317 : i32 to index
              %swap3A_781 = arith.constant 0 : index
              %swap3A_782 = tpu.vector_load %arg7[%swap3A_780, %swap3A_781] {strides = array<i32>} : memref<20x16xf32, #tpu.memory_space<vmem>>, vector<1x16xf32>,
              %swap3A_783 = vector.shape_cast %swap3A_782 : vector<1x16xf32> to vector<16xf32>
              %swap3A_784 = vector.shape_cast %max3A_779 : vector<16xf32> to vector<1x16xf32>
              tpu.vector_store %arg7[%swap3A_780, %swap3A_781], %swap3A_784 {strides = array<i32>} : memref<20x16xf32, #tpu.memory_space<vmem>>, vector<1x16xf32>,
              %get3A_785 = arith.constant 0 : i32
              %get3A_786 = arith.index_cast %get3A_785 : i32 to index
              %get3A_787 = arith.constant 0 : index
              %get3A_788 = tpu.vector_load %arg6[%get3A_786, %get3A_787] {strides = array<i32>} : memref<4x16xf32, #tpu.memory_space<vmem>>, vector<1x16xf32>,
              %get3A_789 = vector.shape_cast %get3A_788 : vector<1x16xf32> to vector<16xf32>
              %jit3A_790 = arith.constant 0xFF800000 : f32
              %broadcast_in_dim3A_791 = vector.broadcast %jit3A_790 : f32 to vector<16xf32>
              %select_n3A_792 = arith.select %eq3A_626, %get3A_789, %broadcast_in_dim3A_791 : vector<16xi1>, vector<16xf32>
              %xor3A_793 = arith.constant 1 : i32
              %xor3A_794 = vector.broadcast %xor3A_793 : i32 to vector<16xi32>
              %xor3A_795 = arith.xori %iota3A, %xor3A_794 : vector<16xi32>
              %lt3A_796 = arith.constant 0 : i32
              %lt3A_797 = vector.broadcast %lt3A_796 : i32 to vector<16xi32>
              %lt3A_798 = arith.cmpi slt, %xor3A_795, %lt3A_797 : vector<16xi32>
              %add3A_799 = arith.constant 16 : i32
              %add3A_800 = vector.broadcast %add3A_799 : i32 to vector<16xi32>
              %add3A_801 = arith.addi %xor3A_795, %add3A_800 : vector<16xi32>
              %select_n3A_802 = arith.select %lt3A_798, %add3A_801, %xor3A_795 : vector<16xi1>, vector<16xi32>
              %broadcast_in_dim3A_803 = vector.shape_cast %select_n3A_802 : vector<16xi32> to vector<16x1xi32>
              %gather3A_804 = vector.shape_cast %broadcast_in_dim3A_803 : vector<16x1xi32> to vector<16xi32>
              %gather3A_805 = tpu.dynamic_gather %select_n3A_792[%gather3A_804] in [0] : vector<16xf32>, vector<16xi32> -> vector<16xf32>
              %max3A_806 = arith.maximumf %select_n3A_792, %gather3A_805 : vector<16xf32>
              %xor3A_807 = arith.constant 2 : i32
              %xor3A_808 = vector.broadcast %xor3A_807 : i32 to vector<16xi32>
              %xor3A_809 = arith.xori %iota3A, %xor3A_808 : vector<16xi32>
              %lt3A_810 = arith.constant 0 : i32
              %lt3A_811 = vector.broadcast %lt3A_810 : i32 to vector<16xi32>
              %lt3A_812 = arith.cmpi slt, %xor3A_809, %lt3A_811 : vector<16xi32>
              %add3A_813 = arith.constant 16 : i32
              %add3A_814 = vector.broadcast %add3A_813 : i32 to vector<16xi32>
              %add3A_815 = arith.addi %xor3A_809, %add3A_814 : vector<16xi32>
              %select_n3A_816 = arith.select %lt3A_812, %add3A_815, %xor3A_809 : vector<16xi1>, vector<16xi32>
              %broadcast_in_dim3A_817 = vector.shape_cast %select_n3A_816 : vector<16xi32> to vector<16x1xi32>
              %gather3A_818 = vector.shape_cast %broadcast_in_dim3A_817 : vector<16x1xi32> to vector<16xi32>
              %gather3A_819 = tpu.dynamic_gather %max3A_806[%gather3A_818] in [0] : vector<16xf32>, vector<16xi32> -> vector<16xf32>
              %max3A_820 = arith.maximumf %max3A_806, %gather3A_819 : vector<16xf32>
              %xor3A_821 = arith.constant 4 : i32
              %xor3A_822 = vector.broadcast %xor3A_821 : i32 to vector<16xi32>
              %xor3A_823 = arith.xori %iota3A, %xor3A_822 : vector<16xi32>
              %lt3A_824 = arith.constant 0 : i32
              %lt3A_825 = vector.broadcast %lt3A_824 : i32 to vector<16xi32>
              %lt3A_826 = arith.cmpi slt, %xor3A_823, %lt3A_825 : vector<16xi32>
              %add3A_827 = arith.constant 16 : i32
              %add3A_828 = vector.broadcast %add3A_827 : i32 to vector<16xi32>
              %add3A_829 = arith.addi %xor3A_823, %add3A_828 : vector<16xi32>
              %select_n3A_830 = arith.select %lt3A_826, %add3A_829, %xor3A_823 : vector<16xi1>, vector<16xi32>
              %broadcast_in_dim3A_831 = vector.shape_cast %select_n3A_830 : vector<16xi32> to vector<16x1xi32>
              %gather3A_832 = vector.shape_cast %broadcast_in_dim3A_831 : vector<16x1xi32> to vector<16xi32>
              %gather3A_833 = tpu.dynamic_gather %max3A_820[%gather3A_832] in [0] : vector<16xf32>, vector<16xi32> -> vector<16xf32>
              %max3A_834 = arith.maximumf %max3A_820, %gather3A_833 : vector<16xf32>
              %xor3A_835 = arith.constant 8 : i32
              %xor3A_836 = vector.broadcast %xor3A_835 : i32 to vector<16xi32>
              %xor3A_837 = arith.xori %iota3A, %xor3A_836 : vector<16xi32>
              %lt3A_838 = arith.constant 0 : i32
              %lt3A_839 = vector.broadcast %lt3A_838 : i32 to vector<16xi32>
              %lt3A_840 = arith.cmpi slt, %xor3A_837, %lt3A_839 : vector<16xi32>
              %add3A_841 = arith.constant 16 : i32
              %add3A_842 = vector.broadcast %add3A_841 : i32 to vector<16xi32>
              %add3A_843 = arith.addi %xor3A_837, %add3A_842 : vector<16xi32>
              %select_n3A_844 = arith.select %lt3A_840, %add3A_843, %xor3A_837 : vector<16xi1>, vector<16xi32>
              %broadcast_in_dim3A_845 = vector.shape_cast %select_n3A_844 : vector<16xi32> to vector<16x1xi32>
              %gather3A_846 = vector.shape_cast %broadcast_in_dim3A_845 : vector<16x1xi32> to vector<16xi32>
              %gather3A_847 = tpu.dynamic_gather %max3A_834[%gather3A_846] in [0] : vector<16xf32>, vector<16xi32> -> vector<16xf32>
              %max3A_848 = arith.maximumf %max3A_834, %gather3A_847 : vector<16xf32>
              %get3A_849 = arith.constant 1 : i32
              %get3A_850 = arith.index_cast %get3A_849 : i32 to index
              %get3A_851 = arith.constant 0 : index
              %get3A_852 = tpu.vector_load %arg6[%get3A_850, %get3A_851] {strides = array<i32>} : memref<4x16xf32, #tpu.memory_space<vmem>>, vector<1x16xf32>,
              %get3A_853 = vector.shape_cast %get3A_852 : vector<1x16xf32> to vector<16xf32>
              %jit3A_854 = arith.constant 0xFF800000 : f32
              %broadcast_in_dim3A_855 = vector.broadcast %jit3A_854 : f32 to vector<16xf32>
              %select_n3A_856 = arith.select %eq3A_626, %get3A_853, %broadcast_in_dim3A_855 : vector<16xi1>, vector<16xf32>
              %xor3A_857 = arith.constant 1 : i32
              %xor3A_858 = vector.broadcast %xor3A_857 : i32 to vector<16xi32>
              %xor3A_859 = arith.xori %iota3A, %xor3A_858 : vector<16xi32>
              %lt3A_860 = arith.constant 0 : i32
              %lt3A_861 = vector.broadcast %lt3A_860 : i32 to vector<16xi32>
              %lt3A_862 = arith.cmpi slt, %xor3A_859, %lt3A_861 : vector<16xi32>
              %add3A_863 = arith.constant 16 : i32
              %add3A_864 = vector.broadcast %add3A_863 : i32 to vector<16xi32>
              %add3A_865 = arith.addi %xor3A_859, %add3A_864 : vector<16xi32>
              %select_n3A_866 = arith.select %lt3A_862, %add3A_865, %xor3A_859 : vector<16xi1>, vector<16xi32>
              %broadcast_in_dim3A_867 = vector.shape_cast %select_n3A_866 : vector<16xi32> to vector<16x1xi32>
              %gather3A_868 = vector.shape_cast %broadcast_in_dim3A_867 : vector<16x1xi32> to vector<16xi32>
              %gather3A_869 = tpu.dynamic_gather %select_n3A_856[%gather3A_868] in [0] : vector<16xf32>, vector<16xi32> -> vector<16xf32>
              %max3A_870 = arith.maximumf %select_n3A_856, %gather3A_869 : vector<16xf32>
              %xor3A_871 = arith.constant 2 : i32
              %xor3A_872 = vector.broadcast %xor3A_871 : i32 to vector<16xi32>
              %xor3A_873 = arith.xori %iota3A, %xor3A_872 : vector<16xi32>
              %lt3A_874 = arith.constant 0 : i32
              %lt3A_875 = vector.broadcast %lt3A_874 : i32 to vector<16xi32>
              %lt3A_876 = arith.cmpi slt, %xor3A_873, %lt3A_875 : vector<16xi32>
              %add3A_877 = arith.constant 16 : i32
              %add3A_878 = vector.broadcast %add3A_877 : i32 to vector<16xi32>
              %add3A_879 = arith.addi %xor3A_873, %add3A_878 : vector<16xi32>
              %select_n3A_880 = arith.select %lt3A_876, %add3A_879, %xor3A_873 : vector<16xi1>, vector<16xi32>
              %broadcast_in_dim3A_881 = vector.shape_cast %select_n3A_880 : vector<16xi32> to vector<16x1xi32>
              %gather3A_882 = vector.shape_cast %broadcast_in_dim3A_881 : vector<16x1xi32> to vector<16xi32>
              %gather3A_883 = tpu.dynamic_gather %max3A_870[%gather3A_882] in [0] : vector<16xf32>, vector<16xi32> -> vector<16xf32>
              %max3A_884 = arith.maximumf %max3A_870, %gather3A_883 : vector<16xf32>
              %xor3A_885 = arith.constant 4 : i32
              %xor3A_886 = vector.broadcast %xor3A_885 : i32 to vector<16xi32>
              %xor3A_887 = arith.xori %iota3A, %xor3A_886 : vector<16xi32>
              %lt3A_888 = arith.constant 0 : i32
              %lt3A_889 = vector.broadcast %lt3A_888 : i32 to vector<16xi32>
              %lt3A_890 = arith.cmpi slt, %xor3A_887, %lt3A_889 : vector<16xi32>
              %add3A_891 = arith.constant 16 : i32
              %add3A_892 = vector.broadcast %add3A_891 : i32 to vector<16xi32>
              %add3A_893 = arith.addi %xor3A_887, %add3A_892 : vector<16xi32>
              %select_n3A_894 = arith.select %lt3A_890, %add3A_893, %xor3A_887 : vector<16xi1>, vector<16xi32>
              %broadcast_in_dim3A_895 = vector.shape_cast %select_n3A_894 : vector<16xi32> to vector<16x1xi32>
              %gather3A_896 = vector.shape_cast %broadcast_in_dim3A_895 : vector<16x1xi32> to vector<16xi32>
              %gather3A_897 = tpu.dynamic_gather %max3A_884[%gather3A_896] in [0] : vector<16xf32>, vector<16xi32> -> vector<16xf32>
              %max3A_898 = arith.maximumf %max3A_884, %gather3A_897 : vector<16xf32>
              %xor3A_899 = arith.constant 8 : i32
              %xor3A_900 = vector.broadcast %xor3A_899 : i32 to vector<16xi32>
              %xor3A_901 = arith.xori %iota3A, %xor3A_900 : vector<16xi32>
              %lt3A_902 = arith.constant 0 : i32
              %lt3A_903 = vector.broadcast %lt3A_902 : i32 to vector<16xi32>
              %lt3A_904 = arith.cmpi slt, %xor3A_901, %lt3A_903 : vector<16xi32>
              %add3A_905 = arith.constant 16 : i32
              %add3A_906 = vector.broadcast %add3A_905 : i32 to vector<16xi32>
              %add3A_907 = arith.addi %xor3A_901, %add3A_906 : vector<16xi32>
              %select_n3A_908 = arith.select %lt3A_904, %add3A_907, %xor3A_901 : vector<16xi1>, vector<16xi32>
              %broadcast_in_dim3A_909 = vector.shape_cast %select_n3A_908 : vector<16xi32> to vector<16x1xi32>
              %gather3A_910 = vector.shape_cast %broadcast_in_dim3A_909 : vector<16x1xi32> to vector<16xi32>
              %gather3A_911 = tpu.dynamic_gather %max3A_898[%gather3A_910] in [0] : vector<16xf32>, vector<16xi32> -> vector<16xf32>
              %max3A_912 = arith.maximumf %max3A_898, %gather3A_911 : vector<16xf32>
              %get3A_913 = arith.constant 2 : i32
              %get3A_914 = arith.index_cast %get3A_913 : i32 to index
              %get3A_915 = arith.constant 0 : index
              %get3A_916 = tpu.vector_load %arg6[%get3A_914, %get3A_915] {strides = array<i32>} : memref<4x16xf32, #tpu.memory_space<vmem>>, vector<1x16xf32>,
              %get3A_917 = vector.shape_cast %get3A_916 : vector<1x16xf32> to vector<16xf32>
              %jit3A_918 = arith.constant 0xFF800000 : f32
              %broadcast_in_dim3A_919 = vector.broadcast %jit3A_918 : f32 to vector<16xf32>
              %select_n3A_920 = arith.select %eq3A_626, %get3A_917, %broadcast_in_dim3A_919 : vector<16xi1>, vector<16xf32>
              %xor3A_921 = arith.constant 1 : i32
              %xor3A_922 = vector.broadcast %xor3A_921 : i32 to vector<16xi32>
              %xor3A_923 = arith.xori %iota3A, %xor3A_922 : vector<16xi32>
              %lt3A_924 = arith.constant 0 : i32
              %lt3A_925 = vector.broadcast %lt3A_924 : i32 to vector<16xi32>
              %lt3A_926 = arith.cmpi slt, %xor3A_923, %lt3A_925 : vector<16xi32>
              %add3A_927 = arith.constant 16 : i32
              %add3A_928 = vector.broadcast %add3A_927 : i32 to vector<16xi32>
              %add3A_929 = arith.addi %xor3A_923, %add3A_928 : vector<16xi32>
              %select_n3A_930 = arith.select %lt3A_926, %add3A_929, %xor3A_923 : vector<16xi1>, vector<16xi32>
              %broadcast_in_dim3A_931 = vector.shape_cast %select_n3A_930 : vector<16xi32> to vector<16x1xi32>
              %gather3A_932 = vector.shape_cast %broadcast_in_dim3A_931 : vector<16x1xi32> to vector<16xi32>
              %gather3A_933 = tpu.dynamic_gather %select_n3A_920[%gather3A_932] in [0] : vector<16xf32>, vector<16xi32> -> vector<16xf32>
              %max3A_934 = arith.maximumf %select_n3A_920, %gather3A_933 : vector<16xf32>
              %xor3A_935 = arith.constant 2 : i32
              %xor3A_936 = vector.broadcast %xor3A_935 : i32 to vector<16xi32>
              %xor3A_937 = arith.xori %iota3A, %xor3A_936 : vector<16xi32>
              %lt3A_938 = arith.constant 0 : i32
              %lt3A_939 = vector.broadcast %lt3A_938 : i32 to vector<16xi32>
              %lt3A_940 = arith.cmpi slt, %xor3A_937, %lt3A_939 : vector<16xi32>
              %add3A_941 = arith.constant 16 : i32
              %add3A_942 = vector.broadcast %add3A_941 : i32 to vector<16xi32>
              %add3A_943 = arith.addi %xor3A_937, %add3A_942 : vector<16xi32>
              %select_n3A_944 = arith.select %lt3A_940, %add3A_943, %xor3A_937 : vector<16xi1>, vector<16xi32>
              %broadcast_in_dim3A_945 = vector.shape_cast %select_n3A_944 : vector<16xi32> to vector<16x1xi32>
              %gather3A_946 = vector.shape_cast %broadcast_in_dim3A_945 : vector<16x1xi32> to vector<16xi32>
              %gather3A_947 = tpu.dynamic_gather %max3A_934[%gather3A_946] in [0] : vector<16xf32>, vector<16xi32> -> vector<16xf32>
              %max3A_948 = arith.maximumf %max3A_934, %gather3A_947 : vector<16xf32>
              %xor3A_949 = arith.constant 4 : i32
              %xor3A_950 = vector.broadcast %xor3A_949 : i32 to vector<16xi32>
              %xor3A_951 = arith.xori %iota3A, %xor3A_950 : vector<16xi32>
              %lt3A_952 = arith.constant 0 : i32
              %lt3A_953 = vector.broadcast %lt3A_952 : i32 to vector<16xi32>
              %lt3A_954 = arith.cmpi slt, %xor3A_951, %lt3A_953 : vector<16xi32>
              %add3A_955 = arith.constant 16 : i32
              %add3A_956 = vector.broadcast %add3A_955 : i32 to vector<16xi32>
              %add3A_957 = arith.addi %xor3A_951, %add3A_956 : vector<16xi32>
              %select_n3A_958 = arith.select %lt3A_954, %add3A_957, %xor3A_951 : vector<16xi1>, vector<16xi32>
              %broadcast_in_dim3A_959 = vector.shape_cast %select_n3A_958 : vector<16xi32> to vector<16x1xi32>
              %gather3A_960 = vector.shape_cast %broadcast_in_dim3A_959 : vector<16x1xi32> to vector<16xi32>
              %gather3A_961 = tpu.dynamic_gather %max3A_948[%gather3A_960] in [0] : vector<16xf32>, vector<16xi32> -> vector<16xf32>
              %max3A_962 = arith.maximumf %max3A_948, %gather3A_961 : vector<16xf32>
              %xor3A_963 = arith.constant 8 : i32
              %xor3A_964 = vector.broadcast %xor3A_963 : i32 to vector<16xi32>
              %xor3A_965 = arith.xori %iota3A, %xor3A_964 : vector<16xi32>
              %lt3A_966 = arith.constant 0 : i32
              %lt3A_967 = vector.broadcast %lt3A_966 : i32 to vector<16xi32>
              %lt3A_968 = arith.cmpi slt, %xor3A_965, %lt3A_967 : vector<16xi32>
              %add3A_969 = arith.constant 16 : i32
              %add3A_970 = vector.broadcast %add3A_969 : i32 to vector<16xi32>
              %add3A_971 = arith.addi %xor3A_965, %add3A_970 : vector<16xi32>
              %select_n3A_972 = arith.select %lt3A_968, %add3A_971, %xor3A_965 : vector<16xi1>, vector<16xi32>
              %broadcast_in_dim3A_973 = vector.shape_cast %select_n3A_972 : vector<16xi32> to vector<16x1xi32>
              %gather3A_974 = vector.shape_cast %broadcast_in_dim3A_973 : vector<16x1xi32> to vector<16xi32>
              %gather3A_975 = tpu.dynamic_gather %max3A_962[%gather3A_974] in [0] : vector<16xf32>, vector<16xi32> -> vector<16xf32>
              %max3A_976 = arith.maximumf %max3A_962, %gather3A_975 : vector<16xf32>
              %get3A_977 = arith.constant 3 : i32
              %get3A_978 = arith.index_cast %get3A_977 : i32 to index
              %get3A_979 = arith.constant 0 : index
              %get3A_980 = tpu.vector_load %arg6[%get3A_978, %get3A_979] {strides = array<i32>} : memref<4x16xf32, #tpu.memory_space<vmem>>, vector<1x16xf32>,
              %get3A_981 = vector.shape_cast %get3A_980 : vector<1x16xf32> to vector<16xf32>
              %jit3A_982 = arith.constant 0xFF800000 : f32
              %broadcast_in_dim3A_983 = vector.broadcast %jit3A_982 : f32 to vector<16xf32>
              %select_n3A_984 = arith.select %eq3A_626, %get3A_981, %broadcast_in_dim3A_983 : vector<16xi1>, vector<16xf32>
              %xor3A_985 = arith.constant 1 : i32
              %xor3A_986 = vector.broadcast %xor3A_985 : i32 to vector<16xi32>
              %xor3A_987 = arith.xori %iota3A, %xor3A_986 : vector<16xi32>
              %lt3A_988 = arith.constant 0 : i32
              %lt3A_989 = vector.broadcast %lt3A_988 : i32 to vector<16xi32>
              %lt3A_990 = arith.cmpi slt, %xor3A_987, %lt3A_989 : vector<16xi32>
              %add3A_991 = arith.constant 16 : i32
              %add3A_992 = vector.broadcast %add3A_991 : i32 to vector<16xi32>
              %add3A_993 = arith.addi %xor3A_987, %add3A_992 : vector<16xi32>
              %select_n3A_994 = arith.select %lt3A_990, %add3A_993, %xor3A_987 : vector<16xi1>, vector<16xi32>
              %broadcast_in_dim3A_995 = vector.shape_cast %select_n3A_994 : vector<16xi32> to vector<16x1xi32>
              %gather3A_996 = vector.shape_cast %broadcast_in_dim3A_995 : vector<16x1xi32> to vector<16xi32>
              %gather3A_997 = tpu.dynamic_gather %select_n3A_984[%gather3A_996] in [0] : vector<16xf32>, vector<16xi32> -> vector<16xf32>
              %max3A_998 = arith.maximumf %select_n3A_984, %gather3A_997 : vector<16xf32>
              %xor3A_999 = arith.constant 2 : i32
              %xor3A_1000 = vector.broadcast %xor3A_999 : i32 to vector<16xi32>
              %xor3A_1001 = arith.xori %iota3A, %xor3A_1000 : vector<16xi32>
              %lt3A_1002 = arith.constant 0 : i32
              %lt3A_1003 = vector.broadcast %lt3A_1002 : i32 to vector<16xi32>
              %lt3A_1004 = arith.cmpi slt, %xor3A_1001, %lt3A_1003 : vector<16xi32>
              %add3A_1005 = arith.constant 16 : i32
              %add3A_1006 = vector.broadcast %add3A_1005 : i32 to vector<16xi32>
              %add3A_1007 = arith.addi %xor3A_1001, %add3A_1006 : vector<16xi32>
              %select_n3A_1008 = arith.select %lt3A_1004, %add3A_1007, %xor3A_1001 : vector<16xi1>, vector<16xi32>
              %broadcast_in_dim3A_1009 = vector.shape_cast %select_n3A_1008 : vector<16xi32> to vector<16x1xi32>
              %gather3A_1010 = vector.shape_cast %broadcast_in_dim3A_1009 : vector<16x1xi32> to vector<16xi32>
              %gather3A_1011 = tpu.dynamic_gather %max3A_998[%gather3A_1010] in [0] : vector<16xf32>, vector<16xi32> -> vector<16xf32>
              %max3A_1012 = arith.maximumf %max3A_998, %gather3A_1011 : vector<16xf32>
              %xor3A_1013 = arith.constant 4 : i32
              %xor3A_1014 = vector.broadcast %xor3A_1013 : i32 to vector<16xi32>
              %xor3A_1015 = arith.xori %iota3A, %xor3A_1014 : vector<16xi32>
              %lt3A_1016 = arith.constant 0 : i32
              %lt3A_1017 = vector.broadcast %lt3A_1016 : i32 to vector<16xi32>
              %lt3A_1018 = arith.cmpi slt, %xor3A_1015, %lt3A_1017 : vector<16xi32>
              %add3A_1019 = arith.constant 16 : i32
              %add3A_1020 = vector.broadcast %add3A_1019 : i32 to vector<16xi32>
              %add3A_1021 = arith.addi %xor3A_1015, %add3A_1020 : vector<16xi32>
              %select_n3A_1022 = arith.select %lt3A_1018, %add3A_1021, %xor3A_1015 : vector<16xi1>, vector<16xi32>
              %broadcast_in_dim3A_1023 = vector.shape_cast %select_n3A_1022 : vector<16xi32> to vector<16x1xi32>
              %gather3A_1024 = vector.shape_cast %broadcast_in_dim3A_1023 : vector<16x1xi32> to vector<16xi32>
              %gather3A_1025 = tpu.dynamic_gather %max3A_1012[%gather3A_1024] in [0] : vector<16xf32>, vector<16xi32> -> vector<16xf32>
              %max3A_1026 = arith.maximumf %max3A_1012, %gather3A_1025 : vector<16xf32>
              %xor3A_1027 = arith.constant 8 : i32
              %xor3A_1028 = vector.broadcast %xor3A_1027 : i32 to vector<16xi32>
              %xor3A_1029 = arith.xori %iota3A, %xor3A_1028 : vector<16xi32>
              %lt3A_1030 = arith.constant 0 : i32
              %lt3A_1031 = vector.broadcast %lt3A_1030 : i32 to vector<16xi32>
              %lt3A_1032 = arith.cmpi slt, %xor3A_1029, %lt3A_1031 : vector<16xi32>
              %add3A_1033 = arith.constant 16 : i32
              %add3A_1034 = vector.broadcast %add3A_1033 : i32 to vector<16xi32>
              %add3A_1035 = arith.addi %xor3A_1029, %add3A_1034 : vector<16xi32>
              %select_n3A_1036 = arith.select %lt3A_1032, %add3A_1035, %xor3A_1029 : vector<16xi1>, vector<16xi32>
              %broadcast_in_dim3A_1037 = vector.shape_cast %select_n3A_1036 : vector<16xi32> to vector<16x1xi32>
              %gather3A_1038 = vector.shape_cast %broadcast_in_dim3A_1037 : vector<16x1xi32> to vector<16xi32>
              %gather3A_1039 = tpu.dynamic_gather %max3A_1026[%gather3A_1038] in [0] : vector<16xf32>, vector<16xi32> -> vector<16xf32>
              %max3A_1040 = arith.maximumf %max3A_1026, %gather3A_1039 : vector<16xf32>
              %sub3A = arith.subf %max3A_976, %max3A_848 : vector<16xf32>
              %sub3A_1041 = arith.subf %max3A_1040, %max3A_912 : vector<16xf32>
              %mul3A_1042 = arith.mulf %sub3A, %sub3A_1041 : vector<16xf32>
              %get3A_1043 = arith.constant 1 : i32
              %get3A_1044 = arith.index_cast %get3A_1043 : i32 to index
              %get3A_1045 = arith.constant 0 : index
              %get3A_1046 = tpu.vector_load %arg10[%get3A_1044, %get3A_1045] {strides = array<i32>} : memref<2x16xi32, #tpu.memory_space<vmem>>, vector<1x16xi32>,
              %get3A_1047 = vector.shape_cast %get3A_1046 : vector<1x16xi32> to vector<16xi32>
              %get3A_1048 = arith.constant 2 : i32
              %get3A_1049 = arith.index_cast %get3A_1048 : i32 to index
              %get3A_1050 = arith.constant 0 : index
              %get3A_1051 = tpu.vector_load %arg9[%get3A_1049, %get3A_1050] {strides = array<i32>} : memref<8x16xf32, #tpu.memory_space<vmem>>, vector<1x16xf32>,
              %get3A_1052 = vector.shape_cast %get3A_1051 : vector<1x16xf32> to vector<16xf32>
              %min3A_1053 = arith.minimumf %get3A_1052, %max3A_976 : vector<16xf32>
              %get3A_1054 = arith.constant 0 : i32
              %get3A_1055 = arith.index_cast %get3A_1054 : i32 to index
              %get3A_1056 = arith.constant 0 : index
              %get3A_1057 = tpu.vector_load %arg9[%get3A_1055, %get3A_1056] {strides = array<i32>} : memref<8x16xf32, #tpu.memory_space<vmem>>, vector<1x16xf32>,
              %get3A_1058 = vector.shape_cast %get3A_1057 : vector<1x16xf32> to vector<16xf32>
              %max3A_1059 = arith.maximumf %get3A_1058, %max3A_848 : vector<16xf32>
              %sub3A_1060 = arith.subf %min3A_1053, %max3A_1059 : vector<16xf32>
              %max3A_1061 = vector.broadcast %scan3A_163 : f32 to vector<16xf32>
              %max3A_1062 = arith.maximumf %sub3A_1060, %max3A_1061 : vector<16xf32>
              %get3A_1063 = arith.constant 3 : i32
              %get3A_1064 = arith.index_cast %get3A_1063 : i32 to index
              %get3A_1065 = arith.constant 0 : index
              %get3A_1066 = tpu.vector_load %arg9[%get3A_1064, %get3A_1065] {strides = array<i32>} : memref<8x16xf32, #tpu.memory_space<vmem>>, vector<1x16xf32>,
              %get3A_1067 = vector.shape_cast %get3A_1066 : vector<1x16xf32> to vector<16xf32>
              %min3A_1068 = arith.minimumf %get3A_1067, %max3A_1040 : vector<16xf32>
              %get3A_1069 = arith.constant 1 : i32
              %get3A_1070 = arith.index_cast %get3A_1069 : i32 to index
              %get3A_1071 = arith.constant 0 : index
              %get3A_1072 = tpu.vector_load %arg9[%get3A_1070, %get3A_1071] {strides = array<i32>} : memref<8x16xf32, #tpu.memory_space<vmem>>, vector<1x16xf32>,
              %get3A_1073 = vector.shape_cast %get3A_1072 : vector<1x16xf32> to vector<16xf32>
              %max3A_1074 = arith.maximumf %get3A_1073, %max3A_912 : vector<16xf32>
              %sub3A_1075 = arith.subf %min3A_1068, %max3A_1074 : vector<16xf32>
              %max3A_1076 = vector.broadcast %scan3A_163 : f32 to vector<16xf32>
              %max3A_1077 = arith.maximumf %sub3A_1075, %max3A_1076 : vector<16xf32>
              %mul3A_1078 = arith.mulf %max3A_1062, %max3A_1077 : vector<16xf32>
              %get3A_1079 = arith.constant 4 : i32
              %get3A_1080 = arith.index_cast %get3A_1079 : i32 to index
              %get3A_1081 = arith.constant 0 : index
              %get3A_1082 = tpu.vector_load %arg9[%get3A_1080, %get3A_1081] {strides = array<i32>} : memref<8x16xf32, #tpu.memory_space<vmem>>, vector<1x16xf32>,
              %get3A_1083 = vector.shape_cast %get3A_1082 : vector<1x16xf32> to vector<16xf32>
              %add3A_1084 = arith.addf %get3A_1083, %mul3A_1042 : vector<16xf32>
              %sub3A_1085 = arith.subf %add3A_1084, %mul3A_1078 : vector<16xf32>
              %max3A_1086 = arith.constant 9.99999971E-10 : f32
              %max3A_1087 = vector.broadcast %max3A_1086 : f32 to vector<16xf32>
              %max3A_1088 = arith.maximumf %sub3A_1085, %max3A_1087 : vector<16xf32>
              %div3A = arith.divf %mul3A_1078, %max3A_1088 : vector<16xf32>
              %gt3A_1089 = arith.constant 0.699999988 : f32
              %gt3A_1090 = vector.broadcast %gt3A_1089 : f32 to vector<16xf32>
              %gt3A_1091 = arith.cmpf ogt, %div3A, %gt3A_1090 : vector<16xf32>
              %lt3A_1092 = arith.cmpi slt, %iota3A, %get3A_1047 : vector<16xi32>
              %and3A_1093 = arith.andi %gt3A_1091, %lt3A_1092 : vector<16xi1>
              %jit3A_1094 = arith.constant 1 : i32
              %jit3A_1095 = arith.constant 0 : i32
              %broadcast_in_dim3A_1096 = vector.broadcast %jit3A_1094 : i32 to vector<16xi32>
              %broadcast_in_dim3A_1097 = vector.broadcast %jit3A_1095 : i32 to vector<16xi32>
              %select_n3A_1098 = arith.select %and3A_1093, %broadcast_in_dim3A_1096, %broadcast_in_dim3A_1097 : vector<16xi1>, vector<16xi32>
              %xor3A_1099 = arith.constant 1 : i32
              %xor3A_1100 = vector.broadcast %xor3A_1099 : i32 to vector<16xi32>
              %xor3A_1101 = arith.xori %iota3A, %xor3A_1100 : vector<16xi32>
              %lt3A_1102 = arith.constant 0 : i32
              %lt3A_1103 = vector.broadcast %lt3A_1102 : i32 to vector<16xi32>
              %lt3A_1104 = arith.cmpi slt, %xor3A_1101, %lt3A_1103 : vector<16xi32>
              %add3A_1105 = arith.constant 16 : i32
              %add3A_1106 = vector.broadcast %add3A_1105 : i32 to vector<16xi32>
              %add3A_1107 = arith.addi %xor3A_1101, %add3A_1106 : vector<16xi32>
              %select_n3A_1108 = arith.select %lt3A_1104, %add3A_1107, %xor3A_1101 : vector<16xi1>, vector<16xi32>
              %broadcast_in_dim3A_1109 = vector.shape_cast %select_n3A_1108 : vector<16xi32> to vector<16x1xi32>
              %gather3A_1110 = vector.shape_cast %broadcast_in_dim3A_1109 : vector<16x1xi32> to vector<16xi32>
              %gather3A_1111 = tpu.dynamic_gather %select_n3A_1098[%gather3A_1110] in [0] : vector<16xi32>, vector<16xi32> -> vector<16xi32>
              %max3A_1112 = arith.maxsi %select_n3A_1098, %gather3A_1111 : vector<16xi32>
              %xor3A_1113 = arith.constant 2 : i32
              %xor3A_1114 = vector.broadcast %xor3A_1113 : i32 to vector<16xi32>
              %xor3A_1115 = arith.xori %iota3A, %xor3A_1114 : vector<16xi32>
              %lt3A_1116 = arith.constant 0 : i32
              %lt3A_1117 = vector.broadcast %lt3A_1116 : i32 to vector<16xi32>
              %lt3A_1118 = arith.cmpi slt, %xor3A_1115, %lt3A_1117 : vector<16xi32>
              %add3A_1119 = arith.constant 16 : i32
              %add3A_1120 = vector.broadcast %add3A_1119 : i32 to vector<16xi32>
              %add3A_1121 = arith.addi %xor3A_1115, %add3A_1120 : vector<16xi32>
              %select_n3A_1122 = arith.select %lt3A_1118, %add3A_1121, %xor3A_1115 : vector<16xi1>, vector<16xi32>
              %broadcast_in_dim3A_1123 = vector.shape_cast %select_n3A_1122 : vector<16xi32> to vector<16x1xi32>
              %gather3A_1124 = vector.shape_cast %broadcast_in_dim3A_1123 : vector<16x1xi32> to vector<16xi32>
              %gather3A_1125 = tpu.dynamic_gather %max3A_1112[%gather3A_1124] in [0] : vector<16xi32>, vector<16xi32> -> vector<16xi32>
              %max3A_1126 = arith.maxsi %max3A_1112, %gather3A_1125 : vector<16xi32>
              %xor3A_1127 = arith.constant 4 : i32
              %xor3A_1128 = vector.broadcast %xor3A_1127 : i32 to vector<16xi32>
              %xor3A_1129 = arith.xori %iota3A, %xor3A_1128 : vector<16xi32>
              %lt3A_1130 = arith.constant 0 : i32
              %lt3A_1131 = vector.broadcast %lt3A_1130 : i32 to vector<16xi32>
              %lt3A_1132 = arith.cmpi slt, %xor3A_1129, %lt3A_1131 : vector<16xi32>
              %add3A_1133 = arith.constant 16 : i32
              %add3A_1134 = vector.broadcast %add3A_1133 : i32 to vector<16xi32>
              %add3A_1135 = arith.addi %xor3A_1129, %add3A_1134 : vector<16xi32>
              %select_n3A_1136 = arith.select %lt3A_1132, %add3A_1135, %xor3A_1129 : vector<16xi1>, vector<16xi32>
              %broadcast_in_dim3A_1137 = vector.shape_cast %select_n3A_1136 : vector<16xi32> to vector<16x1xi32>
              %gather3A_1138 = vector.shape_cast %broadcast_in_dim3A_1137 : vector<16x1xi32> to vector<16xi32>
              %gather3A_1139 = tpu.dynamic_gather %max3A_1126[%gather3A_1138] in [0] : vector<16xi32>, vector<16xi32> -> vector<16xi32>
              %max3A_1140 = arith.maxsi %max3A_1126, %gather3A_1139 : vector<16xi32>
              %xor3A_1141 = arith.constant 8 : i32
              %xor3A_1142 = vector.broadcast %xor3A_1141 : i32 to vector<16xi32>
              %xor3A_1143 = arith.xori %iota3A, %xor3A_1142 : vector<16xi32>
              %lt3A_1144 = arith.constant 0 : i32
              %lt3A_1145 = vector.broadcast %lt3A_1144 : i32 to vector<16xi32>
              %lt3A_1146 = arith.cmpi slt, %xor3A_1143, %lt3A_1145 : vector<16xi32>
              %add3A_1147 = arith.constant 16 : i32
              %add3A_1148 = vector.broadcast %add3A_1147 : i32 to vector<16xi32>
              %add3A_1149 = arith.addi %xor3A_1143, %add3A_1148 : vector<16xi32>
              %select_n3A_1150 = arith.select %lt3A_1146, %add3A_1149, %xor3A_1143 : vector<16xi1>, vector<16xi32>
              %broadcast_in_dim3A_1151 = vector.shape_cast %select_n3A_1150 : vector<16xi32> to vector<16x1xi32>
              %gather3A_1152 = vector.shape_cast %broadcast_in_dim3A_1151 : vector<16x1xi32> to vector<16xi32>
              %gather3A_1153 = tpu.dynamic_gather %max3A_1140[%gather3A_1152] in [0] : vector<16xi32>, vector<16xi32> -> vector<16xi32>
              %max3A_1154 = arith.maxsi %max3A_1140, %gather3A_1153 : vector<16xi32>
              %min3A_1155 = arith.constant 1 : i32
              %min3A_1156 = vector.broadcast %min3A_1155 : i32 to vector<16xi32>
              %min3A_1157 = arith.minsi %max3A_1154, %min3A_1156 : vector<16xi32>
              %lt3A_1158 = arith.constant 2.000000e-01 : f32
              %lt3A_1159 = vector.broadcast %lt3A_1158 : f32 to vector<16xf32>
              %lt3A_1160 = arith.cmpf olt, %max3A_257, %lt3A_1159 : vector<16xf32>
              %jit3A_1161 = arith.constant 1 : i32
              %jit3A_1162 = arith.constant 0 : i32
              %broadcast_in_dim3A_1163 = vector.broadcast %jit3A_1161 : i32 to vector<16xi32>
              %broadcast_in_dim3A_1164 = vector.broadcast %jit3A_1162 : i32 to vector<16xi32>
              %select_n3A_1165 = arith.select %lt3A_1160, %broadcast_in_dim3A_1163, %broadcast_in_dim3A_1164 : vector<16xi1>, vector<16xi32>
              %eq3A_1166 = arith.constant 0 : i32
              %eq3A_1167 = vector.broadcast %eq3A_1166 : i32 to vector<16xi32>
              %eq3A_1168 = arith.cmpi eq, %iota3A, %eq3A_1167 : vector<16xi32>
              %broadcast_in_dim3A_1169 = vector.broadcast %scan3A_163 : f32 to vector<16xf32>
              %select_n3A_1170 = arith.select %eq3A_1168, %max3A_848, %broadcast_in_dim3A_1169 : vector<16xi1>, vector<16xf32>
              %eq3A_1171 = arith.constant 1 : i32
              %eq3A_1172 = vector.broadcast %eq3A_1171 : i32 to vector<16xi32>
              %eq3A_1173 = arith.cmpi eq, %iota3A, %eq3A_1172 : vector<16xi32>
              %broadcast_in_dim3A_1174 = vector.broadcast %scan3A_163 : f32 to vector<16xf32>
              %select_n3A_1175 = arith.select %eq3A_1173, %max3A_912, %broadcast_in_dim3A_1174 : vector<16xi1>, vector<16xf32>
              %add3A_1176 = arith.addf %select_n3A_1170, %select_n3A_1175 : vector<16xf32>
              %eq3A_1177 = arith.constant 2 : i32
              %eq3A_1178 = vector.broadcast %eq3A_1177 : i32 to vector<16xi32>
              %eq3A_1179 = arith.cmpi eq, %iota3A, %eq3A_1178 : vector<16xi32>
              %broadcast_in_dim3A_1180 = vector.broadcast %scan3A_163 : f32 to vector<16xf32>
              %select_n3A_1181 = arith.select %eq3A_1179, %max3A_976, %broadcast_in_dim3A_1180 : vector<16xi1>, vector<16xf32>
              %add3A_1182 = arith.addf %add3A_1176, %select_n3A_1181 : vector<16xf32>
              %eq3A_1183 = arith.constant 3 : i32
              %eq3A_1184 = vector.broadcast %eq3A_1183 : i32 to vector<16xi32>
              %eq3A_1185 = arith.cmpi eq, %iota3A, %eq3A_1184 : vector<16xi32>
              %broadcast_in_dim3A_1186 = vector.broadcast %scan3A_163 : f32 to vector<16xf32>
              %select_n3A_1187 = arith.select %eq3A_1185, %max3A_1040, %broadcast_in_dim3A_1186 : vector<16xi1>, vector<16xf32>
              %add3A_1188 = arith.addf %add3A_1182, %select_n3A_1187 : vector<16xf32>
              %eq3A_1189 = arith.constant 4 : i32
              %eq3A_1190 = vector.broadcast %eq3A_1189 : i32 to vector<16xi32>
              %eq3A_1191 = arith.cmpi eq, %iota3A, %eq3A_1190 : vector<16xi32>
              %broadcast_in_dim3A_1192 = vector.broadcast %scan3A_163 : f32 to vector<16xf32>
              %select_n3A_1193 = arith.select %eq3A_1191, %max3A_257, %broadcast_in_dim3A_1192 : vector<16xi1>, vector<16xf32>
              %add3A_1194 = arith.addf %add3A_1188, %select_n3A_1193 : vector<16xf32>
              %sub3A_1195 = arith.constant 1 : i32
              %sub3A_1196 = vector.broadcast %sub3A_1195 : i32 to vector<16xi32>
              %sub3A_1197 = arith.subi %sub3A_1196, %min3A_1157 : vector<16xi32>
              %sub3A_1198 = arith.constant 1 : i32
              %sub3A_1199 = vector.broadcast %sub3A_1198 : i32 to vector<16xi32>
              %sub3A_1200 = arith.subi %sub3A_1199, %select_n3A_1165 : vector<16xi32>
              %mul3A_1201 = arith.muli %sub3A_1197, %sub3A_1200 : vector<16xi32>
              %slice3A_1202 = vector.extract_strided_slice %get3A_1047 {offsets = [0], sizes = [1], strides = [1]} : vector<16xi32> to vector<1xi32>
              %squeeze3A_1203 = vector.extract %slice3A_1202[0] : i32 from vector<1xi32>
              %mul3A_1204 = arith.constant 16 : i32
              %mul3A_1205 = vector.broadcast %mul3A_1204 : i32 to vector<16xi32>
              %mul3A_1206 = arith.muli %mul3A_1201, %mul3A_1205 : vector<16xi32>
              %lt3A_1207 = arith.cmpi slt, %iota3A, %mul3A_1206 : vector<16xi32>
              %get3A_1208 = arith.index_cast %squeeze3A_1203 : i32 to index
              %get3A_1209 = arith.constant 0 : index
              %get3A_1210 = tpu.vector_load %arg8[%get3A_1208, %get3A_1209] {strides = array<i32>} : memref<16x16xf32, #tpu.memory_space<vmem>>, vector<1x16xf32>,
              %get3A_1211 = vector.shape_cast %get3A_1210 : vector<1x16xf32> to vector<16xf32>
              %select_n3A_1212 = arith.select %lt3A_1207, %add3A_1194, %get3A_1211 : vector<16xi1>, vector<16xf32>
              %swap3A_1213 = arith.index_cast %squeeze3A_1203 : i32 to index
              %swap3A_1214 = arith.constant 0 : index
              %swap3A_1215 = tpu.vector_load %arg8[%swap3A_1213, %swap3A_1214] {strides = array<i32>} : memref<16x16xf32, #tpu.memory_space<vmem>>, vector<1x16xf32>,
              %swap3A_1216 = vector.shape_cast %swap3A_1215 : vector<1x16xf32> to vector<16xf32>
              %swap3A_1217 = vector.shape_cast %select_n3A_1212 : vector<16xf32> to vector<1x16xf32>
              tpu.vector_store %arg8[%swap3A_1213, %swap3A_1214], %swap3A_1217 {strides = array<i32>} : memref<16x16xf32, #tpu.memory_space<vmem>>, vector<1x16xf32>,
              %eq3A_1218 = arith.cmpi eq, %iota3A, %get3A_1047 : vector<16xi32>
              %and3A_1219 = arith.andi %lt3A_1207, %eq3A_1218 : vector<16xi1>
              %get3A_1220 = arith.constant 0 : i32
              %get3A_1221 = arith.index_cast %get3A_1220 : i32 to index
              %get3A_1222 = arith.constant 0 : index
              %get3A_1223 = tpu.vector_load %arg9[%get3A_1221, %get3A_1222] {strides = array<i32>} : memref<8x16xf32, #tpu.memory_space<vmem>>, vector<1x16xf32>,
              %get3A_1224 = vector.shape_cast %get3A_1223 : vector<1x16xf32> to vector<16xf32>
              %select_n3A_1225 = arith.select %and3A_1219, %max3A_848, %get3A_1224 : vector<16xi1>, vector<16xf32>
              %swap3A_1226 = arith.constant 0 : i32
              %swap3A_1227 = arith.index_cast %swap3A_1226 : i32 to index
              %swap3A_1228 = arith.constant 0 : index
              %swap3A_1229 = tpu.vector_load %arg9[%swap3A_1227, %swap3A_1228] {strides = array<i32>} : memref<8x16xf32, #tpu.memory_space<vmem>>, vector<1x16xf32>,
              %swap3A_1230 = vector.shape_cast %swap3A_1229 : vector<1x16xf32> to vector<16xf32>
              %swap3A_1231 = vector.shape_cast %select_n3A_1225 : vector<16xf32> to vector<1x16xf32>
              tpu.vector_store %arg9[%swap3A_1227, %swap3A_1228], %swap3A_1231 {strides = array<i32>} : memref<8x16xf32, #tpu.memory_space<vmem>>, vector<1x16xf32>,
              %get3A_1232 = arith.constant 1 : i32
              %get3A_1233 = arith.index_cast %get3A_1232 : i32 to index
              %get3A_1234 = arith.constant 0 : index
              %get3A_1235 = tpu.vector_load %arg9[%get3A_1233, %get3A_1234] {strides = array<i32>} : memref<8x16xf32, #tpu.memory_space<vmem>>, vector<1x16xf32>,
              %get3A_1236 = vector.shape_cast %get3A_1235 : vector<1x16xf32> to vector<16xf32>
              %select_n3A_1237 = arith.select %and3A_1219, %max3A_912, %get3A_1236 : vector<16xi1>, vector<16xf32>
              %swap3A_1238 = arith.constant 1 : i32
              %swap3A_1239 = arith.index_cast %swap3A_1238 : i32 to index
              %swap3A_1240 = arith.constant 0 : index
              %swap3A_1241 = tpu.vector_load %arg9[%swap3A_1239, %swap3A_1240] {strides = array<i32>} : memref<8x16xf32, #tpu.memory_space<vmem>>, vector<1x16xf32>,
              %swap3A_1242 = vector.shape_cast %swap3A_1241 : vector<1x16xf32> to vector<16xf32>
              %swap3A_1243 = vector.shape_cast %select_n3A_1237 : vector<16xf32> to vector<1x16xf32>
              tpu.vector_store %arg9[%swap3A_1239, %swap3A_1240], %swap3A_1243 {strides = array<i32>} : memref<8x16xf32, #tpu.memory_space<vmem>>, vector<1x16xf32>,
              %get3A_1244 = arith.constant 2 : i32
              %get3A_1245 = arith.index_cast %get3A_1244 : i32 to index
              %get3A_1246 = arith.constant 0 : index
              %get3A_1247 = tpu.vector_load %arg9[%get3A_1245, %get3A_1246] {strides = array<i32>} : memref<8x16xf32, #tpu.memory_space<vmem>>, vector<1x16xf32>,
              %get3A_1248 = vector.shape_cast %get3A_1247 : vector<1x16xf32> to vector<16xf32>
              %select_n3A_1249 = arith.select %and3A_1219, %max3A_976, %get3A_1248 : vector<16xi1>, vector<16xf32>
              %swap3A_1250 = arith.constant 2 : i32
              %swap3A_1251 = arith.index_cast %swap3A_1250 : i32 to index
              %swap3A_1252 = arith.constant 0 : index
              %swap3A_1253 = tpu.vector_load %arg9[%swap3A_1251, %swap3A_1252] {strides = array<i32>} : memref<8x16xf32, #tpu.memory_space<vmem>>, vector<1x16xf32>,
              %swap3A_1254 = vector.shape_cast %swap3A_1253 : vector<1x16xf32> to vector<16xf32>
              %swap3A_1255 = vector.shape_cast %select_n3A_1249 : vector<16xf32> to vector<1x16xf32>
              tpu.vector_store %arg9[%swap3A_1251, %swap3A_1252], %swap3A_1255 {strides = array<i32>} : memref<8x16xf32, #tpu.memory_space<vmem>>, vector<1x16xf32>,
              %get3A_1256 = arith.constant 3 : i32
              %get3A_1257 = arith.index_cast %get3A_1256 : i32 to index
              %get3A_1258 = arith.constant 0 : index
              %get3A_1259 = tpu.vector_load %arg9[%get3A_1257, %get3A_1258] {strides = array<i32>} : memref<8x16xf32, #tpu.memory_space<vmem>>, vector<1x16xf32>,
              %get3A_1260 = vector.shape_cast %get3A_1259 : vector<1x16xf32> to vector<16xf32>
              %select_n3A_1261 = arith.select %and3A_1219, %max3A_1040, %get3A_1260 : vector<16xi1>, vector<16xf32>
              %swap3A_1262 = arith.constant 3 : i32
              %swap3A_1263 = arith.index_cast %swap3A_1262 : i32 to index
              %swap3A_1264 = arith.constant 0 : index
              %swap3A_1265 = tpu.vector_load %arg9[%swap3A_1263, %swap3A_1264] {strides = array<i32>} : memref<8x16xf32, #tpu.memory_space<vmem>>, vector<1x16xf32>,
              %swap3A_1266 = vector.shape_cast %swap3A_1265 : vector<1x16xf32> to vector<16xf32>
              %swap3A_1267 = vector.shape_cast %select_n3A_1261 : vector<16xf32> to vector<1x16xf32>
              tpu.vector_store %arg9[%swap3A_1263, %swap3A_1264], %swap3A_1267 {strides = array<i32>} : memref<8x16xf32, #tpu.memory_space<vmem>>, vector<1x16xf32>,
              %get3A_1268 = arith.constant 4 : i32
              %get3A_1269 = arith.index_cast %get3A_1268 : i32 to index
              %get3A_1270 = arith.constant 0 : index
              %get3A_1271 = tpu.vector_load %arg9[%get3A_1269, %get3A_1270] {strides = array<i32>} : memref<8x16xf32, #tpu.memory_space<vmem>>, vector<1x16xf32>,
              %get3A_1272 = vector.shape_cast %get3A_1271 : vector<1x16xf32> to vector<16xf32>
              %select_n3A_1273 = arith.select %and3A_1219, %mul3A_1042, %get3A_1272 : vector<16xi1>, vector<16xf32>
              %swap3A_1274 = arith.constant 4 : i32
              %swap3A_1275 = arith.index_cast %swap3A_1274 : i32 to index
              %swap3A_1276 = arith.constant 0 : index
              %swap3A_1277 = tpu.vector_load %arg9[%swap3A_1275, %swap3A_1276] {strides = array<i32>} : memref<8x16xf32, #tpu.memory_space<vmem>>, vector<1x16xf32>,
              %swap3A_1278 = vector.shape_cast %swap3A_1277 : vector<1x16xf32> to vector<16xf32>
              %swap3A_1279 = vector.shape_cast %select_n3A_1273 : vector<16xf32> to vector<1x16xf32>
              tpu.vector_store %arg9[%swap3A_1275, %swap3A_1276], %swap3A_1279 {strides = array<i32>} : memref<8x16xf32, #tpu.memory_space<vmem>>, vector<1x16xf32>,
              %add3A_1280 = arith.addi %get3A_1047, %mul3A_1201 : vector<16xi32>
              %swap3A_1281 = arith.constant 1 : i32
              %swap3A_1282 = arith.index_cast %swap3A_1281 : i32 to index
              %swap3A_1283 = arith.constant 0 : index
              %swap3A_1284 = tpu.vector_load %arg10[%swap3A_1282, %swap3A_1283] {strides = array<i32>} : memref<2x16xi32, #tpu.memory_space<vmem>>, vector<1x16xi32>,
              %swap3A_1285 = vector.shape_cast %swap3A_1284 : vector<1x16xi32> to vector<16xi32>
              %swap3A_1286 = vector.shape_cast %add3A_1280 : vector<16xi32> to vector<1x16xi32>
              tpu.vector_store %arg10[%swap3A_1282, %swap3A_1283], %swap3A_1286 {strides = array<i32>} : memref<2x16xi32, #tpu.memory_space<vmem>>, vector<1x16xi32>,
              %ge3A = arith.constant 10 : i32
              %ge3A_1287 = vector.broadcast %ge3A : i32 to vector<16xi32>
              %ge3A_1288 = arith.cmpi sge, %add3A_1280, %ge3A_1287 : vector<16xi32>
              %jit3A_1289 = arith.constant 1 : i32
              %jit3A_1290 = arith.constant 0 : i32
              %broadcast_in_dim3A_1291 = vector.broadcast %jit3A_1289 : i32 to vector<16xi32>
              %broadcast_in_dim3A_1292 = vector.broadcast %jit3A_1290 : i32 to vector<16xi32>
              %select_n3A_1293 = arith.select %ge3A_1288, %broadcast_in_dim3A_1291, %broadcast_in_dim3A_1292 : vector<16xi1>, vector<16xi32>
              %max3A_1294 = arith.maxsi %select_n3A_1165, %select_n3A_1293 : vector<16xi32>
              %swap3A_1295 = arith.constant 0 : i32
              %swap3A_1296 = arith.index_cast %swap3A_1295 : i32 to index
              %swap3A_1297 = arith.constant 0 : index
              %swap3A_1298 = tpu.vector_load %arg10[%swap3A_1296, %swap3A_1297] {strides = array<i32>} : memref<2x16xi32, #tpu.memory_space<vmem>>, vector<1x16xi32>,
              %swap3A_1299 = vector.shape_cast %swap3A_1298 : vector<1x16xi32> to vector<16xi32>
              %swap3A_1300 = vector.shape_cast %max3A_1294 : vector<16xi32> to vector<1x16xi32>
              tpu.vector_store %arg10[%swap3A_1296, %swap3A_1297], %swap3A_1300 {strides = array<i32>} : memref<2x16xi32, #tpu.memory_space<vmem>>, vector<1x16xi32>,
            } else {
            }
          }
          %scan3A_184 = arith.constant 256 : i32
        } else {
        }
      }
      %scan3A_168 = arith.constant 20 : i32
      "tpu.region"() ({
        %run_scoped3A = tpu.sem_alloc : memref<!tpu.dma_semaphore, #tpu.memory_space<semaphore_mem>>
        tpu.enqueue_dma source(%arg8 : memref<16x16xf32, #tpu.memory_space<vmem>>) target(%arg4 : memref<16x16xf32, #tpu.memory_space<hbm>>) target_semaphore(%run_scoped3A : memref<!tpu.dma_semaphore, #tpu.memory_space<semaphore_mem>>)
        tpu.wait_dma2 semaphore(%run_scoped3A : memref<!tpu.dma_semaphore, #tpu.memory_space<semaphore_mem>>) src(%arg8 : memref<16x16xf32, #tpu.memory_space<vmem>>) dst(%arg4 : memref<16x16xf32, #tpu.memory_space<hbm>>)
        tpu.yield
      }) : () -> ()
    } else {
    }
    return
  }
}

</mosaic_0001>

<sc_bundles>
// kernel: kernel.3.cloned.1.call-start
scs
__scs_entry_jumppad:
0x0: {  	(pc) =	sbr.rel $0x88, $3  }
0x1: {  	(tag) =	ssettag $0x0;
	lr =	simm.s32 $0x1  }
0x2: {  	[smem:$0x3F9F] =	sst lr;
	_ =	strace $0xD0000000  }
0x3: {  	_ = 	snop  }
0x4: {  	_ = 	snop  }
0x5: {  	_ = 	snop  }
0x6: {  	_ = 	snop  }
0x7: {  	_ = 	snop  }
__scs_overlays_trampoline_lowered:
0x8: {  	[smem:$0x3FAE] =	sst s0  }
0x9: {  	[smem:$0x3FAF] =	sst s1  }
0xa: {  	[smem:$0x3FB0] =	sst s2  }
0xb: {  	[smem:$0x3FB1] =	sst s3  }
0xc: {  	[smem:$0x3FB2] =	sst s4  }
0xd: {  	[smem:$0x3FB3] =	sst s5  }
0xe: {  	[smem:$0x3FB4] =	sst s6  }
0xf: {  	[smem:$0x3FB5] =	sst s7  }
0x10: {  	[smem:$0x3FB6] =	sst s8  }
0x11: {  	[smem:$0x3FB7] =	sst s9;
	s0 =	simm.s32 @!p0 $0x0  }
0x12: {  	s1 =	sld [smem:$0x3F9D];
	s0 =	simm.s32 @p0 $0x1  }
0x13: {  	[smem:$0x3FB8] =	sst s0;
	s0 =	simm.s32 @!p1 $0x0  }
0x14: {  	s2 =	sld [smem:$0x3F9C];
	s0 =	simm.s32 @p1 $0x1  }
0x15: {  	[smem:$0x3FB9] =	sst s0;
	s0 =	simm.s32 @!p2 $0x0  }
0x16: {  	s3 =	sld [smem:$0x3FDB];
	s0 =	simm.s32 @p2 $0x1  }
0x17: {  	s4 =	simm.s32 $0x1BF5;
	[smem:$0x3FBB] =	sst s0  }
0x18: {  	s0 =	sld [smem:$0x3F9E];
	_ =	swait.ge [sflag:s4], $0x0  }
0x19: {  	s7 =	sld [smem:$0x3F9F]  }
0x1a: {  	s8 =	sadd.s32 $0xFFFFE003, lr  }
0x1b: {  	s9 =	sadd.s32 $0xFFFFFEF7, lr;
	s5 =	simm.s32 $0xFFFFFFFF;
	p2 =	slt.u32 s8, $0xFFFFF086  }
0x1c: {  	p1 =	slt.u32 s9, $0xF7A;
	s5 =	simm.s32 @!p2 $0x0  }
0x1d: {  	s5 =	simm.s32 @p1 $0x1;
	p0 =	seq.s32 s7, s2  }
0x1e: {  	s7 =	smul.u32 @!p0 $0xF7A, s2;
	p2 =	seq.s32 @!p0 s5, $0x0  }
0x1f: {  	s9 =	smul.u32 $0xF7A, s1;
	s8 =	simm.s32 @!p0 $0x1BF5;
	p2 =	por !p2, p0  }
0x20: {  	[sflag:s8] =	ssyncset.s32 @!p0 $0xFFFFF086;
	s6 =	sadd.s32 @!p0 s3, s7;
	s7 =	simm.s32 @!p0 $0x108  }
0x21: {  	s3 =	sadd.s32 s3, s9;
	s6 =	sadd.s32 @!p0 $0x88, s6;
	s7 =	simm.s32 @p2 $0x1082  }
0x22: {  	[simem:s7], [sflag:s8] =	dma.local @!p0 [hbm:s6], $0xF7A  }
0x23: {  	s9 =	sor.u32 $0xD0000000, s2;
	s6 =	simm.s32 $0x108;
	_ =	swait.ge @!p0 [sflag:s8], $0x0  }
0x24: {  	s3 =	sadd.s32 $0x88, s3;
	s6 =	simm.s32 @!p1 $0x1082;
	[sflag:s4] =	ssyncset.s32 $0xFFFFF086  }
0x25: {  	[simem:s6], [sflag:s4] =	dma.local [hbm:s3], $0xF7A  }
0x26: {  	[smem:$0x3F9F] =	sst s1;
	(tag) =	ssettag s2;
	_ =	strace s9  }
0x27: {  	s1 =	sld [smem:$0x3FAF]  }
0x28: {  	s2 =	sld [smem:$0x3FB0]  }
0x29: {  	s4 =	sld [smem:$0x3FB2]  }
0x2a: {  	p0 =	seq.s32 s5, $0x0;
	s5 =	sld [smem:$0x3FB3]  }
0x2b: {  	s6 =	sld [smem:$0x3FB4]  }
0x2c: {  	s7 =	sld [smem:$0x3FB5]  }
0x2d: {  	s3 =	simm.s32 $0x108;
	s8 =	sld [smem:$0x3FB6]  }
0x2e: {  	s3 =	simm.s32 @!p0 $0x1082;
	s9 =	sld [smem:$0x3FB7]  }
0x2f: {  	lr =	sadd.s32 s0, s3;
	s0 =	sld [smem:$0x3FAE]  }
0x30: {  	s3 =	sld [smem:$0x3FB1]  }
0x31: {  	[smem:$0x3FBA] =	sst s10  }
0x32: {  	s10 =	sld [smem:$0x3FB8];
	_ =	sdelay $0x3  }
0x33: {  	p0 =	seq.s32 s10, $0x1;
	s10 =	sld [smem:$0x3FBA];
	_ =	sdelay $0x3  }
0x34: {  	[smem:$0x3FBA] =	sst s10  }
0x35: {  	s10 =	sld [smem:$0x3FB9];
	_ =	sdelay $0x3  }
0x36: {  	p1 =	seq.s32 s10, $0x1;
	s10 =	sld [smem:$0x3FBA];
	_ =	sdelay $0x3  }
0x37: {  	[smem:$0x3FBA] =	sst s10  }
0x38: {  	s10 =	sld [smem:$0x3FBB]  }
0x39: {  	_ = 	snop;
	(pc) =	sbr.ind lr, $3  }
0x3a: {  	_ = 	snop  }
0x3b: {  	_ = 	snop  }
0x3c: {  	p2 =	seq.s32 s10, $0x1;
	s10 =	sld [smem:$0x3FBA]  }
0x3d: {  	_ =	shalt  }
0x3e: {  	_ =	shalt  }
0x3f: {  	_ =	shalt  }
0x40: {  	_ =	shalt  }
0x41: {  	_ =	shalt  }
0x42: {  	_ =	shalt  }
0x43: {  	_ =	shalt  }
0x44: {  	_ =	shalt  }
0x45: {  	_ =	shalt  }
0x46: {  	_ =	shalt  }
0x47: {  	_ =	shalt  }
0x48: {  	_ =	shalt  }
0x49: {  	_ =	shalt  }
0x4a: {  	_ =	shalt  }
0x4b: {  	_ =	shalt  }
0x4c: {  	_ =	shalt  }
0x4d: {  	_ =	shalt  }
0x4e: {  	_ =	shalt  }
0x4f: {  	_ =	shalt  }
0x50: {  	_ =	shalt  }
0x51: {  	_ =	shalt  }
0x52: {  	_ =	shalt  }
0x53: {  	_ =	shalt  }
0x54: {  	_ =	shalt  }
0x55: {  	_ =	shalt  }
0x56: {  	_ =	shalt  }
0x57: {  	_ =	shalt  }
0x58: {  	_ =	shalt  }
0x59: {  	_ =	shalt  }
0x5a: {  	_ =	shalt  }
0x5b: {  	_ =	shalt  }
0x5c: {  	_ =	shalt  }
0x5d: {  	_ =	shalt  }
0x5e: {  	_ =	shalt  }
0x5f: {  	_ =	shalt  }
0x60: {  	_ =	shalt  }
0x61: {  	_ =	shalt  }
0x62: {  	_ =	shalt  }
0x63: {  	_ =	shalt  }
0x64: {  	_ =	shalt  }
0x65: {  	_ =	shalt  }
0x66: {  	_ =	shalt  }
0x67: {  	_ =	shalt  }
0x68: {  	_ =	shalt  }
0x69: {  	_ =	shalt  }
0x6a: {  	_ =	shalt  }
0x6b: {  	_ =	shalt  }
0x6c: {  	_ =	shalt  }
0x6d: {  	_ =	shalt  }
0x6e: {  	_ =	shalt  }
0x6f: {  	_ =	shalt  }
0x70: {  	_ =	shalt  }
0x71: {  	_ =	shalt  }
0x72: {  	_ =	shalt  }
0x73: {  	_ =	shalt  }
0x74: {  	_ =	shalt  }
0x75: {  	_ =	shalt  }
0x76: {  	_ =	shalt  }
0x77: {  	_ =	shalt  }
0x78: {  	_ =	shalt  }
0x79: {  	_ =	shalt  }
0x7a: {  	_ =	shalt  }
0x7b: {  	_ =	shalt  }
0x7c: {  	_ =	shalt  }
0x7d: {  	_ =	shalt  }
0x7e: {  	_ =	shalt  }
0x7f: {  	_ =	shalt  }
0x80: {  	_ =	shalt  }
0x81: {  	_ =	shalt  }
0x82: {  	_ =	shalt  }
0x83: {  	_ =	shalt  }
0x84: {  	_ =	shalt  }
0x85: {  	_ =	shalt  }
0x86: {  	_ =	shalt  }
0x87: {  	_ =	shalt  }
.Lfunc_end0:
.L_simem_size_0:
called_computation_lowered:
.L_overlay_start_0:
0x88: {  	s2 =	sld [smem:$0x3FD9]  }
0x89: {  	s3 =	sld [smem:$0x3FFE];
	_ =	sdelay $0x1  }
0x8a: {  	s1 =	srdreg.scid  }
0x8b: {  	s0 =	sand.u32 $0x1, s1  }
0x8c: {  	s16 =	sshll.u32 s0, $0xA;
	s2 =	sadd.s32 s3, s2  }
0x8d: {  	s2 =	sadd.s32 s2, s16  }
0x8e: {  	[smem:$0x3FC6] =	sst s2  }
0x8f: {  	_ = 	snop  }
0x90: {  	(tm) =	ssettm $0x1  }
0x91: {  	s17 =	sld [smem:$0x3FFB];
	_ =	sdelay $0x3  }
0x92: {  	_ =	strace s17  }
0x93: {  	s2 =	sld [smem:$0x3FFC];
	_ =	sdelay $0x3  }
0x94: {  	_ =	strace s2  }
0x95: {  	s2 =	sld [smem:$0x3FFD];
	_ =	sdelay $0x3  }
0x96: {  	_ =	strace s2  }
0x97: {  	_ =	strace $0x8FFFFFFF  }
0x98: {  	s18 =	sld [smem:$0x3FDB];
	_ =	sdelay $0x1  }
0x99: {  	s19 =	simm.s32 $_scs_section_size  }
0x9a: {  	s4 =	simm.s32 $_size__tile_overlayer_lowered;
	s5 =	simm.s32 $_tile_overlayer_lowered  }
0x9b: {  	s22 =	simm.s32 $0x1BFF;
	s21 =	sshll.u32 s5, $0x1;
	s2 =	sadd.s32 s19, s18  }
0x9c: {  	s6 =	simm.s32 $0x0;
	s20 =	sshll.u32 s4, $0x1;
	s4 =	sadd.s32 s21, s2  }
0x9d: {  	[timem:s6], [sflag:s22] =	dma.local [hbm:s4], s20  }
0x9e: {  	_ =	swait.ge [sflag:s22], s20  }
0x9f: {  	s3 =	ssub.s32 $0x0, s20;
	[sflag:s22] =	ssyncset.done $0x0  }
0xa0: {  	[sflag:s22] =	ssyncadd.s32 s3;
	_ =	sdelay $0x1  }
0xa1: {  	s23 =	simm.s32 $0x1B8B  }
0xa2: {  	_ =	swait.ge [sflag:s23], $0x1  }
0xa3: {  	[sflag:s23] =	ssyncset.done $0x0  }
0xa4: {  	s25 =	simm.s32 $0x1B8E;
	s24 =	sld [smem:$0x3FFE];
	[sflag:s23] =	ssyncadd.s32 $0xFFFFFFFF  }
0xa5: {  	s26 =	simm.s32 $execute0_lowered;
	[smem:$0x3FD2] =	sst s25  }
0xa6: {  	s4 =	sshll.u32 s26, $0x1;
	_ =	strace $0x80000046;
	[dreg:$0x1] =	wrdreg $0xFFFFFFFF  }
0xa7: {  	s28 =	simm.s32 $_size_execute0_lowered;
	s2 =	sadd.s32 s2, s4;
	[dreg:$0x0] =	wrdreg $0x0  }
0xa8: {  	s4 =	sshll.u32 s28, $0x1;
	[dreg:$0x2] =	wrdreg s2  }
0xa9: {  	[dreg:$0x3] =	wrdreg s4  }
0xaa: {  	[dreg:$0x4] =	wrdreg $0xC0  }
0xab: {  	_ =	task [dreg:s6], $0x5FFFF  }
0xac: {  	[dreg:$0x1] =	wrdreg $0xFFFFFFFF  }
0xad: {  	[dreg:$0x0] =	wrdreg $0x60  }
0xae: {  	[dreg:$0x2] =	wrdreg s24  }
0xaf: {  	[dreg:$0x3] =	wrdreg $0x9  }
0xb0: {  	_ =	task.clear_ibuf [dreg:s6], $0x4FFFF;
	_ =	strace $0x90000046  }
0xb1: {  	s29 =	simm.s32 $0x9;
	_ =	strace $0x80000048  }
0xb2: {  	_ =	swait.ge [sflag:s29], $0x1  }
0xb3: {  	[sflag:s29] =	ssyncadd.s32 $0xFFFFFFFF  }
0xb4: {  	_ =	strace $0x90000048  }
0xb5: {  	_ =	sfence  }
0xb6: {  	s30 =	sld [smem:$0x0];
	_ =	sdelay $0x2  }
0xb7: {  	s31 =	sshll.u32 s1, $0xD;
	s1 =	sshrl.u32 s1, $0x2  }
0xb8: {  	s3 =	sand.u32 $0x4000, s31;
	s1 =	sadd.s32 s1, s30  }
0xb9: {  	s0 =	sor.u32 s3, s0;
	s1 =	sshll.u32 s1, $0x11  }
0xba: {  	s0 =	sor.u32 s1, s0  }
0xbb: {  	s0 =	sadd.s32 $0x8F2B, s0  }
0xbc: {  	[sflag:s0] =	ssyncadd.remote.s32 $0x1  }
0xbd: {  	_ =	sfence.sel $0xFFFF  }
0xbe: {  	[dreg:$0x0] =	wrdreg $0xFFFFFFFF;
	(pc) =	sbr.abs _section_cstart, $3  }
0xbf: {  	[dreg:$0x1] =	wrdreg $0xFFFFFFFF  }
0xc0: {  	_ =	task.clear_ibuf [dreg:s6], $0x2FFFF;
	_ =	strace $0x9FFFFFFF  }
0xc1: {  	(tm) =	ssettm $0x7FFFFFFF  }
tec
execute0_lowered:
.L_overlay_start_1:
0x0: {  	(tag) =	ssettag $0x1  }
0x1: {  	s1 =	srdreg.scid  }
0x2: {  	s2 =	stileid.u32;
	s1 =	sand.u32 $0x1, s1  }
0x3: {  	s3 =	sor.u32 s2, s1  }
0x4: {  	p0 =	sne.s32 s3, $0x0  }
.Ltmp0:
0x5: {  	_ = 	snop;
	(pc) =	sbr.rel @!p0 .LBB2_1-.Ltmp0, $4  }
0x6: {  	_ = 	snop  }
0x7: {  	s4 =	simm.s32 $0x0  }
0x8: {  	[smem:$0x7FF] =	sst s4  }
0x9: {  	s0 =	rddreg [dreg:$0x0];
	_ =	strace $0x80000047  }
.LBB2_18:
0xa: {  	_ =	sfence.sel $0x180000  }
0xb: {  	[bflag:$0x0] =	sbarrier.arrive $0xFFFF  }
0xc: {  	_ =	strace $0x90000047  }
0xd: {  	s0 =	stileid.u32;
	[bflag:$0x2] =	sbarrier.arrive $0xFFFF  }
0xe: {  	p0 =	sne.s32 s0, $0x0;
	s0 =	rddreg [dreg:$0x1]  }
0xf: {  	s0 =	sadd.s32 @!p0 $0x100000, s0  }
0x10: {  	[sflag:s0] =	ssyncadd.tile.s32 @!p0 $0x1;
	_ =	shalt  }
.LBB2_1:
0x11: {  	v0 =	vimm.s32 $0xEFCDAB89  }
0x12: {  	v1 =	vimm.s32 $0x67452301;
	v2 =	vimm.s32 $0xDCFE98BA;
	v3 =	vimm.s32 $0x54761032  }
0x13: {  	v4 =	vimm.s32 $0xBA98FEDC;
	v5 =	vimm.s32 $0x32107654;
	v6 =	vimm.s32 $0xFEDCBA98  }
0x14: {  	v7 =	vimm.s32 $0x76543210;
	vm0 =	vmmov $0x1;
	vm1 =	vcmask $0x308  }
0x15: {  	vm2 =	vcmask $0x70C;
	vm3 =	vcmask $0xB10;
	vm4 =	vcmask $0xF14  }
0x16: {  	v0 =	vunpack.c.l.s4.s8 v0;
	v1 =	vunpack.c.l.s4.s8 v1;
	v2 =	vunpack.c.l.s4.s8 v2  }
0x17: {  	v3 =	vunpack.c.l.s4.s8 v3;
	v4 =	vunpack.c.l.s4.s8 v4;
	v5 =	vunpack.c.l.s4.s8 v5  }
0x18: {  	v6 =	vunpack.c.l.s4.s8 v6;
	v7 =	vunpack.c.l.s4.s8 v7;
	v0 =	vunpack.c.0.s8.s32 v0  }
0x19: {  	v1 =	vunpack.c.0.s8.s32 v1;
	v2 =	vunpack.c.0.s8.s32 v2;
	v3 =	vunpack.c.0.s8.s32 v3  }
.Ltmp1:
0x1a: {  	v4 =	vunpack.c.0.s8.s32 v4;
	v5 =	vunpack.c.0.s8.s32 v5;
	v6 =	vunpack.c.0.s8.s32 v6;
	(pc) =	sbr.rel .LBB2_2-.Ltmp1, $4  }
0x1b: {  	s1 =	ssub.s32 $0x2, s1;
	s2 =	sadd.s32 $0x5600, s0;
	v8 =	vcombine.low v1, v0;
	v3 =	vcombine.low v3, v2;
	v0 =	vimm.f32 $0.0e+00  }
0x1c: {  	s30 =	sadd.s32 $0x6A00, s0;
	[dreg:$0x2] =	wrdreg s2;
	s3 =	sshrl.u32 s1, $0x1;
	v4 =	vcombine.low v5, v4;
	v5 =	vunpack.c.0.s8.s32 v7;
	v1 =	vimm.s32 $0x0  }
0x1d: {  	s4 =	sadd.s32 $0x600, s0;
	[dreg:$0x3] =	wrdreg s30;
	s31 =	ssub.s32 s1, s3;
	v6 =	vand.u32 $0xF, v6;
	v2 =	vand.u32 $0xF, v8;
	v3 =	vand.u32 $0xF, v3  }
0x1e: {  	s7 =	simm.s32 $0x1;
	s1 =	simm.s32 $0x0;
	[dreg:$0x4] =	wrdreg s31;
	v4 =	vand.u32 $0xF, v4;
	v5 =	vcombine.low v6, v5;
	v6 =	vlaneseq.u32  }
.LBB2_17:
0x1f: {  	s0 =	simm.s32 $0x0;
	s1 =	rddreg [dreg:$0x3];
	s2 =	simm.s32 $0xAE00  }
0x20: {  	[hbm4b:s1+s0] =	stream.linear.scatter [tilespmem:s2], [sflag:$0x1], $0x800, $0x38;
	[tilespmem:$0xBB00] =	vst v63  }
0x21: {  	_ =	swait.ge [sflag:s7], $0x800  }
0x22: {  	s30 =	rddreg [dreg:$0x5]  }
0x23: {  	s31 =	rddreg [dreg:$0x4];
	s1 =	sadd.s32 $0x1, s30  }
0x24: {  	p0 =	sne.s32 s1, s31  }
.Ltmp2:
0x25: {  	_ = 	snop;
	(pc) =	sbr.rel @!p0 .LBB2_18-.Ltmp2, $3  }
0x26: {  	_ =	sdelay $0x1  }
0x27: {  	[sflag:s7] =	ssyncset.done $0x0  }
0x28: {  	[sflag:s7] =	ssyncadd.s32 $0xFFFFF800  }
.LBB2_2:
0x29: {  	[dreg:$0x5] =	wrdreg s1  }
0x2a: {  	s11 =	simm.s32 $0x0;
	s0 =	rddreg [dreg:$0x2]  }
0x2b: {  	[tilespmem:s11], [sflag:$0x1] =	stream.linear.gather [hbm4b:s0+s11], $0xA000, $0x38;
	[tilespmem:$0xBB00] =	vst v63  }
0x2c: {  	_ =	swait.ge [sflag:s7], $0xA000  }
0x2d: {  	[sflag:s7] =	ssyncset.done $0x0  }
0x2e: {  	[sflag:s7] =	ssyncadd.s32 $0xFFFF6000  }
0x2f: {  	[tilespmem:$0xAE00] =	vst v0  }
0x30: {  	[tilespmem:$0xAE80] =	vst v0  }
0x31: {  	[tilespmem:$0xAF00] =	vst v0  }
0x32: {  	[tilespmem:$0xAF80] =	vst v0  }
0x33: {  	[tilespmem:$0xB000] =	vst v0  }
0x34: {  	[tilespmem:$0xB080] =	vst v0  }
0x35: {  	[tilespmem:$0xB100] =	vst v0  }
0x36: {  	[tilespmem:$0xB180] =	vst v0  }
0x37: {  	[tilespmem:$0xB200] =	vst v0  }
0x38: {  	[tilespmem:$0xB280] =	vst v0  }
0x39: {  	[tilespmem:$0xB300] =	vst v0  }
0x3a: {  	[tilespmem:$0xB380] =	vst v0  }
0x3b: {  	[tilespmem:$0xB400] =	vst v0  }
0x3c: {  	[tilespmem:$0xB480] =	vst v0  }
0x3d: {  	[tilespmem:$0xB500] =	vst v0  }
0x3e: {  	[tilespmem:$0xB580] =	vst v0  }
0x3f: {  	[tilespmem:$0xB600] =	vst v0  }
0x40: {  	[tilespmem:$0xB680] =	vst v0  }
0x41: {  	[tilespmem:$0xB700] =	vst v0  }
0x42: {  	[tilespmem:$0xB780] =	vst v0  }
0x43: {  	[tilespmem:$0xB800] =	vst v0  }
0x44: {  	[tilespmem:$0xB880] =	vst v0  }
0x45: {  	[tilespmem:$0xBA00] =	vst v1  }
0x46: {  	s13 =	simm.s32 $0x400;
	[tilespmem:$0xBA80] =	vst v1  }
0x47: {  	v7 =	vld [tilespmem:s13+$0xFFFFFC80]  }
0x48: {  	s12 =	simm.s32 $0x0;
	s0 =	simm.s32 $0x200;
	v8 =	vld [tilespmem:s13+$0xFFFFFC00]  }
.LBB2_3:
0x49: {  	p0 =	sne.s32 s0, $0x2600;
	v9 =	vld [tilespmem:s13+$0xFFFFFD00]  }
0x4a: {  	v10 =	vld [tilespmem:s13+$0xFFFFFD80]  }
0x4b: {  	v11 =	vld [tilespmem:s13+$0xFFFFFE00]  }
0x4c: {  	v12 =	vld [tilespmem:s13+$0xFFFFFE80]  }
0x4d: {  	v7 =	vmax.f32 v8, v7;
	v8 =	vld [tilespmem:s13+$0xFFFFFF00]  }
0x4e: {  	v7 =	vmax.f32 v7, v9;
	v9 =	vld [tilespmem:s13+$0xFFFFFF80]  }
0x4f: {  	v7 =	vmax.f32 v7, v10;
	v10 =	vld [tilespmem:s13+$0x0]  }
0x50: {  	v7 =	vmax.f32 v7, v11;
	v11 =	vld [tilespmem:s13+$0x80]  }
0x51: {  	v7 =	vmax.f32 v7, v12;
	v12 =	vld [tilespmem:s13+$0x100]  }
0x52: {  	v7 =	vmax.f32 v7, v8;
	v8 =	vld [tilespmem:s13+$0x180]  }
0x53: {  	v7 =	vmax.f32 v7, v9;
	v9 =	vld [tilespmem:s13+$0x200]  }
0x54: {  	v7 =	vmax.f32 v7, v10;
	v10 =	vld [tilespmem:s13+$0x280]  }
0x55: {  	v7 =	vmax.f32 v7, v11;
	v11 =	vld [tilespmem:s13+$0x300]  }
0x56: {  	v7 =	vmax.f32 v7, v12;
	v12 =	vld [tilespmem:s13+$0x380]  }
0x57: {  	v7 =	vmax.f32 v7, v8  }
0x58: {  	v7 =	vmax.f32 v7, v9  }
0x59: {  	v7 =	vmax.f32 v7, v10  }
.Ltmp3:
0x5a: {  	v7 =	vmax.f32 v7, v11;
	(pc) =	sbr.rel @p0 .LBB2_3-.Ltmp3, $4  }
0x5b: {  	s1 =	sshra.s32 s12, $0x2;
	s12 =	smov.u32 s0;
	v7 =	vmax.f32 v7, v12  }
0x5c: {  	s13 =	sadd.s32 $0x800, s13;
	[tilespmem:s1+$0xA200] =	vst v7  }
0x5d: {  	v7 =	vld [tilespmem:s13+$0xFFFFFC80]  }
0x5e: {  	s0 =	sadd.s32 $0x200, s0;
	v8 =	vld [tilespmem:s13+$0xFFFFFC00]  }
0x5f: {  	v9 =	vld [tilespmem:s13+$0xFFFFFD00]  }
0x60: {  	v10 =	vld [tilespmem:s13+$0xFFFFFD80]  }
0x61: {  	v11 =	vld [tilespmem:s13+$0xFFFFFE00]  }
0x62: {  	v12 =	vld [tilespmem:s13+$0xFFFFFE80]  }
0x63: {  	v7 =	vmax.f32 v8, v7;
	v8 =	vld [tilespmem:s13+$0xFFFFFF00]  }
0x64: {  	v56 =	vld [tilespmem:s13+$0xFFFFFF80];
	v7 =	vmax.f32 v7, v9  }
0x65: {  	v57 =	vld [tilespmem:s13+$0x0];
	v7 =	vmax.f32 v7, v10  }
0x66: {  	v58 =	vld [tilespmem:s13+$0x80];
	v7 =	vmax.f32 v7, v11  }
0x67: {  	v59 =	vld [tilespmem:s13+$0x100];
	v7 =	vmax.f32 v7, v12  }
0x68: {  	v7 =	vmax.f32 v7, v8;
	v8 =	vld [tilespmem:s13+$0x180]  }
0x69: {  	v60 =	vld [tilespmem:s13+$0x200];
	v7 =	vmax.f32 v7, v56  }
0x6a: {  	v61 =	vld [tilespmem:s13+$0x280];
	v7 =	vmax.f32 v7, v57  }
0x6b: {  	v62 =	vld [tilespmem:s13+$0x300];
	v7 =	vmax.f32 v7, v58  }
0x6c: {  	v63 =	vld [tilespmem:s13+$0x380];
	v7 =	vmax.f32 v7, v59  }
0x6d: {  	v7 =	vmax.f32 v7, v8  }
.Ltmp4:
0x6e: {  	v7 =	vmax.f32 v7, v60;
	(pc) =	sbr.rel .LBB2_5-.Ltmp4, $4  }
0x6f: {  	v7 =	vmax.f32 v7, v61  }
0x70: {  	v7 =	vmax.f32 v7, v62  }
0x71: {  	s0 =	sshra.s32 s12, $0x2;
	v7 =	vmax.f32 v7, v63  }
0x72: {  	[tilespmem:s0+$0xA200] =	vst v7  }
.LBB2_8:
0x73: {  	vm5 =	vgt.f32 v8, v11  }
0x74: {  	v12 =	vld [tilespmem:s0+$0xFFFFFF80];
	v8 =	vsel vm5, v8, v11  }
0x75: {  	vm6 =	vgt.f32 v7, v8  }
0x76: {  	v32 =	vld [tilespmem:s0+$0x0];
	v7 =	vsel vm6, v7, v8  }
0x77: {  	vm7 =	vgt.f32 v9, v7  }
0x78: {  	v8 =	vld [tilespmem:s0+$0x80];
	v7 =	vsel vm7, v9, v7  }
0x79: {  	vm8 =	vgt.f32 v12, v7  }
0x7a: {  	v33 =	vld [tilespmem:s0+$0x100];
	v7 =	vsel vm8, v12, v7  }
0x7b: {  	vm9 =	vgt.f32 v32, v7  }
0x7c: {  	v7 =	vsel vm9, v32, v7  }
0x7d: {  	vm10 =	vgt.f32 v8, v7  }
0x7e: {  	v7 =	vsel vm10, v8, v7  }
0x7f: {  	vm11 =	vgt.f32 v33, v7  }
0x80: {  	v8 =	vsel vm11, v33, v7  }
0x81: {  	v7 =	vperm.xlane v8, v2;
	_ =	sdelay $0x1  }
0x82: {  	v7 =	vmax.f32 v8, v7  }
0x83: {  	v34 =	vperm.xlane v7, v3;
	_ =	sdelay $0x1  }
0x84: {  	s8 =	sadd.s32 $0x3, s12;
	v7 =	vmax.f32 v7, v34  }
0x85: {  	s9 =	sadd.s32 $0x4, s12;
	v35 =	vsel vm5, s8, v10;
	v36 =	vperm.xlane v7, v4  }
0x86: {  	v9 =	vsel vm6, s9, v35  }
0x87: {  	s10 =	sadd.s32 $0x1, s13;
	v9 =	vsel vm7, s13, v9;
	v7 =	vmax.f32 v7, v36  }
0x88: {  	s12 =	sadd.s32 $0x2, s13;
	v9 =	vsel vm8, s10, v9;
	v10 =	vperm.xlane v7, v5  }
0x89: {  	s14 =	sadd.s32 $0x3, s13;
	v9 =	vsel vm9, s12, v9  }
0x8a: {  	s15 =	sadd.s32 $0x4, s13;
	v9 =	vsel vm10, s14, v9;
	v7 =	vmax.f32 v7, v10  }
0x8b: {  	v9 =	vsel vm11, s15, v9;
	vm5 =	veq.f32 v8, v7  }
0x8c: {  	v8 =	vnsel vm5, $0x40000000, v9  }
0x8d: {  	v9 =	vperm.xlane v8, v2;
	_ =	sdelay $0x1  }
0x8e: {  	vm5 =	vlt.s32 v8, v9  }
0x8f: {  	v8 =	vsel vm5, v8, v9  }
0x90: {  	v9 =	vperm.xlane v8, v3;
	_ =	sdelay $0x1  }
0x91: {  	vm5 =	vlt.s32 v8, v9  }
0x92: {  	v8 =	vsel vm5, v8, v9  }
0x93: {  	v9 =	vperm.xlane v8, v4;
	_ =	sdelay $0x1  }
0x94: {  	vm5 =	vlt.s32 v8, v9  }
0x95: {  	v8 =	vsel vm5, v8, v9  }
0x96: {  	v9 =	vperm.xlane v8, v5;
	_ =	sdelay $0x1  }
0x97: {  	vm5 =	vlt.s32 v8, v9  }
0x98: {  	v8 =	vsel vm5, v8, v9  }
0x99: {  	(v2sf) =	vpush v8, $0x0;
	_ =	sdelay $0xe  }
0x9a: {  	s12 =	spop (v2sf)  }
0x9b: {  	s16 =	sshll.u32 s12, $0xD  }
0x9c: {  	s28 =	sshll.u32 s12, $0x4;
	s13 =	sshra.s32 s16, $0x2  }
0x9d: {  	s6 =	sor.u32 $0x1, s28;
	v8 =	vld [tilespmem:s13+$0x0]  }
0x9e: {  	s17 =	sshll.u32 s6, $0x9  }
0x9f: {  	s3 =	sor.u32 $0x2, s28;
	s14 =	sshra.s32 s17, $0x2  }
0xa0: {  	s18 =	sshll.u32 s3, $0x9;
	v37 =	vld [tilespmem:s14+$0x0]  }
0xa1: {  	s25 =	sor.u32 $0x3, s28;
	s15 =	sshra.s32 s18, $0x2  }
0xa2: {  	s19 =	sshll.u32 s25, $0x9;
	v38 =	vld [tilespmem:s15+$0x0];
	vm5 =	vlt.f32 v8, $-Inf;
	vm6 =	vgt.f32 v8, $-Inf  }
0xa3: {  	s26 =	sor.u32 $0x4, s28;
	s16 =	sshra.s32 s19, $0x2;
	vm7 =	vmor vm6, vm5  }
0xa4: {  	s20 =	sshll.u32 s26, $0x9;
	v39 =	vld [tilespmem:s16+$0x0];
	v8 =	vnsel vm7, $0xFF800000, v8  }
0xa5: {  	s29 =	sor.u32 $0x5, s28;
	s17 =	sshra.s32 s20, $0x2;
	vm8 =	vgt.f32 v37, v8  }
0xa6: {  	s21 =	sshll.u32 s29, $0x9;
	v40 =	vld [tilespmem:s17+$0x0];
	v8 =	vsel vm8, v37, v8  }
0xa7: {  	s30 =	sor.u32 $0x6, s28;
	s18 =	sshra.s32 s21, $0x2;
	vm9 =	vgt.f32 v38, v8  }
0xa8: {  	s22 =	sshll.u32 s30, $0x9;
	v41 =	vld [tilespmem:s18+$0x0];
	v8 =	vsel vm9, v38, v8  }
0xa9: {  	s31 =	sor.u32 $0x7, s28;
	s19 =	sshra.s32 s22, $0x2;
	vm5 =	vgt.f32 v39, v8  }
0xaa: {  	s23 =	sshll.u32 s31, $0x9;
	v42 =	vld [tilespmem:s19+$0x0];
	v8 =	vsel vm5, v39, v8  }
0xab: {  	s0 =	sor.u32 $0x8, s28;
	s20 =	sshra.s32 s23, $0x2;
	vm10 =	vgt.f32 v40, v8  }
0xac: {  	s1 =	sshll.u32 s0, $0x9;
	v43 =	vld [tilespmem:s20+$0x0];
	v8 =	vsel vm10, v40, v8  }
0xad: {  	s21 =	sshra.s32 s1, $0x2;
	s1 =	sor.u32 $0x9, s28;
	vm11 =	vgt.f32 v41, v8  }
0xae: {  	v44 =	vld [tilespmem:s21+$0x0];
	s5 =	sshll.u32 s1, $0x9;
	v8 =	vsel vm11, v41, v8  }
0xaf: {  	s9 =	sor.u32 $0xA, s28;
	s22 =	sshra.s32 s5, $0x2;
	vm12 =	vgt.f32 v42, v8  }
0xb0: {  	s24 =	sshll.u32 s9, $0x9;
	v45 =	vld [tilespmem:s22+$0x0];
	v8 =	vsel vm12, v42, v8  }
0xb1: {  	s23 =	sshra.s32 s24, $0x2;
	s5 =	sor.u32 $0xB, s28;
	vm6 =	vgt.f32 v43, v8  }
0xb2: {  	s24 =	sshll.u32 s12, $0x8;
	v46 =	vld [tilespmem:s23+$0x0];
	s10 =	sshll.u32 s5, $0x9;
	v8 =	vsel vm6, v43, v8  }
0xb3: {  	s6 =	sshll.u32 s6, $0x4;
	v47 =	vor.u32 s24, v6;
	s24 =	sshra.s32 s10, $0x2;
	s10 =	sor.u32 $0xC, s28;
	vm13 =	vgt.f32 v44, v8  }
0xb4: {  	s3 =	sshll.u32 s3, $0x4;
	v13 =	vor.u32 s6, v6;
	v48 =	vld [tilespmem:s24+$0x0];
	s2 =	sshll.u32 s10, $0x9;
	v12 =	vnsel vm7, $0x0, v47;
	v8 =	vsel vm13, v44, v8  }
0xb5: {  	s8 =	sshll.u32 s25, $0x4;
	v49 =	vor.u32 s3, v6;
	s6 =	sor.u32 $0xD, s28;
	s25 =	sshra.s32 s2, $0x2;
	v12 =	vsel vm8, v13, v12;
	vm7 =	vgt.f32 v45, v8  }
0xb6: {  	v50 =	vor.u32 s8, v6;
	s8 =	sshll.u32 s6, $0x9;
	s2 =	sshll.u32 s26, $0x4;
	v51 =	vld [tilespmem:s25+$0x0];
	v12 =	vsel vm9, v49, v12;
	v8 =	vsel vm7, v45, v8  }
0xb7: {  	s29 =	sshll.u32 s29, $0x4;
	s26 =	sshra.s32 s8, $0x2;
	v14 =	vor.u32 s2, v6;
	s2 =	sor.u32 $0xE, s28;
	v12 =	vsel vm5, v50, v12;
	vm5 =	vgt.f32 v46, v8  }
0xb8: {  	v52 =	vor.u32 s29, v6;
	s8 =	sshll.u32 s30, $0x4;
	v53 =	vld [tilespmem:s26+$0x0];
	s28 =	sshll.u32 s2, $0x9;
	v12 =	vsel vm10, v14, v12;
	v8 =	vsel vm5, v46, v8  }
0xb9: {  	s29 =	sshll.u32 s31, $0x4;
	s30 =	sshllo.u32 s12, $0x4;
	v54 =	vor.u32 s8, v6;
	s28 =	sshra.s32 s28, $0x2;
	v12 =	vsel vm11, v52, v12;
	vm15 =	vgt.f32 v48, v8  }
0xba: {  	s0 =	sshll.u32 s0, $0x4;
	v55 =	vor.u32 s29, v6;
	s31 =	sshll.u32 s30, $0x9;
	v56 =	vld [tilespmem:s28+$0x0];
	v12 =	vsel vm12, v54, v12;
	v8 =	vsel vm15, v48, v8  }
0xbb: {  	v57 =	vor.u32 s0, v6;
	s1 =	sshll.u32 s1, $0x4;
	s29 =	sshra.s32 s31, $0x2;
	v12 =	vsel vm6, v55, v12;
	vm6 =	vgt.f32 v51, v8  }
0xbc: {  	v58 =	vor.u32 s1, v6;
	s8 =	sshll.u32 s9, $0x4;
	v59 =	vld [tilespmem:s29+$0x0];
	v12 =	vsel vm13, v57, v12;
	v8 =	vsel vm6, v51, v8  }
0xbd: {  	s9 =	sshll.u32 s5, $0x4;
	v60 =	vor.u32 s8, v6;
	v12 =	vsel vm7, v58, v12;
	vm7 =	vgt.f32 v53, v8  }
0xbe: {  	v61 =	vor.u32 s9, v6;
	s31 =	sshll.u32 s10, $0x4;
	v12 =	vsel vm5, v60, v12;
	v8 =	vsel vm7, v53, v8  }
0xbf: {  	s1 =	sshll.u32 s6, $0x4;
	v62 =	vor.u32 s31, v6;
	v12 =	vsel vm15, v61, v12;
	vm5 =	vgt.f32 v56, v8  }
0xc0: {  	v63 =	vor.u32 s1, v6;
	s2 =	sshll.u32 s2, $0x4;
	v9 =	vsel vm6, v62, v12;
	v8 =	vsel vm5, v56, v8  }
0xc1: {  	s3 =	sshll.u32 s30, $0x4;
	v15 =	vor.u32 s2, v6;
	v9 =	vsel vm7, v63, v9;
	vm6 =	vgt.f32 v59, v8  }
0xc2: {  	v16 =	vor.u32 s3, v6;
	v9 =	vsel vm5, v15, v9;
	v8 =	vsel vm6, v59, v8  }
0xc3: {  	v9 =	vsel vm6, v16, v9;
	vm5 =	veq.f32 v8, v7  }
0xc4: {  	v8 =	vnsel vm5, $0x40000000, v9  }
0xc5: {  	v9 =	vperm.xlane v8, v2;
	_ =	sdelay $0x1  }
0xc6: {  	vm5 =	vlt.s32 v8, v9  }
0xc7: {  	v8 =	vsel vm5, v8, v9  }
0xc8: {  	v9 =	vperm.xlane v8, v3;
	_ =	sdelay $0x1  }
0xc9: {  	vm5 =	vlt.s32 v8, v9  }
0xca: {  	v8 =	vsel vm5, v8, v9  }
0xcb: {  	v9 =	vperm.xlane v8, v4;
	_ =	sdelay $0x1  }
0xcc: {  	vm5 =	vlt.s32 v8, v9  }
0xcd: {  	v8 =	vsel vm5, v8, v9  }
0xce: {  	v9 =	vperm.xlane v8, v5;
	_ =	sdelay $0x1  }
0xcf: {  	vm5 =	vlt.s32 v8, v9  }
0xd0: {  	v8 =	vsel vm5, v8, v9  }
0xd1: {  	(v2sf) =	vpush v8, $0x0;
	_ =	sdelay $0xe  }
0xd2: {  	s5 =	spop (v2sf)  }
0xd3: {  	s6 =	sshll.u32 s5, $0x5  }
0xd4: {  	s1 =	sshra.s32 s6, $0x2  }
0xd5: {  	s1 =	sand.u32 $0xFFFFFF80, s1  }
0xd6: {  	v8 =	vld [tilespmem:s1+$0x0];
	_ =	sdelay $0x1  }
0xd7: {  	s8 =	sand.u32 $0xF, s5  }
0xd8: {  	v17 =	vmov s8  }
0xd9: {  	s0 =	sshll.u32 s5, $0x2;
	vm5 =	veq.s32 v17, v6  }
0xda: {  	s0 =	sand.u32 $0x1FFFFFC0, s0;
	v8 =	vsel vm5, $0xFF800000, v8  }
0xdb: {  	s9 =	simm.s32 $0x0;
	s10 =	simm.s32 $0xA000;
	s0 =	sadd.s32 s4, s0;
	[tilespmem:s1+$0x0] =	vst v8  }
0xdc: {  	[tilespmem:s10], [sflag:$0x1] =	stream.linear.gather [hbm4b:s0+s9], $0x200, $0x38;
	[tilespmem:$0xBB00] =	vst v63  }
0xdd: {  	_ =	swait.ge [sflag:s7], $0x200  }
0xde: {  	[sflag:s7] =	ssyncset.done $0x0  }
0xdf: {  	[sflag:s7] =	ssyncadd.s32 $0xFFFFFE00  }
0xe0: {  	v8 =	vld [tilespmem:s13+$0x0]  }
0xe1: {  	v18 =	vld [tilespmem:s14+$0x0]  }
0xe2: {  	v19 =	vld [tilespmem:s15+$0x0]  }
0xe3: {  	v20 =	vld [tilespmem:s16+$0x0]  }
0xe4: {  	v21 =	vld [tilespmem:s17+$0x0]  }
0xe5: {  	v22 =	vld [tilespmem:s18+$0x0]  }
0xe6: {  	v23 =	vld [tilespmem:s19+$0x0];
	v8 =	vmax.f32 v8, v18  }
0xe7: {  	v24 =	vld [tilespmem:s20+$0x0];
	v8 =	vmax.f32 v8, v19  }
0xe8: {  	v25 =	vld [tilespmem:s21+$0x0];
	v8 =	vmax.f32 v8, v20  }
0xe9: {  	v26 =	vld [tilespmem:s22+$0x0];
	v8 =	vmax.f32 v8, v21  }
0xea: {  	v27 =	vld [tilespmem:s23+$0x0];
	v8 =	vmax.f32 v8, v22  }
0xeb: {  	v28 =	vld [tilespmem:s24+$0x0];
	v8 =	vmax.f32 v8, v23  }
0xec: {  	v29 =	vld [tilespmem:s25+$0x0];
	v8 =	vmax.f32 v8, v24  }
0xed: {  	v30 =	vld [tilespmem:s26+$0x0];
	v8 =	vmax.f32 v8, v25  }
0xee: {  	v31 =	vld [tilespmem:s28+$0x0];
	v8 =	vmax.f32 v8, v26  }
0xef: {  	v32 =	vld [tilespmem:s29+$0x0];
	v8 =	vmax.f32 v8, v27  }
0xf0: {  	v8 =	vmax.f32 v8, v28  }
0xf1: {  	v8 =	vmax.f32 v8, v29  }
0xf2: {  	v8 =	vmax.f32 v8, v30  }
0xf3: {  	s30 =	sshll.u32 s12, $0x9;
	v8 =	vmax.f32 v8, v31  }
0xf4: {  	s0 =	sshra.s32 s30, $0x2;
	v8 =	vmax.f32 v8, v32  }
0xf5: {  	[tilespmem:s0+$0xA200] =	vst v8  }
0xf6: {  	v8 =	vld [tilespmem:$0xA000]  }
0xf7: {  	v33 =	vld [tilespmem:$0xA080]  }
0xf8: {  	v34 =	vld [tilespmem:$0xA100]  }
0xf9: {  	v35 =	vld [tilespmem:$0xA180];
	_ =	sdelay $0x2  }
0xfa: {  	v8 =	vnsel vm5, $0xFF800000, v8  }
0xfb: {  	v9 =	vnsel vm5, $0xFF800000, v33;
	v10 =	vnsel vm5, $0xFF800000, v34;
	v36 =	vperm.xlane v8, v2  }
0xfc: {  	v11 =	vnsel vm5, $0xFF800000, v35;
	v37 =	vperm.xlane v9, v2;
	v38 =	vperm.xlane v10, v2  }
0xfd: {  	v39 =	vperm.xlane v11, v2;
	v8 =	vmax.f32 v8, v36  }
0xfe: {  	v9 =	vmax.f32 v9, v37;
	v10 =	vmax.f32 v10, v38;
	v15 =	vperm.xlane v8, v3  }
0xff: {  	v11 =	vmax.f32 v11, v39;
	v13 =	vperm.xlane v9, v3;
	v12 =	vperm.xlane v10, v3  }
0x100: {  	v14 =	vperm.xlane v11, v3;
	v8 =	vmax.f32 v8, v15  }
0x101: {  	v9 =	vmax.f32 v9, v13;
	v10 =	vmax.f32 v10, v12;
	v15 =	vperm.xlane v8, v4  }
0x102: {  	v40 =	vld [tilespmem:$0xB700];
	v11 =	vmax.f32 v11, v14;
	v13 =	vperm.xlane v9, v4;
	v41 =	vperm.xlane v10, v4  }
0x103: {  	v16 =	vld [tilespmem:$0xB600];
	v42 =	vperm.xlane v11, v4  }
0x104: {  	v43 =	vld [tilespmem:$0xB780];
	v8 =	vmax.f32 v8, v15;
	v9 =	vmax.f32 v9, v13;
	v10 =	vmax.f32 v10, v41  }
0x105: {  	v44 =	vld [tilespmem:$0xB680];
	v11 =	vmax.f32 v11, v42;
	v17 =	vperm.xlane v8, v5;
	v18 =	vperm.xlane v9, v5  }
0x106: {  	v45 =	vperm.xlane v10, v5;
	v19 =	vperm.xlane v11, v5  }
0x107: {  	v8 =	vmax.f32 v8, v17  }
0x108: {  	v9 =	vmax.f32 v9, v18;
	v10 =	vmax.f32 v10, v45;
	v11 =	vmax.f32 v11, v19  }
0x109: {  	v47 =	vld [tilespmem:$0xB800];
	v15 =	vsub.f32 v10, v8;
	v46 =	vsub.f32 v11, v9;
	v12 =	vmin.f32 v40, v10  }
0x10a: {  	v16 =	vmax.f32 v16, v8;
	v13 =	vmin.f32 v43, v11;
	v14 =	vmax.f32 v44, v9  }
0x10b: {  	v12 =	vsub.f32 v12, v16;
	v13 =	vsub.f32 v13, v14  }
0x10c: {  	v48 =	vmul.f32 v46, v15  }
0x10d: {  	v12 =	vmax.f32 v12, $0.0e+00;
	v13 =	vmax.f32 v13, $0.0e+00  }
0x10e: {  	v12 =	vmul.f32 v13, v12;
	v49 =	vadd.f32 v47, v48;
	_ =	sdelay $0x1  }
0x10f: {  	v13 =	vsub.f32 v49, v12;
	_ =	sdelay $0x1  }
0x110: {  	v13 =	vmax.f32 v13, $9.999999710e-10  }
0x111: {  	(erf) = vrcp.f32 v13;
	_ =	sdelay $0x4  }
0x112: {  	v50 =	vld [tilespmem:$0xBA80];
	_ =	sdelay $0x3  }
0x113: {  	v51 =	vpop (erf)  }
0x114: {  	(v2sf) =	vpush v50, $0x0;
	v12 =	vmul.f32 v51, v12;
	_ =	sdelay $0x1  }
0x115: {  	vm6 =	vgt.s32 v50, v6;
	vm5 =	vgt.f32 v12, $6.999999880e-01  }
0x116: {  	vm5 =	vmand vm6, vm5  }
0x117: {  	v52 =	vsel vm5, $0x1, v1  }
0x118: {  	v53 =	vperm.xlane v52, v2;
	_ =	sdelay $0x1  }
0x119: {  	vm5 =	vgt.s32 v52, v53  }
0x11a: {  	v12 =	vsel vm5, v52, v53  }
0x11b: {  	v15 =	vperm.xlane v12, v3;
	_ =	sdelay $0x1  }
0x11c: {  	vm5 =	vgt.s32 v12, v15  }
0x11d: {  	v12 =	vsel vm5, v12, v15  }
0x11e: {  	v15 =	vperm.xlane v12, v4  }
0x11f: {  	v54 =	vnsel vm0, $0x0, v8;
	v55 =	vsel vm1, $0x0, v9  }
0x120: {  	v16 =	vadd.f32 v55, v54;
	s31 =	spop (v2sf);
	vm5 =	vgt.s32 v12, v15  }
0x121: {  	v56 =	vsel vm2, $0x0, v10;
	s0 =	sshll.u32 s31, $0x9;
	v12 =	vsel vm5, v12, v15  }
0x122: {  	s0 =	sshra.s32 s0, $0x2;
	v15 =	vadd.f32 v56, v16;
	v57 =	vperm.xlane v12, v5  }
0x123: {  	v58 =	vsel vm3, $0x0, v11;
	v59 =	vld [tilespmem:s0+$0xAE00]  }
0x124: {  	v15 =	vadd.f32 v58, v15;
	vm5 =	vgt.s32 v12, v57  }
0x125: {  	v12 =	vsel vm5, v12, v57;
	vm5 =	vlt.f32 v7, $2.000000030e-01;
	v7 =	vsel vm4, $0x0, v7  }
0x126: {  	vm6 =	veq.s32 v12, $0x0;
	vm7 =	vmneg vm5;
	v7 =	vadd.f32 v15, v7  }
0x127: {  	vm6 =	vmand vm7, vm6  }
0x128: {  	v7 =	vsel vm6, v7, v59  }
0x129: {  	[tilespmem:s0+$0xAE00] =	vst v7  }
0x12a: {  	v7 =	vld [tilespmem:$0xB600]  }
0x12b: {  	v60 =	vld [tilespmem:$0xB680];
	_ =	sdelay $0x1  }
0x12c: {  	vm7 =	veq.s32 v50, v6;
	v61 =	vld [tilespmem:$0xB700]  }
0x12d: {  	vm7 =	vmand vm7, vm6;
	v62 =	vld [tilespmem:$0xB780]  }
0x12e: {  	v63 =	vld [tilespmem:$0xB800];
	v7 =	vsel vm7, v8, v7  }
0x12f: {  	v8 =	vsel vm6, $0x1, v1;
	[tilespmem:$0xB600] =	vst v7;
	v7 =	vsel vm7, v9, v60  }
0x130: {  	v8 =	vadd.s32 v8, v50;
	[tilespmem:$0xB680] =	vst v7  }
0x131: {  	v7 =	vsel vm7, v10, v61;
	[tilespmem:$0xBA80] =	vst v8  }
0x132: {  	vm6 =	vgt.s32 v8, $0x9;
	[tilespmem:$0xB700] =	vst v7;
	v7 =	vsel vm7, v11, v62  }
0x133: {  	vm5 =	vmor vm5, vm6;
	[tilespmem:$0xB780] =	vst v7;
	v7 =	vsel vm7, v48, v63  }
0x134: {  	[tilespmem:$0xB800] =	vst v7;
	v7 =	vsel vm5, $0x1, v1  }
0x135: {  	[tilespmem:$0xBA00] =	vst v7  }
.LBB2_9:
0x136: {  	s11 =	sadd.s32 $0x1, s11  }
0x137: {  	p0 =	sne.s32 s11, $0x10  }
.Ltmp5:
0x138: {  	_ = 	snop;
	(pc) =	sbr.rel @!p0 .LBB2_10-.Ltmp5, $2  }
0x139: {  	_ =	sdelay $0x2  }
0x13a: {  	s12 =	simm.s32 $0x0  }
.LBB2_5:
0x13b: {  	v7 =	vld [tilespmem:$0xBA00];
	_ =	sdelay $0x4  }
0x13c: {  	(v2sf) =	vpush v7, $0x0;
	_ =	sdelay $0xe  }
0x13d: {  	s0 =	spop (v2sf)  }
0x13e: {  	p0 =	sne.s32 s0, $0x0  }
.Ltmp6:
0x13f: {  	_ = 	snop;
	(pc) =	sbr.rel @p0 .LBB2_9-.Ltmp6, $1  }
0x140: {  	_ =	sdelay $0x3  }
0x141: {  	s0 =	simm.s32 $0xA300  }
0x142: {  	v7 =	vld [tilespmem:s0+$0xFFFFFF00];
	_ =	sdelay $0x2  }
0x143: {  	v9 =	vld [tilespmem:s0+$0xFFFFFF80]  }
0x144: {  	v8 =	vimm.f32 $-Inf  }
0x145: {  	v10 =	vld [tilespmem:s0+$0x0];
	vm5 =	vgt.f32 v7, v8  }
0x146: {  	s12 =	simm.s32 $0x0;
	v7 =	vsel vm5, v7, v8;
	v8 =	vimm.s32 $0x0  }
0x147: {  	v11 =	vsel vm5, s12, v8;
	v8 =	vld [tilespmem:s0+$0x80]  }
0x148: {  	vm6 =	vgt.f32 v9, v7  }
0x149: {  	s1 =	simm.s32 $0x1;
	v12 =	vsel vm6, v9, v7;
	v7 =	vld [tilespmem:s0+$0x100]  }
0x14a: {  	s3 =	simm.s32 $0x2;
	v13 =	vsel vm6, s1, v11;
	s0 =	simm.s32 $0xA580;
	vm5 =	vgt.f32 v10, v12  }
0x14b: {  	s13 =	simm.s32 $0x5;
	s1 =	simm.s32 $0xA;
	v9 =	vld [tilespmem:s0+$0xFFFFFF00];
	v11 =	vsel vm5, v10, v12;
	v10 =	vsel vm5, s3, v13  }
.LBB2_7:
0x14c: {  	p0 =	slt.u32 s1, $0xF;
	vm5 =	vgt.f32 v8, v11;
	s3 =	sadd.s32 $0x3, s12  }
0x14d: {  	v12 =	vld [tilespmem:s0+$0xFFFFFF80];
	v8 =	vsel vm5, v8, v11;
	v10 =	vsel vm5, s3, v10  }
0x14e: {  	s3 =	sadd.s32 $0x4, s12;
	s12 =	smov.u32 s13;
	s13 =	smov.u32 s1;
	vm5 =	vgt.f32 v7, v8  }
0x14f: {  	v11 =	vld [tilespmem:s0+$0x0];
	v7 =	vsel vm5, v7, v8;
	v8 =	vsel vm5, s3, v10  }
0x150: {  	vm5 =	vgt.f32 v9, v7  }
.Ltmp7:
0x151: {  	v7 =	vsel vm5, v9, v7;
	v9 =	vsel vm5, s12, v8;
	v8 =	vld [tilespmem:s0+$0x80];
	(pc) =	sbr.rel @p0 .LBB2_7-.Ltmp7, $4  }
0x152: {  	s3 =	sadd.s32 $0x1, s12;
	vm5 =	vgt.f32 v12, v7  }
0x153: {  	v10 =	vsel vm5, v12, v7;
	v12 =	vsel vm5, s3, v9;
	v7 =	vld [tilespmem:s0+$0x100]  }
0x154: {  	s3 =	sadd.s32 $0x2, s12;
	s0 =	sadd.s32 $0x280, s0;
	vm5 =	vgt.f32 v11, v10  }
0x155: {  	s1 =	sadd.s32 $0x5, s1;
	v9 =	vld [tilespmem:s0+$0xFFFFFF00];
	v11 =	vsel vm5, v11, v10;
	v10 =	vsel vm5, s3, v12  }
.Ltmp8:
0x156: {  	_ = 	snop;
	(pc) =	sbr.rel .LBB2_8-.Ltmp8, $1  }
0x157: {  	_ =	sdelay $0x3  }
.LBB2_16:
0x158: {  	s12 =	sadd.s32 $0x1, s12  }
0x159: {  	p0 =	sne.s32 s12, $0x14  }
.Ltmp9:
0x15a: {  	_ = 	snop;
	(pc) =	sbr.rel @!p0 .LBB2_17-.Ltmp9, $1  }
0x15b: {  	_ =	sdelay $0x3  }
.LBB2_10:
0x15c: {  	(v2sf) =	vpush v7, $0x0;
	_ =	sdelay $0xe  }
0x15d: {  	s0 =	spop (v2sf)  }
0x15e: {  	p0 =	sne.s32 s0, $0x0  }
.Ltmp10:
0x15f: {  	_ = 	snop;
	(pc) =	sbr.rel @p0 .LBB2_16-.Ltmp10, $4  }
.Ltmp11:
0x160: {  	_ = 	snop;
	(pc) =	sbr.rel @!p0 .LBB2_11-.Ltmp11, $4  }
0x161: {  	_ = 	snop  }
0x162: {  	_ = 	snop  }
0x163: {  	s11 =	simm.s32 $0x0  }
0x164: {  	_ = 	snop  }
.LBB2_15:
0x165: {  	s11 =	sadd.s32 $0x1, s11  }
0x166: {  	p0 =	sne.s32 s11, $0x100  }
.Ltmp12:
0x167: {  	_ = 	snop;
	(pc) =	sbr.rel @!p0 .LBB2_16-.Ltmp12, $1  }
0x168: {  	_ =	sdelay $0x3  }
.LBB2_11:
0x169: {  	(v2sf) =	vpush v7, $0x0;
	_ =	sdelay $0xe  }
0x16a: {  	s0 =	spop (v2sf)  }
0x16b: {  	p0 =	sne.s32 s0, $0x0  }
.Ltmp13:
0x16c: {  	_ = 	snop;
	(pc) =	sbr.rel @p0 .LBB2_15-.Ltmp13, $1  }
0x16d: {  	_ =	sdelay $0x3  }
0x16e: {  	s0 =	simm.s32 $0xA300  }
0x16f: {  	v7 =	vld [tilespmem:s0+$0xFFFFFF00];
	_ =	sdelay $0x2  }
0x170: {  	v9 =	vld [tilespmem:s0+$0xFFFFFF80]  }
0x171: {  	v8 =	vimm.f32 $-Inf  }
0x172: {  	v10 =	vld [tilespmem:s0+$0x0];
	vm5 =	vgt.f32 v7, v8  }
0x173: {  	s13 =	simm.s32 $0x0;
	v7 =	vsel vm5, v7, v8;
	v8 =	vimm.s32 $0x0  }
0x174: {  	v11 =	vsel vm5, s13, v8;
	v8 =	vld [tilespmem:s0+$0x80]  }
0x175: {  	vm6 =	vgt.f32 v9, v7  }
0x176: {  	s1 =	simm.s32 $0x1;
	v12 =	vsel vm6, v9, v7;
	v7 =	vld [tilespmem:s0+$0x100]  }
0x177: {  	s2 =	simm.s32 $0x2;
	v13 =	vsel vm6, s1, v11;
	s0 =	simm.s32 $0xA580;
	vm5 =	vgt.f32 v10, v12  }
0x178: {  	s14 =	simm.s32 $0x5;
	s1 =	simm.s32 $0xA;
	v9 =	vld [tilespmem:s0+$0xFFFFFF00];
	v11 =	vsel vm5, v10, v12;
	v10 =	vsel vm5, s2, v13  }
.LBB2_13:
0x179: {  	p0 =	slt.u32 s1, $0xF;
	vm5 =	vgt.f32 v8, v11;
	s2 =	sadd.s32 $0x3, s13  }
0x17a: {  	v12 =	vld [tilespmem:s0+$0xFFFFFF80];
	v8 =	vsel vm5, v8, v11;
	v10 =	vsel vm5, s2, v10  }
0x17b: {  	s2 =	sadd.s32 $0x4, s13;
	s13 =	smov.u32 s14;
	s14 =	smov.u32 s1;
	vm5 =	vgt.f32 v7, v8  }
0x17c: {  	v11 =	vld [tilespmem:s0+$0x0];
	v7 =	vsel vm5, v7, v8;
	v8 =	vsel vm5, s2, v10  }
0x17d: {  	vm5 =	vgt.f32 v9, v7  }
.Ltmp14:
0x17e: {  	v7 =	vsel vm5, v9, v7;
	v9 =	vsel vm5, s13, v8;
	v8 =	vld [tilespmem:s0+$0x80];
	(pc) =	sbr.rel @p0 .LBB2_13-.Ltmp14, $4  }
0x17f: {  	s2 =	sadd.s32 $0x1, s13;
	vm5 =	vgt.f32 v12, v7  }
0x180: {  	v10 =	vsel vm5, v12, v7;
	v12 =	vsel vm5, s2, v9;
	v7 =	vld [tilespmem:s0+$0x100]  }
0x181: {  	s2 =	sadd.s32 $0x2, s13;
	s0 =	sadd.s32 $0x280, s0;
	vm5 =	vgt.f32 v11, v10  }
0x182: {  	s1 =	sadd.s32 $0x5, s1;
	v9 =	vld [tilespmem:s0+$0xFFFFFF00];
	v11 =	vsel vm5, v11, v10;
	v10 =	vsel vm5, s2, v12  }
0x183: {  	vm5 =	vgt.f32 v8, v11  }
0x184: {  	v12 =	vld [tilespmem:s0+$0xFFFFFF80];
	v8 =	vsel vm5, v8, v11  }
0x185: {  	vm6 =	vgt.f32 v7, v8  }
0x186: {  	v32 =	vld [tilespmem:s0+$0x0];
	v7 =	vsel vm6, v7, v8  }
0x187: {  	vm7 =	vgt.f32 v9, v7  }
0x188: {  	v8 =	vld [tilespmem:s0+$0x80];
	v7 =	vsel vm7, v9, v7  }
0x189: {  	vm8 =	vgt.f32 v12, v7  }
0x18a: {  	v33 =	vld [tilespmem:s0+$0x100];
	v7 =	vsel vm8, v12, v7  }
0x18b: {  	vm9 =	vgt.f32 v32, v7  }
0x18c: {  	v7 =	vsel vm9, v32, v7  }
0x18d: {  	vm10 =	vgt.f32 v8, v7  }
0x18e: {  	v7 =	vsel vm10, v8, v7  }
0x18f: {  	vm11 =	vgt.f32 v33, v7  }
0x190: {  	v8 =	vsel vm11, v33, v7  }
0x191: {  	v7 =	vperm.xlane v8, v2;
	_ =	sdelay $0x1  }
0x192: {  	v7 =	vmax.f32 v8, v7  }
0x193: {  	v34 =	vperm.xlane v7, v3;
	_ =	sdelay $0x1  }
0x194: {  	s18 =	sadd.s32 $0x3, s13;
	v7 =	vmax.f32 v7, v34  }
0x195: {  	s19 =	sadd.s32 $0x4, s13;
	v35 =	vsel vm5, s18, v10;
	v36 =	vperm.xlane v7, v4  }
0x196: {  	v9 =	vsel vm6, s19, v35  }
0x197: {  	s20 =	sadd.s32 $0x1, s14;
	v9 =	vsel vm7, s14, v9;
	v7 =	vmax.f32 v7, v36  }
0x198: {  	s21 =	sadd.s32 $0x2, s14;
	v9 =	vsel vm8, s20, v9;
	v10 =	vperm.xlane v7, v5  }
0x199: {  	s22 =	sadd.s32 $0x3, s14;
	v9 =	vsel vm9, s21, v9  }
0x19a: {  	s23 =	sadd.s32 $0x4, s14;
	v9 =	vsel vm10, s22, v9;
	v7 =	vmax.f32 v7, v10  }
0x19b: {  	v9 =	vsel vm11, s23, v9;
	vm5 =	veq.f32 v8, v7  }
0x19c: {  	v8 =	vnsel vm5, $0x40000000, v9  }
0x19d: {  	v9 =	vperm.xlane v8, v2;
	_ =	sdelay $0x1  }
0x19e: {  	vm5 =	vlt.s32 v8, v9  }
0x19f: {  	v8 =	vsel vm5, v8, v9  }
0x1a0: {  	v9 =	vperm.xlane v8, v3;
	_ =	sdelay $0x1  }
0x1a1: {  	vm5 =	vlt.s32 v8, v9  }
0x1a2: {  	v8 =	vsel vm5, v8, v9  }
0x1a3: {  	v9 =	vperm.xlane v8, v4;
	_ =	sdelay $0x1  }
0x1a4: {  	vm5 =	vlt.s32 v8, v9  }
0x1a5: {  	v8 =	vsel vm5, v8, v9  }
0x1a6: {  	v9 =	vperm.xlane v8, v5;
	_ =	sdelay $0x1  }
0x1a7: {  	vm5 =	vlt.s32 v8, v9  }
0x1a8: {  	v8 =	vsel vm5, v8, v9  }
0x1a9: {  	(v2sf) =	vpush v8, $0x0;
	_ =	sdelay $0xe  }
0x1aa: {  	s13 =	spop (v2sf)  }
0x1ab: {  	s24 =	sshll.u32 s13, $0xD  }
0x1ac: {  	s29 =	sshll.u32 s13, $0x4;
	s14 =	sshra.s32 s24, $0x2  }
0x1ad: {  	s2 =	sor.u32 $0x1, s29;
	v8 =	vld [tilespmem:s14+$0x0]  }
0x1ae: {  	s25 =	sshll.u32 s2, $0x9  }
0x1af: {  	s28 =	sor.u32 $0x2, s29;
	s15 =	sshra.s32 s25, $0x2  }
0x1b0: {  	s26 =	sshll.u32 s28, $0x9;
	v37 =	vld [tilespmem:s15+$0x0]  }
0x1b1: {  	s16 =	sshra.s32 s26, $0x2;
	s26 =	sor.u32 $0x3, s29  }
0x1b2: {  	v38 =	vld [tilespmem:s16+$0x0];
	s30 =	sshll.u32 s26, $0x9;
	vm5 =	vlt.f32 v8, $-Inf;
	vm6 =	vgt.f32 v8, $-Inf  }
0x1b3: {  	s0 =	sor.u32 $0x4, s29;
	s17 =	sshra.s32 s30, $0x2;
	vm7 =	vmor vm6, vm5  }
0x1b4: {  	s1 =	sshll.u32 s0, $0x9;
	v39 =	vld [tilespmem:s17+$0x0];
	v8 =	vnsel vm7, $0xFF800000, v8  }
0x1b5: {  	s18 =	sshra.s32 s1, $0x2;
	s1 =	sor.u32 $0x5, s29;
	vm8 =	vgt.f32 v37, v8  }
0x1b6: {  	v40 =	vld [tilespmem:s18+$0x0];
	s3 =	sshll.u32 s1, $0x9;
	v8 =	vsel vm8, v37, v8  }
0x1b7: {  	s19 =	sshra.s32 s3, $0x2;
	s30 =	sor.u32 $0x6, s29;
	vm9 =	vgt.f32 v38, v8  }
0x1b8: {  	v41 =	vld [tilespmem:s19+$0x0];
	s31 =	sshll.u32 s30, $0x9;
	v8 =	vsel vm9, v38, v8  }
0x1b9: {  	s20 =	sshra.s32 s31, $0x2;
	s31 =	sor.u32 $0x7, s29;
	vm5 =	vgt.f32 v39, v8  }
0x1ba: {  	v42 =	vld [tilespmem:s20+$0x0];
	s5 =	sshll.u32 s31, $0x9;
	v8 =	vsel vm5, v39, v8  }
0x1bb: {  	s9 =	sor.u32 $0x8, s29;
	s21 =	sshra.s32 s5, $0x2;
	vm10 =	vgt.f32 v40, v8  }
0x1bc: {  	s6 =	sshll.u32 s9, $0x9;
	v43 =	vld [tilespmem:s21+$0x0];
	v8 =	vsel vm10, v40, v8  }
0x1bd: {  	s22 =	sshra.s32 s6, $0x2;
	s3 =	sor.u32 $0x9, s29;
	vm11 =	vgt.f32 v41, v8  }
0x1be: {  	v44 =	vld [tilespmem:s22+$0x0];
	s5 =	sshll.u32 s3, $0x9;
	v8 =	vsel vm11, v41, v8  }
0x1bf: {  	s23 =	sshra.s32 s5, $0x2;
	s5 =	sor.u32 $0xA, s29;
	vm12 =	vgt.f32 v42, v8  }
0x1c0: {  	v45 =	vld [tilespmem:s23+$0x0];
	s6 =	sshll.u32 s5, $0x9;
	v8 =	vsel vm12, v42, v8  }
0x1c1: {  	s24 =	sshra.s32 s6, $0x2;
	s6 =	sor.u32 $0xB, s29;
	vm6 =	vgt.f32 v43, v8  }
0x1c2: {  	s10 =	sshll.u32 s13, $0x8;
	v46 =	vld [tilespmem:s24+$0x0];
	s25 =	sshll.u32 s6, $0x9;
	v8 =	vsel vm6, v43, v8  }
0x1c3: {  	v47 =	vor.u32 s10, v6;
	s10 =	sor.u32 $0xC, s29;
	s2 =	sshll.u32 s2, $0x4;
	s25 =	sshra.s32 s25, $0x2;
	vm13 =	vgt.f32 v44, v8  }
0x1c4: {  	s8 =	sshll.u32 s10, $0x9;
	v13 =	vor.u32 s2, v6;
	s2 =	sshll.u32 s28, $0x4;
	v12 =	vnsel vm7, $0x0, v47;
	v48 =	vld [tilespmem:s25+$0x0];
	v8 =	vsel vm13, v44, v8  }
0x1c5: {  	v49 =	vor.u32 s2, v6;
	s2 =	sshll.u32 s26, $0x4;
	s26 =	sshra.s32 s8, $0x2;
	s8 =	sor.u32 $0xD, s29;
	v12 =	vsel vm8, v13, v12;
	vm7 =	vgt.f32 v45, v8  }
0x1c6: {  	s0 =	sshll.u32 s0, $0x4;
	v50 =	vor.u32 s2, v6;
	v51 =	vld [tilespmem:s26+$0x0];
	s28 =	sshll.u32 s8, $0x9;
	v12 =	vsel vm9, v49, v12;
	v8 =	vsel vm7, v45, v8  }
0x1c7: {  	v14 =	vor.u32 s0, v6;
	s0 =	sshll.u32 s1, $0x4;
	s1 =	sor.u32 $0xE, s29;
	s28 =	sshra.s32 s28, $0x2;
	v12 =	vsel vm5, v50, v12;
	vm5 =	vgt.f32 v46, v8  }
0x1c8: {  	v52 =	vor.u32 s0, v6;
	v53 =	vld [tilespmem:s28+$0x0];
	s29 =	sshll.u32 s30, $0x4;
	s30 =	sshll.u32 s1, $0x9;
	v12 =	vsel vm10, v14, v12;
	v8 =	vsel vm5, v46, v8  }
0x1c9: {  	s2 =	sshllo.u32 s13, $0x4;
	s31 =	sshll.u32 s31, $0x4;
	v54 =	vor.u32 s29, v6;
	s29 =	sshra.s32 s30, $0x2;
	v12 =	vsel vm11, v52, v12;
	vm15 =	vgt.f32 v48, v8  }
0x1ca: {  	v55 =	vor.u32 s31, v6;
	s31 =	sshll.u32 s2, $0x9;
	s30 =	sshll.u32 s9, $0x4;
	v56 =	vld [tilespmem:s29+$0x0];
	v12 =	vsel vm12, v54, v12;
	v8 =	vsel vm15, v48, v8  }
0x1cb: {  	s3 =	sshll.u32 s3, $0x4;
	v57 =	vor.u32 s30, v6;
	s30 =	sshra.s32 s31, $0x2;
	v12 =	vsel vm6, v55, v12;
	vm6 =	vgt.f32 v51, v8  }
0x1cc: {  	v58 =	vor.u32 s3, v6;
	s5 =	sshll.u32 s5, $0x4;
	v59 =	vld [tilespmem:s30+$0x0];
	v12 =	vsel vm13, v57, v12;
	v8 =	vsel vm6, v51, v8  }
0x1cd: {  	v60 =	vor.u32 s5, v6;
	s9 =	sshll.u32 s6, $0x4;
	v12 =	vsel vm7, v58, v12;
	vm7 =	vgt.f32 v53, v8  }
0x1ce: {  	s10 =	sshll.u32 s10, $0x4;
	v61 =	vor.u32 s9, v6;
	v12 =	vsel vm5, v60, v12;
	v8 =	vsel vm7, v53, v8  }
0x1cf: {  	v62 =	vor.u32 s10, v6;
	s31 =	sshll.u32 s8, $0x4;
	v12 =	vsel vm15, v61, v12;
	vm5 =	vgt.f32 v56, v8  }
0x1d0: {  	s1 =	sshll.u32 s1, $0x4;
	v63 =	vor.u32 s31, v6;
	v9 =	vsel vm6, v62, v12;
	v8 =	vsel vm5, v56, v8  }
0x1d1: {  	s3 =	sshll.u32 s2, $0x4;
	v15 =	vor.u32 s1, v6;
	v9 =	vsel vm7, v63, v9;
	vm6 =	vgt.f32 v59, v8  }
0x1d2: {  	v16 =	vor.u32 s3, v6;
	v9 =	vsel vm5, v15, v9;
	v8 =	vsel vm6, v59, v8  }
0x1d3: {  	v9 =	vsel vm6, v16, v9;
	vm5 =	veq.f32 v8, v7  }
0x1d4: {  	v8 =	vnsel vm5, $0x40000000, v9  }
0x1d5: {  	v9 =	vperm.xlane v8, v2;
	_ =	sdelay $0x1  }
0x1d6: {  	vm5 =	vlt.s32 v8, v9  }
0x1d7: {  	v8 =	vsel vm5, v8, v9  }
0x1d8: {  	v9 =	vperm.xlane v8, v3;
	_ =	sdelay $0x1  }
0x1d9: {  	vm5 =	vlt.s32 v8, v9  }
0x1da: {  	v8 =	vsel vm5, v8, v9  }
0x1db: {  	v9 =	vperm.xlane v8, v4;
	_ =	sdelay $0x1  }
0x1dc: {  	vm5 =	vlt.s32 v8, v9  }
0x1dd: {  	v8 =	vsel vm5, v8, v9  }
0x1de: {  	v9 =	vperm.xlane v8, v5;
	_ =	sdelay $0x1  }
0x1df: {  	vm5 =	vlt.s32 v8, v9  }
0x1e0: {  	v8 =	vsel vm5, v8, v9  }
0x1e1: {  	(v2sf) =	vpush v8, $0x0;
	_ =	sdelay $0xe  }
0x1e2: {  	s5 =	spop (v2sf)  }
0x1e3: {  	s6 =	sshll.u32 s5, $0x5  }
0x1e4: {  	s1 =	sshra.s32 s6, $0x2  }
0x1e5: {  	s1 =	sand.u32 $0xFFFFFF80, s1  }
0x1e6: {  	v8 =	vld [tilespmem:s1+$0x0];
	_ =	sdelay $0x1  }
0x1e7: {  	s8 =	sand.u32 $0xF, s5  }
0x1e8: {  	v17 =	vmov s8  }
0x1e9: {  	s0 =	sshll.u32 s5, $0x2;
	vm5 =	veq.s32 v17, v6  }
0x1ea: {  	s0 =	sand.u32 $0x1FFFFFC0, s0;
	v8 =	vsel vm5, $0xFF800000, v8  }
0x1eb: {  	s10 =	simm.s32 $0xA000;
	s9 =	simm.s32 $0x0;
	s0 =	sadd.s32 s4, s0;
	[tilespmem:s1+$0x0] =	vst v8  }
0x1ec: {  	[tilespmem:s10], [sflag:$0x1] =	stream.linear.gather [hbm4b:s0+s9], $0x200, $0x38;
	[tilespmem:$0xBB00] =	vst v63  }
0x1ed: {  	_ =	swait.ge [sflag:s7], $0x200  }
0x1ee: {  	[sflag:s7] =	ssyncset.done $0x0  }
0x1ef: {  	[sflag:s7] =	ssyncadd.s32 $0xFFFFFE00  }
0x1f0: {  	v8 =	vld [tilespmem:s14+$0x0]  }
0x1f1: {  	v18 =	vld [tilespmem:s15+$0x0]  }
0x1f2: {  	v19 =	vld [tilespmem:s16+$0x0]  }
0x1f3: {  	v20 =	vld [tilespmem:s17+$0x0]  }
0x1f4: {  	v21 =	vld [tilespmem:s18+$0x0]  }
0x1f5: {  	v22 =	vld [tilespmem:s19+$0x0]  }
0x1f6: {  	v23 =	vld [tilespmem:s20+$0x0];
	v8 =	vmax.f32 v8, v18  }
0x1f7: {  	v24 =	vld [tilespmem:s21+$0x0];
	v8 =	vmax.f32 v8, v19  }
0x1f8: {  	v25 =	vld [tilespmem:s22+$0x0];
	v8 =	vmax.f32 v8, v20  }
0x1f9: {  	v26 =	vld [tilespmem:s23+$0x0];
	v8 =	vmax.f32 v8, v21  }
0x1fa: {  	v27 =	vld [tilespmem:s24+$0x0];
	v8 =	vmax.f32 v8, v22  }
0x1fb: {  	v28 =	vld [tilespmem:s25+$0x0];
	v8 =	vmax.f32 v8, v23  }
0x1fc: {  	v29 =	vld [tilespmem:s26+$0x0];
	v8 =	vmax.f32 v8, v24  }
0x1fd: {  	v30 =	vld [tilespmem:s28+$0x0];
	v8 =	vmax.f32 v8, v25  }
0x1fe: {  	v31 =	vld [tilespmem:s29+$0x0];
	v8 =	vmax.f32 v8, v26  }
0x1ff: {  	v32 =	vld [tilespmem:s30+$0x0];
	v8 =	vmax.f32 v8, v27  }
0x200: {  	v8 =	vmax.f32 v8, v28  }
0x201: {  	v8 =	vmax.f32 v8, v29  }
0x202: {  	v8 =	vmax.f32 v8, v30  }
0x203: {  	s30 =	sshll.u32 s13, $0x9;
	v8 =	vmax.f32 v8, v31  }
0x204: {  	s0 =	sshra.s32 s30, $0x2;
	v8 =	vmax.f32 v8, v32  }
0x205: {  	[tilespmem:s0+$0xA200] =	vst v8  }
0x206: {  	v8 =	vld [tilespmem:$0xA000]  }
0x207: {  	v33 =	vld [tilespmem:$0xA080]  }
0x208: {  	v34 =	vld [tilespmem:$0xA100]  }
0x209: {  	v35 =	vld [tilespmem:$0xA180];
	_ =	sdelay $0x2  }
0x20a: {  	v8 =	vnsel vm5, $0xFF800000, v8  }
0x20b: {  	v9 =	vnsel vm5, $0xFF800000, v33;
	v10 =	vnsel vm5, $0xFF800000, v34;
	v36 =	vperm.xlane v8, v2  }
0x20c: {  	v11 =	vnsel vm5, $0xFF800000, v35;
	v37 =	vperm.xlane v9, v2;
	v38 =	vperm.xlane v10, v2  }
0x20d: {  	v39 =	vperm.xlane v11, v2;
	v8 =	vmax.f32 v8, v36  }
0x20e: {  	v9 =	vmax.f32 v9, v37;
	v10 =	vmax.f32 v10, v38;
	v15 =	vperm.xlane v8, v3  }
0x20f: {  	v11 =	vmax.f32 v11, v39;
	v13 =	vperm.xlane v9, v3;
	v12 =	vperm.xlane v10, v3  }
0x210: {  	v14 =	vperm.xlane v11, v3;
	v8 =	vmax.f32 v8, v15  }
0x211: {  	v9 =	vmax.f32 v9, v13;
	v10 =	vmax.f32 v10, v12;
	v15 =	vperm.xlane v8, v4  }
0x212: {  	v40 =	vld [tilespmem:$0xB700];
	v11 =	vmax.f32 v11, v14;
	v13 =	vperm.xlane v9, v4;
	v41 =	vperm.xlane v10, v4  }
0x213: {  	v16 =	vld [tilespmem:$0xB600];
	v42 =	vperm.xlane v11, v4  }
0x214: {  	v43 =	vld [tilespmem:$0xB780];
	v8 =	vmax.f32 v8, v15;
	v9 =	vmax.f32 v9, v13;
	v10 =	vmax.f32 v10, v41  }
0x215: {  	v44 =	vld [tilespmem:$0xB680];
	v11 =	vmax.f32 v11, v42;
	v17 =	vperm.xlane v8, v5;
	v18 =	vperm.xlane v9, v5  }
0x216: {  	v45 =	vperm.xlane v10, v5;
	v19 =	vperm.xlane v11, v5  }
0x217: {  	v8 =	vmax.f32 v8, v17  }
0x218: {  	v9 =	vmax.f32 v9, v18;
	v10 =	vmax.f32 v10, v45;
	v11 =	vmax.f32 v11, v19  }
0x219: {  	v47 =	vld [tilespmem:$0xB800];
	v15 =	vsub.f32 v10, v8;
	v46 =	vsub.f32 v11, v9;
	v12 =	vmin.f32 v40, v10  }
0x21a: {  	v16 =	vmax.f32 v16, v8;
	v13 =	vmin.f32 v43, v11;
	v14 =	vmax.f32 v44, v9  }
0x21b: {  	v12 =	vsub.f32 v12, v16;
	v13 =	vsub.f32 v13, v14  }
0x21c: {  	v48 =	vmul.f32 v46, v15  }
0x21d: {  	v12 =	vmax.f32 v12, $0.0e+00;
	v13 =	vmax.f32 v13, $0.0e+00  }
0x21e: {  	v12 =	vmul.f32 v13, v12;
	v49 =	vadd.f32 v47, v48;
	_ =	sdelay $0x1  }
0x21f: {  	v13 =	vsub.f32 v49, v12;
	_ =	sdelay $0x1  }
0x220: {  	v13 =	vmax.f32 v13, $9.999999710e-10  }
0x221: {  	(erf) = vrcp.f32 v13;
	_ =	sdelay $0x4  }
0x222: {  	v50 =	vld [tilespmem:$0xBA80];
	_ =	sdelay $0x3  }
0x223: {  	v51 =	vpop (erf)  }
0x224: {  	(v2sf) =	vpush v50, $0x0;
	v12 =	vmul.f32 v51, v12;
	_ =	sdelay $0x1  }
0x225: {  	vm6 =	vgt.s32 v50, v6;
	vm5 =	vgt.f32 v12, $6.999999880e-01  }
0x226: {  	vm5 =	vmand vm6, vm5  }
0x227: {  	v52 =	vsel vm5, $0x1, v1  }
0x228: {  	v53 =	vperm.xlane v52, v2;
	_ =	sdelay $0x1  }
0x229: {  	vm5 =	vgt.s32 v52, v53  }
0x22a: {  	v12 =	vsel vm5, v52, v53  }
0x22b: {  	v15 =	vperm.xlane v12, v3;
	_ =	sdelay $0x1  }
0x22c: {  	vm5 =	vgt.s32 v12, v15  }
0x22d: {  	v12 =	vsel vm5, v12, v15  }
0x22e: {  	v15 =	vperm.xlane v12, v4  }
0x22f: {  	v54 =	vnsel vm0, $0x0, v8;
	v55 =	vsel vm1, $0x0, v9  }
0x230: {  	v16 =	vadd.f32 v55, v54;
	s31 =	spop (v2sf);
	vm5 =	vgt.s32 v12, v15  }
0x231: {  	v56 =	vsel vm2, $0x0, v10;
	s0 =	sshll.u32 s31, $0x9;
	v12 =	vsel vm5, v12, v15  }
0x232: {  	s0 =	sshra.s32 s0, $0x2;
	v15 =	vadd.f32 v56, v16;
	v57 =	vperm.xlane v12, v5  }
0x233: {  	v58 =	vsel vm3, $0x0, v11;
	v59 =	vld [tilespmem:s0+$0xAE00]  }
0x234: {  	v15 =	vadd.f32 v58, v15;
	vm5 =	vgt.s32 v12, v57  }
0x235: {  	v12 =	vsel vm5, v12, v57;
	vm5 =	vlt.f32 v7, $2.000000030e-01;
	v7 =	vsel vm4, $0x0, v7  }
0x236: {  	vm6 =	veq.s32 v12, $0x0;
	vm7 =	vmneg vm5;
	v7 =	vadd.f32 v15, v7  }
0x237: {  	vm6 =	vmand vm7, vm6  }
0x238: {  	v7 =	vsel vm6, v7, v59  }
0x239: {  	[tilespmem:s0+$0xAE00] =	vst v7  }
0x23a: {  	v7 =	vld [tilespmem:$0xB600]  }
0x23b: {  	v60 =	vld [tilespmem:$0xB680];
	_ =	sdelay $0x1  }
0x23c: {  	vm7 =	veq.s32 v50, v6;
	v61 =	vld [tilespmem:$0xB700]  }
0x23d: {  	vm7 =	vmand vm7, vm6;
	v62 =	vld [tilespmem:$0xB780]  }
0x23e: {  	v63 =	vld [tilespmem:$0xB800];
	v7 =	vsel vm7, v8, v7  }
0x23f: {  	v8 =	vsel vm6, $0x1, v1;
	[tilespmem:$0xB600] =	vst v7;
	v7 =	vsel vm7, v9, v60  }
0x240: {  	v8 =	vadd.s32 v8, v50;
	[tilespmem:$0xB680] =	vst v7  }
.Ltmp15:
0x241: {  	v7 =	vsel vm7, v10, v61;
	[tilespmem:$0xBA80] =	vst v8;
	(pc) =	sbr.rel .LBB2_15-.Ltmp15, $4  }
0x242: {  	vm6 =	vgt.s32 v8, $0x9;
	[tilespmem:$0xB700] =	vst v7;
	v7 =	vsel vm7, v11, v62  }
0x243: {  	vm5 =	vmor vm5, vm6;
	[tilespmem:$0xB780] =	vst v7;
	v7 =	vsel vm7, v48, v63  }
0x244: {  	[tilespmem:$0xB800] =	vst v7;
	v7 =	vsel vm5, $0x1, v1  }
0x245: {  	[tilespmem:$0xBA00] =	vst v7  }
.Lfunc_end2:
_tile_overlayer_lowered:
.L_overlay_start_2:
0x246: {  	(tag) =	ssettag $0x2  }
0x247: {  	s0 =	rddreg [dreg:$0x0];
	s2 =	stileid.u32  }
0x248: {  	s1 =	rddreg [dreg:$0x1];
	p0 =	sne.s32 s2, $0x0  }
0x249: {  	s3 =	rddreg [dreg:$0x2];
	[bflag:$0x3] =	sbarrier.arrive $0xFFFF;
	s2 =	simm.s32 @!p0 $0x1C01  }
0x24a: {  	[timem:s3], [sflag:s2] =	dma.local @!p0 [hbm:s0], s1  }
0x24b: {  	s0 =	simm.s32 @!p0 $0x1  }
0x24c: {  	_ =	swait.ge @!p0 [sflag:s0], s1  }
0x24d: {  	s1 =	ssub.s32 @!p0 $0x0, s1;
	[sflag:s0] =	ssyncset.done @!p0 $0x0  }
0x24e: {  	[sflag:s0] =	ssyncadd.s32 @!p0 s1  }
0x24f: {  	[bflag:$0x3] =	sbarrier.arrive $0xFFFF  }
0x250: {  	_ =	shalt  }

</sc_bundles>
